<compile_context>
chip_gen: v7x
topology: tpu7x:2x2x1
jax: 0.10.2.dev20260603
libtpu: 0.0.44.dev20260713+nightly
codegen_flags: <defaults>
</compile_context>

<pallas_src>
import functools

import jax
import jax.numpy as jnp
from jax import lax
from jax.experimental import pallas as pl
from jax.experimental.pallas import tpu as pltpu
from jax.experimental.pallas import tpu_sc as plsc

_DIM = 1024
_ROWS = 8192
_SCALE = _DIM ** (-0.5)

_NC = 2
_NS = 16
_L = 16
_NW = _NC * _NS

_ROWS_PER_W = _ROWS // _NW
_CHUNK_ROWS = 16
_NCHUNKS = _ROWS_PER_W // _CHUNK_ROWS
_VECS_PER_ROW = _DIM // _L

_mesh = plsc.VectorSubcoreMesh(core_axis_name="c", subcore_axis_name="s")


_NBUF = 7
_PF = _NBUF - 1


@functools.partial(
    pl.kernel,
    mesh=_mesh,
    out_type=jax.ShapeDtypeStruct((_ROWS, _DIM), jnp.float32),
    scratch_types=[
        pltpu.VMEM((_NBUF, _CHUNK_ROWS, _DIM), jnp.float32),
        pltpu.SemaphoreType.DMA((_NBUF,)),
        pltpu.SemaphoreType.DMA((_NBUF,)),
    ],
    compiler_params=pltpu.CompilerParams(
        use_tc_tiling_on_sc=True,
        disable_bounds_checks=True,
        disable_semaphore_checks=True,
    ),
)
def _scale_sc(emb_hbm, out_hbm, buf, in_sems, out_sems):
    wid = lax.axis_index("s") * _NC + lax.axis_index("c")
    row0 = wid * _ROWS_PER_W

    def in_copy(g, b):
        return pltpu.make_async_copy(
            emb_hbm.at[pl.ds(row0 + g * _CHUNK_ROWS, _CHUNK_ROWS)],
            buf.at[b], in_sems.at[b])

    def out_copy(g, b):
        return pltpu.make_async_copy(
            buf.at[b],
            out_hbm.at[pl.ds(row0 + g * _CHUNK_ROWS, _CHUNK_ROWS)],
            out_sems.at[b])

    for p in range(_PF):
        in_copy(p, p).start()

    def chunk_body(g, carry):
        b = g % _NBUF
        in_copy(g, b).wait()

        @pl.when(g + _PF < _NCHUNKS)
        def _prefetch():
            b2 = (g + _PF) % _NBUF

            @pl.when(g >= _NBUF - _PF)
            def _drain():
                out_copy(g + _PF - _NBUF, b2).wait()

            in_copy(g + _PF, b2).start()

        @plsc.parallel_loop(0, _CHUNK_ROWS, step=1, unroll=4)
        def scale_row(r):
            for c in range(_VECS_PER_ROW):
                sl = pl.ds(c * _L, _L)
                buf[b, r, sl] = buf[b, r, sl] * _SCALE

        out_copy(g, b).start()
        return carry

    lax.fori_loop(0, _NCHUNKS, chunk_body, 0)
    for g in range(_NCHUNKS - _NBUF, _NCHUNKS):
        if g >= 0:
            out_copy(g, g % _NBUF).wait()


def kernel(x, emb):
    del x
    return _scale_sc(emb)

# --- scband reference (transcript-rebuilt; emitter-appended) ---
"""Pipeline reference for scband-absolute-positional-embedding-24489903521897 (READ-ONLY COPY).

The authoritative reference and input builder live on the scoring server;
editing this copy changes nothing except your own understanding.
"""

import jax, jax.numpy as jnp
import numpy as np

DIM = 1024
MAX_SEQ_LEN = 8192
SCALE = DIM ** (-0.5)

def setup_inputs(seed: int = 0) -> dict:
    key = jax.random.key(seed)
    kx, ke = jax.random.split(key)
    x = jax.random.normal(kx, (4, 8192, DIM), dtype=jnp.float32)
    emb = jax.random.normal(ke, (MAX_SEQ_LEN, DIM), dtype=jnp.float32) * 0.02
    return {"x": x, "emb": emb}

def reference(x, emb):
    seq_len = x.shape[1]
    pos = jnp.arange(seq_len)
    pos_emb = jnp.take(emb, pos, axis=0)
    pos_emb = pos_emb * SCALE
    return pos_emb

if __name__ == "__main__":
    import jax
    _d = setup_inputs()
    print(jax.jit(kernel)(*tuple(_d.values())))

</pallas_src>

<mosaic_0001>
#map = affine_map<(d0, d1) -> (0, 0)>
module attributes {stable_mosaic.version = 14 : i64} {
  func.func @_scale_sc(%arg0: i32, %arg1: i32, %arg2: memref<8192x1024xf32, #tpu.memory_space<hbm>>, %arg3: memref<8192x1024xf32, #tpu.memory_space<hbm>>, %arg4: memref<7x16x1024xf32, #tpu.memory_space<vmem>>, %arg5: memref<7x!tpu.dma_semaphore, #tpu.memory_space<semaphore_mem>>, %arg6: memref<7x!tpu.dma_semaphore, #tpu.memory_space<semaphore_mem>>) attributes {dimension_semantics = [#tpu.dimension_semantics<core_parallel>, #tpu.dimension_semantics<subcore_parallel>], iteration_bounds = array<i64: 2, 16>, scalar_prefetch = 0 : i64, scratch_operands = 3 : i64, tpu.core_type = #tpu.core_type<sc_vector_subcore>, window_params = [{transform_indices = #map}, {transform_indices = #map}]} {
    %mul3A = arith.constant 2 : i32
    %mul3A_0 = arith.muli %arg1, %mul3A : i32
    %add3A = arith.addi %mul3A_0, %arg0 : i32
    %mul3A_1 = arith.constant 256 : i32
    %mul3A_2 = arith.muli %add3A, %mul3A_1 : i32
    %add3A_3 = arith.constant 0 : i32
    %add3A_4 = arith.addi %mul3A_2, %add3A_3 : i32
    %dma_start3A = arith.constant 0 : i32
    %dma_start3A_5 = arith.constant 0 : i32
    %dma_start3A_6 = arith.constant 0 : i32
    %dma_start3A_7 = arith.constant 0 : i32
    %dma_start3A_8 = tpu.memref_slice %arg4[%dma_start3A, %dma_start3A_6, %dma_start3A_7] : memref<7x16x1024xf32, #tpu.memory_space<vmem>> -> memref<1x16x1024xf32, #tpu.memory_space<vmem>>
    %dma_start3A_9 = tpu.memref_squeeze %dma_start3A_8 : memref<1x16x1024xf32, #tpu.memory_space<vmem>> -> memref<16x1024xf32, #tpu.memory_space<vmem>>
    %dma_start3A_10 = arith.constant 0 : i32
    %dma_start3A_11 = tpu.memref_slice %arg2[%add3A_4, %dma_start3A_10] : memref<8192x1024xf32, #tpu.memory_space<hbm>> -> memref<16x1024xf32, #tpu.memory_space<hbm>>
    %dma_start3A_12 = tpu.memref_slice %arg5[%dma_start3A_5] : memref<7x!tpu.dma_semaphore, #tpu.memory_space<semaphore_mem>> -> memref<1x!tpu.dma_semaphore, #tpu.memory_space<semaphore_mem>>
    %dma_start3A_13 = tpu.memref_squeeze %dma_start3A_12 : memref<1x!tpu.dma_semaphore, #tpu.memory_space<semaphore_mem>> -> memref<!tpu.dma_semaphore, #tpu.memory_space<semaphore_mem>>
    %dma_start3A_14 = arith.constant 0 : i32
    %dma_start3A_15 = arith.constant 0 : i32
    %dma_start3A_16 = tpu.memref_slice %arg4[%dma_start3A, %dma_start3A_14, %dma_start3A_15] : memref<7x16x1024xf32, #tpu.memory_space<vmem>> -> memref<1x16x1024xf32, #tpu.memory_space<vmem>>
    %dma_start3A_17 = tpu.memref_squeeze %dma_start3A_16 : memref<1x16x1024xf32, #tpu.memory_space<vmem>> -> memref<16x1024xf32, #tpu.memory_space<vmem>>
    %dma_start3A_18 = arith.constant 0 : i32
    %dma_start3A_19 = tpu.memref_slice %arg2[%add3A_4, %dma_start3A_18] : memref<8192x1024xf32, #tpu.memory_space<hbm>> -> memref<16x1024xf32, #tpu.memory_space<hbm>>
    tpu.enqueue_dma source(%dma_start3A_19 : memref<16x1024xf32, #tpu.memory_space<hbm>>) target(%dma_start3A_17 : memref<16x1024xf32, #tpu.memory_space<vmem>>) target_semaphore(%dma_start3A_13 : memref<!tpu.dma_semaphore, #tpu.memory_space<semaphore_mem>>)
    %add3A_20 = arith.constant 16 : i32
    %add3A_21 = arith.addi %mul3A_2, %add3A_20 : i32
    %dma_start3A_22 = arith.constant 1 : i32
    %dma_start3A_23 = arith.constant 1 : i32
    %dma_start3A_24 = arith.constant 0 : i32
    %dma_start3A_25 = arith.constant 0 : i32
    %dma_start3A_26 = tpu.memref_slice %arg4[%dma_start3A_22, %dma_start3A_24, %dma_start3A_25] : memref<7x16x1024xf32, #tpu.memory_space<vmem>> -> memref<1x16x1024xf32, #tpu.memory_space<vmem>>
    %dma_start3A_27 = tpu.memref_squeeze %dma_start3A_26 : memref<1x16x1024xf32, #tpu.memory_space<vmem>> -> memref<16x1024xf32, #tpu.memory_space<vmem>>
    %dma_start3A_28 = arith.constant 0 : i32
    %dma_start3A_29 = tpu.memref_slice %arg2[%add3A_21, %dma_start3A_28] : memref<8192x1024xf32, #tpu.memory_space<hbm>> -> memref<16x1024xf32, #tpu.memory_space<hbm>>
    %dma_start3A_30 = tpu.memref_slice %arg5[%dma_start3A_23] : memref<7x!tpu.dma_semaphore, #tpu.memory_space<semaphore_mem>> -> memref<1x!tpu.dma_semaphore, #tpu.memory_space<semaphore_mem>>
    %dma_start3A_31 = tpu.memref_squeeze %dma_start3A_30 : memref<1x!tpu.dma_semaphore, #tpu.memory_space<semaphore_mem>> -> memref<!tpu.dma_semaphore, #tpu.memory_space<semaphore_mem>>
    %dma_start3A_32 = arith.constant 0 : i32
    %dma_start3A_33 = arith.constant 0 : i32
    %dma_start3A_34 = tpu.memref_slice %arg4[%dma_start3A_22, %dma_start3A_32, %dma_start3A_33] : memref<7x16x1024xf32, #tpu.memory_space<vmem>> -> memref<1x16x1024xf32, #tpu.memory_space<vmem>>
    %dma_start3A_35 = tpu.memref_squeeze %dma_start3A_34 : memref<1x16x1024xf32, #tpu.memory_space<vmem>> -> memref<16x1024xf32, #tpu.memory_space<vmem>>
    %dma_start3A_36 = arith.constant 0 : i32
    %dma_start3A_37 = tpu.memref_slice %arg2[%add3A_21, %dma_start3A_36] : memref<8192x1024xf32, #tpu.memory_space<hbm>> -> memref<16x1024xf32, #tpu.memory_space<hbm>>
    tpu.enqueue_dma source(%dma_start3A_37 : memref<16x1024xf32, #tpu.memory_space<hbm>>) target(%dma_start3A_35 : memref<16x1024xf32, #tpu.memory_space<vmem>>) target_semaphore(%dma_start3A_31 : memref<!tpu.dma_semaphore, #tpu.memory_space<semaphore_mem>>)
    %add3A_38 = arith.constant 32 : i32
    %add3A_39 = arith.addi %mul3A_2, %add3A_38 : i32
    %dma_start3A_40 = arith.constant 2 : i32
    %dma_start3A_41 = arith.constant 2 : i32
    %dma_start3A_42 = arith.constant 0 : i32
    %dma_start3A_43 = arith.constant 0 : i32
    %dma_start3A_44 = tpu.memref_slice %arg4[%dma_start3A_40, %dma_start3A_42, %dma_start3A_43] : memref<7x16x1024xf32, #tpu.memory_space<vmem>> -> memref<1x16x1024xf32, #tpu.memory_space<vmem>>
    %dma_start3A_45 = tpu.memref_squeeze %dma_start3A_44 : memref<1x16x1024xf32, #tpu.memory_space<vmem>> -> memref<16x1024xf32, #tpu.memory_space<vmem>>
    %dma_start3A_46 = arith.constant 0 : i32
    %dma_start3A_47 = tpu.memref_slice %arg2[%add3A_39, %dma_start3A_46] : memref<8192x1024xf32, #tpu.memory_space<hbm>> -> memref<16x1024xf32, #tpu.memory_space<hbm>>
    %dma_start3A_48 = tpu.memref_slice %arg5[%dma_start3A_41] : memref<7x!tpu.dma_semaphore, #tpu.memory_space<semaphore_mem>> -> memref<1x!tpu.dma_semaphore, #tpu.memory_space<semaphore_mem>>
    %dma_start3A_49 = tpu.memref_squeeze %dma_start3A_48 : memref<1x!tpu.dma_semaphore, #tpu.memory_space<semaphore_mem>> -> memref<!tpu.dma_semaphore, #tpu.memory_space<semaphore_mem>>
    %dma_start3A_50 = arith.constant 0 : i32
    %dma_start3A_51 = arith.constant 0 : i32
    %dma_start3A_52 = tpu.memref_slice %arg4[%dma_start3A_40, %dma_start3A_50, %dma_start3A_51] : memref<7x16x1024xf32, #tpu.memory_space<vmem>> -> memref<1x16x1024xf32, #tpu.memory_space<vmem>>
    %dma_start3A_53 = tpu.memref_squeeze %dma_start3A_52 : memref<1x16x1024xf32, #tpu.memory_space<vmem>> -> memref<16x1024xf32, #tpu.memory_space<vmem>>
    %dma_start3A_54 = arith.constant 0 : i32
    %dma_start3A_55 = tpu.memref_slice %arg2[%add3A_39, %dma_start3A_54] : memref<8192x1024xf32, #tpu.memory_space<hbm>> -> memref<16x1024xf32, #tpu.memory_space<hbm>>
    tpu.enqueue_dma source(%dma_start3A_55 : memref<16x1024xf32, #tpu.memory_space<hbm>>) target(%dma_start3A_53 : memref<16x1024xf32, #tpu.memory_space<vmem>>) target_semaphore(%dma_start3A_49 : memref<!tpu.dma_semaphore, #tpu.memory_space<semaphore_mem>>)
    %add3A_56 = arith.constant 48 : i32
    %add3A_57 = arith.addi %mul3A_2, %add3A_56 : i32
    %dma_start3A_58 = arith.constant 3 : i32
    %dma_start3A_59 = arith.constant 3 : i32
    %dma_start3A_60 = arith.constant 0 : i32
    %dma_start3A_61 = arith.constant 0 : i32
    %dma_start3A_62 = tpu.memref_slice %arg4[%dma_start3A_58, %dma_start3A_60, %dma_start3A_61] : memref<7x16x1024xf32, #tpu.memory_space<vmem>> -> memref<1x16x1024xf32, #tpu.memory_space<vmem>>
    %dma_start3A_63 = tpu.memref_squeeze %dma_start3A_62 : memref<1x16x1024xf32, #tpu.memory_space<vmem>> -> memref<16x1024xf32, #tpu.memory_space<vmem>>
    %dma_start3A_64 = arith.constant 0 : i32
    %dma_start3A_65 = tpu.memref_slice %arg2[%add3A_57, %dma_start3A_64] : memref<8192x1024xf32, #tpu.memory_space<hbm>> -> memref<16x1024xf32, #tpu.memory_space<hbm>>
    %dma_start3A_66 = tpu.memref_slice %arg5[%dma_start3A_59] : memref<7x!tpu.dma_semaphore, #tpu.memory_space<semaphore_mem>> -> memref<1x!tpu.dma_semaphore, #tpu.memory_space<semaphore_mem>>
    %dma_start3A_67 = tpu.memref_squeeze %dma_start3A_66 : memref<1x!tpu.dma_semaphore, #tpu.memory_space<semaphore_mem>> -> memref<!tpu.dma_semaphore, #tpu.memory_space<semaphore_mem>>
    %dma_start3A_68 = arith.constant 0 : i32
    %dma_start3A_69 = arith.constant 0 : i32
    %dma_start3A_70 = tpu.memref_slice %arg4[%dma_start3A_58, %dma_start3A_68, %dma_start3A_69] : memref<7x16x1024xf32, #tpu.memory_space<vmem>> -> memref<1x16x1024xf32, #tpu.memory_space<vmem>>
    %dma_start3A_71 = tpu.memref_squeeze %dma_start3A_70 : memref<1x16x1024xf32, #tpu.memory_space<vmem>> -> memref<16x1024xf32, #tpu.memory_space<vmem>>
    %dma_start3A_72 = arith.constant 0 : i32
    %dma_start3A_73 = tpu.memref_slice %arg2[%add3A_57, %dma_start3A_72] : memref<8192x1024xf32, #tpu.memory_space<hbm>> -> memref<16x1024xf32, #tpu.memory_space<hbm>>
    tpu.enqueue_dma source(%dma_start3A_73 : memref<16x1024xf32, #tpu.memory_space<hbm>>) target(%dma_start3A_71 : memref<16x1024xf32, #tpu.memory_space<vmem>>) target_semaphore(%dma_start3A_67 : memref<!tpu.dma_semaphore, #tpu.memory_space<semaphore_mem>>)
    %add3A_74 = arith.constant 64 : i32
    %add3A_75 = arith.addi %mul3A_2, %add3A_74 : i32
    %dma_start3A_76 = arith.constant 4 : i32
    %dma_start3A_77 = arith.constant 4 : i32
    %dma_start3A_78 = arith.constant 0 : i32
    %dma_start3A_79 = arith.constant 0 : i32
    %dma_start3A_80 = tpu.memref_slice %arg4[%dma_start3A_76, %dma_start3A_78, %dma_start3A_79] : memref<7x16x1024xf32, #tpu.memory_space<vmem>> -> memref<1x16x1024xf32, #tpu.memory_space<vmem>>
    %dma_start3A_81 = tpu.memref_squeeze %dma_start3A_80 : memref<1x16x1024xf32, #tpu.memory_space<vmem>> -> memref<16x1024xf32, #tpu.memory_space<vmem>>
    %dma_start3A_82 = arith.constant 0 : i32
    %dma_start3A_83 = tpu.memref_slice %arg2[%add3A_75, %dma_start3A_82] : memref<8192x1024xf32, #tpu.memory_space<hbm>> -> memref<16x1024xf32, #tpu.memory_space<hbm>>
    %dma_start3A_84 = tpu.memref_slice %arg5[%dma_start3A_77] : memref<7x!tpu.dma_semaphore, #tpu.memory_space<semaphore_mem>> -> memref<1x!tpu.dma_semaphore, #tpu.memory_space<semaphore_mem>>
    %dma_start3A_85 = tpu.memref_squeeze %dma_start3A_84 : memref<1x!tpu.dma_semaphore, #tpu.memory_space<semaphore_mem>> -> memref<!tpu.dma_semaphore, #tpu.memory_space<semaphore_mem>>
    %dma_start3A_86 = arith.constant 0 : i32
    %dma_start3A_87 = arith.constant 0 : i32
    %dma_start3A_88 = tpu.memref_slice %arg4[%dma_start3A_76, %dma_start3A_86, %dma_start3A_87] : memref<7x16x1024xf32, #tpu.memory_space<vmem>> -> memref<1x16x1024xf32, #tpu.memory_space<vmem>>
    %dma_start3A_89 = tpu.memref_squeeze %dma_start3A_88 : memref<1x16x1024xf32, #tpu.memory_space<vmem>> -> memref<16x1024xf32, #tpu.memory_space<vmem>>
    %dma_start3A_90 = arith.constant 0 : i32
    %dma_start3A_91 = tpu.memref_slice %arg2[%add3A_75, %dma_start3A_90] : memref<8192x1024xf32, #tpu.memory_space<hbm>> -> memref<16x1024xf32, #tpu.memory_space<hbm>>
    tpu.enqueue_dma source(%dma_start3A_91 : memref<16x1024xf32, #tpu.memory_space<hbm>>) target(%dma_start3A_89 : memref<16x1024xf32, #tpu.memory_space<vmem>>) target_semaphore(%dma_start3A_85 : memref<!tpu.dma_semaphore, #tpu.memory_space<semaphore_mem>>)
    %add3A_92 = arith.constant 80 : i32
    %add3A_93 = arith.addi %mul3A_2, %add3A_92 : i32
    %dma_start3A_94 = arith.constant 5 : i32
    %dma_start3A_95 = arith.constant 5 : i32
    %dma_start3A_96 = arith.constant 0 : i32
    %dma_start3A_97 = arith.constant 0 : i32
    %dma_start3A_98 = tpu.memref_slice %arg4[%dma_start3A_94, %dma_start3A_96, %dma_start3A_97] : memref<7x16x1024xf32, #tpu.memory_space<vmem>> -> memref<1x16x1024xf32, #tpu.memory_space<vmem>>
    %dma_start3A_99 = tpu.memref_squeeze %dma_start3A_98 : memref<1x16x1024xf32, #tpu.memory_space<vmem>> -> memref<16x1024xf32, #tpu.memory_space<vmem>>
    %dma_start3A_100 = arith.constant 0 : i32
    %dma_start3A_101 = tpu.memref_slice %arg2[%add3A_93, %dma_start3A_100] : memref<8192x1024xf32, #tpu.memory_space<hbm>> -> memref<16x1024xf32, #tpu.memory_space<hbm>>
    %dma_start3A_102 = tpu.memref_slice %arg5[%dma_start3A_95] : memref<7x!tpu.dma_semaphore, #tpu.memory_space<semaphore_mem>> -> memref<1x!tpu.dma_semaphore, #tpu.memory_space<semaphore_mem>>
    %dma_start3A_103 = tpu.memref_squeeze %dma_start3A_102 : memref<1x!tpu.dma_semaphore, #tpu.memory_space<semaphore_mem>> -> memref<!tpu.dma_semaphore, #tpu.memory_space<semaphore_mem>>
    %dma_start3A_104 = arith.constant 0 : i32
    %dma_start3A_105 = arith.constant 0 : i32
    %dma_start3A_106 = tpu.memref_slice %arg4[%dma_start3A_94, %dma_start3A_104, %dma_start3A_105] : memref<7x16x1024xf32, #tpu.memory_space<vmem>> -> memref<1x16x1024xf32, #tpu.memory_space<vmem>>
    %dma_start3A_107 = tpu.memref_squeeze %dma_start3A_106 : memref<1x16x1024xf32, #tpu.memory_space<vmem>> -> memref<16x1024xf32, #tpu.memory_space<vmem>>
    %dma_start3A_108 = arith.constant 0 : i32
    %dma_start3A_109 = tpu.memref_slice %arg2[%add3A_93, %dma_start3A_108] : memref<8192x1024xf32, #tpu.memory_space<hbm>> -> memref<16x1024xf32, #tpu.memory_space<hbm>>
    tpu.enqueue_dma source(%dma_start3A_109 : memref<16x1024xf32, #tpu.memory_space<hbm>>) target(%dma_start3A_107 : memref<16x1024xf32, #tpu.memory_space<vmem>>) target_semaphore(%dma_start3A_103 : memref<!tpu.dma_semaphore, #tpu.memory_space<semaphore_mem>>)
    %scan3A = arith.constant 0 : i32
    %scan3A_110 = arith.constant 0 : i32
    %scan3A_111 = arith.constant 16 : i32
    %scan3A_112 = arith.addi %scan3A_110, %scan3A_111 : i32
    %scan3A_113 = arith.constant 1 : i32
    scf.for %scan3A_240 = %scan3A_110 to %scan3A_112 step %scan3A_113  : i32 {
      %jit3A = arith.constant 7 : i32
      %eq3A = arith.constant 0 : i32
      %eq3A_241 = arith.cmpi eq, %jit3A, %eq3A : i32
      %jit3A_242 = arith.constant 1 : i32
      %select_n3A = arith.select %eq3A_241, %jit3A_242, %jit3A : i32
      %rem3A = arith.remsi %scan3A_240, %select_n3A : i32
      %ne3A = arith.constant 0 : i32
      %ne3A_243 = arith.cmpi ne, %rem3A, %ne3A : i32
      %lt3A = arith.constant 0 : i32
      %lt3A_244 = arith.cmpi slt, %rem3A, %lt3A : i32
      %lt3A_245 = arith.constant 0 : i32
      %lt3A_246 = arith.cmpi slt, %select_n3A, %lt3A_245 : i32
      %ne3A_247 = arith.xori %lt3A_244, %lt3A_246 : i1
      %and3A = arith.andi %ne3A_247, %ne3A_243 : i1
      %add3A_248 = arith.addi %rem3A, %select_n3A : i32
      %select_n3A_249 = arith.select %and3A, %add3A_248, %rem3A : i32
      %mul3A_250 = arith.constant 16 : i32
      %mul3A_251 = arith.muli %scan3A_240, %mul3A_250 : i32
      %add3A_252 = arith.addi %mul3A_2, %mul3A_251 : i32
      %dma_wait3A_253 = arith.constant 0 : i32
      %dma_wait3A_254 = arith.constant 0 : i32
      %dma_wait3A_255 = tpu.memref_slice %arg4[%select_n3A_249, %dma_wait3A_253, %dma_wait3A_254] : memref<7x16x1024xf32, #tpu.memory_space<vmem>> -> memref<1x16x1024xf32, #tpu.memory_space<vmem>>
      %dma_wait3A_256 = tpu.memref_squeeze %dma_wait3A_255 : memref<1x16x1024xf32, #tpu.memory_space<vmem>> -> memref<16x1024xf32, #tpu.memory_space<vmem>>
      %dma_wait3A_257 = arith.constant 0 : i32
      %dma_wait3A_258 = tpu.memref_slice %arg2[%add3A_252, %dma_wait3A_257] : memref<8192x1024xf32, #tpu.memory_space<hbm>> -> memref<16x1024xf32, #tpu.memory_space<hbm>>
      %dma_wait3A_259 = tpu.memref_slice %arg5[%select_n3A_249] : memref<7x!tpu.dma_semaphore, #tpu.memory_space<semaphore_mem>> -> memref<1x!tpu.dma_semaphore, #tpu.memory_space<semaphore_mem>>
      %dma_wait3A_260 = tpu.memref_squeeze %dma_wait3A_259 : memref<1x!tpu.dma_semaphore, #tpu.memory_space<semaphore_mem>> -> memref<!tpu.dma_semaphore, #tpu.memory_space<semaphore_mem>>
      %dma_wait3A_261 = arith.constant 0 : i32
      %dma_wait3A_262 = arith.constant 0 : i32
      %dma_wait3A_263 = tpu.memref_slice %arg4[%select_n3A_249, %dma_wait3A_261, %dma_wait3A_262] : memref<7x16x1024xf32, #tpu.memory_space<vmem>> -> memref<1x16x1024xf32, #tpu.memory_space<vmem>>
      %dma_wait3A_264 = tpu.memref_squeeze %dma_wait3A_263 : memref<1x16x1024xf32, #tpu.memory_space<vmem>> -> memref<16x1024xf32, #tpu.memory_space<vmem>>
      %dma_wait3A_265 = arith.constant 0 : i32
      %dma_wait3A_266 = tpu.memref_slice %arg2[%add3A_252, %dma_wait3A_265] : memref<8192x1024xf32, #tpu.memory_space<hbm>> -> memref<16x1024xf32, #tpu.memory_space<hbm>>
      tpu.wait_dma2 semaphore(%dma_wait3A_260 : memref<!tpu.dma_semaphore, #tpu.memory_space<semaphore_mem>>) src(%dma_wait3A_266 : memref<16x1024xf32, #tpu.memory_space<hbm>>) dst(%dma_wait3A_264 : memref<16x1024xf32, #tpu.memory_space<vmem>>)
      %add3A_267 = arith.constant 6 : i32
      %add3A_268 = arith.addi %scan3A_240, %add3A_267 : i32
      %lt3A_269 = arith.constant 16 : i32
      %lt3A_270 = arith.cmpi slt, %add3A_268, %lt3A_269 : i32
      %convert_element_type3A = arith.extui %lt3A_270 : i1 to i32
      %cond3A = arith.constant 0 : i32
      %cond3A_271 = arith.cmpi ne, %convert_element_type3A, %cond3A : i32
      scf.if %cond3A_271 {
        %add3A_291 = arith.constant 6 : i32
        %add3A_292 = arith.addi %scan3A_240, %add3A_291 : i32
        %jit3A_293 = arith.constant 7 : i32
        %eq3A_294 = arith.constant 0 : i32
        %eq3A_295 = arith.cmpi eq, %jit3A_293, %eq3A_294 : i32
        %jit3A_296 = arith.constant 1 : i32
        %select_n3A_297 = arith.select %eq3A_295, %jit3A_296, %jit3A_293 : i32
        %rem3A_298 = arith.remsi %add3A_292, %select_n3A_297 : i32
        %ne3A_299 = arith.constant 0 : i32
        %ne3A_300 = arith.cmpi ne, %rem3A_298, %ne3A_299 : i32
        %lt3A_301 = arith.constant 0 : i32
        %lt3A_302 = arith.cmpi slt, %rem3A_298, %lt3A_301 : i32
        %lt3A_303 = arith.constant 0 : i32
        %lt3A_304 = arith.cmpi slt, %select_n3A_297, %lt3A_303 : i32
        %ne3A_305 = arith.xori %lt3A_302, %lt3A_304 : i1
        %and3A_306 = arith.andi %ne3A_305, %ne3A_300 : i1
        %add3A_307 = arith.addi %rem3A_298, %select_n3A_297 : i32
        %select_n3A_308 = arith.select %and3A_306, %add3A_307, %rem3A_298 : i32
        %ge3A = arith.constant 1 : i32
        %ge3A_309 = arith.cmpi sge, %scan3A_240, %ge3A : i32
        %convert_element_type3A_310 = arith.extui %ge3A_309 : i1 to i32
        %cond3A_311 = arith.constant 0 : i32
        %cond3A_312 = arith.cmpi ne, %convert_element_type3A_310, %cond3A_311 : i32
        scf.if %cond3A_312 {
          %add3A_332 = arith.constant 6 : i32
          %add3A_333 = arith.addi %scan3A_240, %add3A_332 : i32
          %sub3A = arith.constant 7 : i32
          %sub3A_334 = arith.subi %add3A_333, %sub3A : i32
          %mul3A_335 = arith.constant 16 : i32
          %mul3A_336 = arith.muli %sub3A_334, %mul3A_335 : i32
          %add3A_337 = arith.addi %mul3A_2, %mul3A_336 : i32
          %dma_wait3A_338 = arith.constant 0 : i32
          %dma_wait3A_339 = arith.constant 0 : i32
          %dma_wait3A_340 = tpu.memref_slice %arg4[%select_n3A_308, %dma_wait3A_338, %dma_wait3A_339] : memref<7x16x1024xf32, #tpu.memory_space<vmem>> -> memref<1x16x1024xf32, #tpu.memory_space<vmem>>
          %dma_wait3A_341 = tpu.memref_squeeze %dma_wait3A_340 : memref<1x16x1024xf32, #tpu.memory_space<vmem>> -> memref<16x1024xf32, #tpu.memory_space<vmem>>
          %dma_wait3A_342 = arith.constant 0 : i32
          %dma_wait3A_343 = tpu.memref_slice %arg3[%add3A_337, %dma_wait3A_342] : memref<8192x1024xf32, #tpu.memory_space<hbm>> -> memref<16x1024xf32, #tpu.memory_space<hbm>>
          %dma_wait3A_344 = tpu.memref_slice %arg6[%select_n3A_308] : memref<7x!tpu.dma_semaphore, #tpu.memory_space<semaphore_mem>> -> memref<1x!tpu.dma_semaphore, #tpu.memory_space<semaphore_mem>>
          %dma_wait3A_345 = tpu.memref_squeeze %dma_wait3A_344 : memref<1x!tpu.dma_semaphore, #tpu.memory_space<semaphore_mem>> -> memref<!tpu.dma_semaphore, #tpu.memory_space<semaphore_mem>>
          %dma_wait3A_346 = arith.constant 0 : i32
          %dma_wait3A_347 = tpu.memref_slice %arg3[%add3A_337, %dma_wait3A_346] : memref<8192x1024xf32, #tpu.memory_space<hbm>> -> memref<16x1024xf32, #tpu.memory_space<hbm>>
          %dma_wait3A_348 = arith.constant 0 : i32
          %dma_wait3A_349 = arith.constant 0 : i32
          %dma_wait3A_350 = tpu.memref_slice %arg4[%select_n3A_308, %dma_wait3A_348, %dma_wait3A_349] : memref<7x16x1024xf32, #tpu.memory_space<vmem>> -> memref<1x16x1024xf32, #tpu.memory_space<vmem>>
          %dma_wait3A_351 = tpu.memref_squeeze %dma_wait3A_350 : memref<1x16x1024xf32, #tpu.memory_space<vmem>> -> memref<16x1024xf32, #tpu.memory_space<vmem>>
          tpu.wait_dma2 semaphore(%dma_wait3A_345 : memref<!tpu.dma_semaphore, #tpu.memory_space<semaphore_mem>>) src(%dma_wait3A_351 : memref<16x1024xf32, #tpu.memory_space<vmem>>) dst(%dma_wait3A_347 : memref<16x1024xf32, #tpu.memory_space<hbm>>)
        } else {
        }
        %add3A_313 = arith.constant 6 : i32
        %add3A_314 = arith.addi %scan3A_240, %add3A_313 : i32
        %mul3A_315 = arith.constant 16 : i32
        %mul3A_316 = arith.muli %add3A_314, %mul3A_315 : i32
        %add3A_317 = arith.addi %mul3A_2, %mul3A_316 : i32
        %dma_start3A_318 = arith.constant 0 : i32
        %dma_start3A_319 = arith.constant 0 : i32
        %dma_start3A_320 = tpu.memref_slice %arg4[%select_n3A_308, %dma_start3A_318, %dma_start3A_319] : memref<7x16x1024xf32, #tpu.memory_space<vmem>> -> memref<1x16x1024xf32, #tpu.memory_space<vmem>>
        %dma_start3A_321 = tpu.memref_squeeze %dma_start3A_320 : memref<1x16x1024xf32, #tpu.memory_space<vmem>> -> memref<16x1024xf32, #tpu.memory_space<vmem>>
        %dma_start3A_322 = arith.constant 0 : i32
        %dma_start3A_323 = tpu.memref_slice %arg2[%add3A_317, %dma_start3A_322] : memref<8192x1024xf32, #tpu.memory_space<hbm>> -> memref<16x1024xf32, #tpu.memory_space<hbm>>
        %dma_start3A_324 = tpu.memref_slice %arg5[%select_n3A_308] : memref<7x!tpu.dma_semaphore, #tpu.memory_space<semaphore_mem>> -> memref<1x!tpu.dma_semaphore, #tpu.memory_space<semaphore_mem>>
        %dma_start3A_325 = tpu.memref_squeeze %dma_start3A_324 : memref<1x!tpu.dma_semaphore, #tpu.memory_space<semaphore_mem>> -> memref<!tpu.dma_semaphore, #tpu.memory_space<semaphore_mem>>
        %dma_start3A_326 = arith.constant 0 : i32
        %dma_start3A_327 = arith.constant 0 : i32
        %dma_start3A_328 = tpu.memref_slice %arg4[%select_n3A_308, %dma_start3A_326, %dma_start3A_327] : memref<7x16x1024xf32, #tpu.memory_space<vmem>> -> memref<1x16x1024xf32, #tpu.memory_space<vmem>>
        %dma_start3A_329 = tpu.memref_squeeze %dma_start3A_328 : memref<1x16x1024xf32, #tpu.memory_space<vmem>> -> memref<16x1024xf32, #tpu.memory_space<vmem>>
        %dma_start3A_330 = arith.constant 0 : i32
        %dma_start3A_331 = tpu.memref_slice %arg2[%add3A_317, %dma_start3A_330] : memref<8192x1024xf32, #tpu.memory_space<hbm>> -> memref<16x1024xf32, #tpu.memory_space<hbm>>
        tpu.enqueue_dma source(%dma_start3A_331 : memref<16x1024xf32, #tpu.memory_space<hbm>>) target(%dma_start3A_329 : memref<16x1024xf32, #tpu.memory_space<vmem>>) target_semaphore(%dma_start3A_325 : memref<!tpu.dma_semaphore, #tpu.memory_space<semaphore_mem>>)
      } else {
      }
      %parallel_loop3A = arith.constant 0 : i32
      %parallel_loop3A_272 = arith.constant 16 : i32
      %parallel_loop3A_273 = arith.constant 1 : i32
      scf.for %parallel_loop3A_291 = %parallel_loop3A to %parallel_loop3A_272 step %parallel_loop3A_273  : i32 {
        %parallel_loop3A_292 = arith.index_cast %select_n3A_249 : i32 to index
        %parallel_loop3A_293 = arith.index_cast %parallel_loop3A_291 : i32 to index
        %parallel_loop3A_294 = arith.constant 0 : index
        %parallel_loop3A_295 = tpu.vector_load %arg4[%parallel_loop3A_292, %parallel_loop3A_293, %parallel_loop3A_294] {strides = array<i32>} : memref<7x16x1024xf32, #tpu.memory_space<vmem>>, vector<1x1x16xf32>,
        %parallel_loop3A_296 = vector.shape_cast %parallel_loop3A_295 : vector<1x1x16xf32> to vector<16xf32>
        %parallel_loop3A_297 = arith.constant 3.125000e-02 : f32
        %parallel_loop3A_298 = vector.broadcast %parallel_loop3A_297 : f32 to vector<16xf32>
        %parallel_loop3A_299 = arith.mulf %parallel_loop3A_296, %parallel_loop3A_298 : vector<16xf32>
        %parallel_loop3A_300 = arith.index_cast %select_n3A_249 : i32 to index
        %parallel_loop3A_301 = arith.index_cast %parallel_loop3A_291 : i32 to index
        %parallel_loop3A_302 = arith.constant 0 : index
        %parallel_loop3A_303 = tpu.vector_load %arg4[%parallel_loop3A_300, %parallel_loop3A_301, %parallel_loop3A_302] {strides = array<i32>} : memref<7x16x1024xf32, #tpu.memory_space<vmem>>, vector<1x1x16xf32>,
        %parallel_loop3A_304 = vector.shape_cast %parallel_loop3A_303 : vector<1x1x16xf32> to vector<16xf32>
        %parallel_loop3A_305 = vector.shape_cast %parallel_loop3A_299 : vector<16xf32> to vector<1x1x16xf32>
        tpu.vector_store %arg4[%parallel_loop3A_300, %parallel_loop3A_301, %parallel_loop3A_302], %parallel_loop3A_305 {strides = array<i32>} : memref<7x16x1024xf32, #tpu.memory_space<vmem>>, vector<1x1x16xf32>,
        %parallel_loop3A_306 = arith.index_cast %select_n3A_249 : i32 to index
        %parallel_loop3A_307 = arith.index_cast %parallel_loop3A_291 : i32 to index
        %parallel_loop3A_308 = arith.constant 16 : index
        %parallel_loop3A_309 = tpu.vector_load %arg4[%parallel_loop3A_306, %parallel_loop3A_307, %parallel_loop3A_308] {strides = array<i32>} : memref<7x16x1024xf32, #tpu.memory_space<vmem>>, vector<1x1x16xf32>,
        %parallel_loop3A_310 = vector.shape_cast %parallel_loop3A_309 : vector<1x1x16xf32> to vector<16xf32>
        %parallel_loop3A_311 = arith.constant 3.125000e-02 : f32
        %parallel_loop3A_312 = vector.broadcast %parallel_loop3A_311 : f32 to vector<16xf32>
        %parallel_loop3A_313 = arith.mulf %parallel_loop3A_310, %parallel_loop3A_312 : vector<16xf32>
        %parallel_loop3A_314 = arith.index_cast %select_n3A_249 : i32 to index
        %parallel_loop3A_315 = arith.index_cast %parallel_loop3A_291 : i32 to index
        %parallel_loop3A_316 = arith.constant 16 : index
        %parallel_loop3A_317 = tpu.vector_load %arg4[%parallel_loop3A_314, %parallel_loop3A_315, %parallel_loop3A_316] {strides = array<i32>} : memref<7x16x1024xf32, #tpu.memory_space<vmem>>, vector<1x1x16xf32>,
        %parallel_loop3A_318 = vector.shape_cast %parallel_loop3A_317 : vector<1x1x16xf32> to vector<16xf32>
        %parallel_loop3A_319 = vector.shape_cast %parallel_loop3A_313 : vector<16xf32> to vector<1x1x16xf32>
        tpu.vector_store %arg4[%parallel_loop3A_314, %parallel_loop3A_315, %parallel_loop3A_316], %parallel_loop3A_319 {strides = array<i32>} : memref<7x16x1024xf32, #tpu.memory_space<vmem>>, vector<1x1x16xf32>,
        %parallel_loop3A_320 = arith.index_cast %select_n3A_249 : i32 to index
        %parallel_loop3A_321 = arith.index_cast %parallel_loop3A_291 : i32 to index
        %parallel_loop3A_322 = arith.constant 32 : index
        %parallel_loop3A_323 = tpu.vector_load %arg4[%parallel_loop3A_320, %parallel_loop3A_321, %parallel_loop3A_322] {strides = array<i32>} : memref<7x16x1024xf32, #tpu.memory_space<vmem>>, vector<1x1x16xf32>,
        %parallel_loop3A_324 = vector.shape_cast %parallel_loop3A_323 : vector<1x1x16xf32> to vector<16xf32>
        %parallel_loop3A_325 = arith.constant 3.125000e-02 : f32
        %parallel_loop3A_326 = vector.broadcast %parallel_loop3A_325 : f32 to vector<16xf32>
        %parallel_loop3A_327 = arith.mulf %parallel_loop3A_324, %parallel_loop3A_326 : vector<16xf32>
        %parallel_loop3A_328 = arith.index_cast %select_n3A_249 : i32 to index
        %parallel_loop3A_329 = arith.index_cast %parallel_loop3A_291 : i32 to index
        %parallel_loop3A_330 = arith.constant 32 : index
        %parallel_loop3A_331 = tpu.vector_load %arg4[%parallel_loop3A_328, %parallel_loop3A_329, %parallel_loop3A_330] {strides = array<i32>} : memref<7x16x1024xf32, #tpu.memory_space<vmem>>, vector<1x1x16xf32>,
        %parallel_loop3A_332 = vector.shape_cast %parallel_loop3A_331 : vector<1x1x16xf32> to vector<16xf32>
        %parallel_loop3A_333 = vector.shape_cast %parallel_loop3A_327 : vector<16xf32> to vector<1x1x16xf32>
        tpu.vector_store %arg4[%parallel_loop3A_328, %parallel_loop3A_329, %parallel_loop3A_330], %parallel_loop3A_333 {strides = array<i32>} : memref<7x16x1024xf32, #tpu.memory_space<vmem>>, vector<1x1x16xf32>,
        %parallel_loop3A_334 = arith.index_cast %select_n3A_249 : i32 to index
        %parallel_loop3A_335 = arith.index_cast %parallel_loop3A_291 : i32 to index
        %parallel_loop3A_336 = arith.constant 48 : index
        %parallel_loop3A_337 = tpu.vector_load %arg4[%parallel_loop3A_334, %parallel_loop3A_335, %parallel_loop3A_336] {strides = array<i32>} : memref<7x16x1024xf32, #tpu.memory_space<vmem>>, vector<1x1x16xf32>,
        %parallel_loop3A_338 = vector.shape_cast %parallel_loop3A_337 : vector<1x1x16xf32> to vector<16xf32>
        %parallel_loop3A_339 = arith.constant 3.125000e-02 : f32
        %parallel_loop3A_340 = vector.broadcast %parallel_loop3A_339 : f32 to vector<16xf32>
        %parallel_loop3A_341 = arith.mulf %parallel_loop3A_338, %parallel_loop3A_340 : vector<16xf32>
        %parallel_loop3A_342 = arith.index_cast %select_n3A_249 : i32 to index
        %parallel_loop3A_343 = arith.index_cast %parallel_loop3A_291 : i32 to index
        %parallel_loop3A_344 = arith.constant 48 : index
        %parallel_loop3A_345 = tpu.vector_load %arg4[%parallel_loop3A_342, %parallel_loop3A_343, %parallel_loop3A_344] {strides = array<i32>} : memref<7x16x1024xf32, #tpu.memory_space<vmem>>, vector<1x1x16xf32>,
        %parallel_loop3A_346 = vector.shape_cast %parallel_loop3A_345 : vector<1x1x16xf32> to vector<16xf32>
        %parallel_loop3A_347 = vector.shape_cast %parallel_loop3A_341 : vector<16xf32> to vector<1x1x16xf32>
        tpu.vector_store %arg4[%parallel_loop3A_342, %parallel_loop3A_343, %parallel_loop3A_344], %parallel_loop3A_347 {strides = array<i32>} : memref<7x16x1024xf32, #tpu.memory_space<vmem>>, vector<1x1x16xf32>,
        %parallel_loop3A_348 = arith.index_cast %select_n3A_249 : i32 to index
        %parallel_loop3A_349 = arith.index_cast %parallel_loop3A_291 : i32 to index
        %parallel_loop3A_350 = arith.constant 64 : index
        %parallel_loop3A_351 = tpu.vector_load %arg4[%parallel_loop3A_348, %parallel_loop3A_349, %parallel_loop3A_350] {strides = array<i32>} : memref<7x16x1024xf32, #tpu.memory_space<vmem>>, vector<1x1x16xf32>,
        %parallel_loop3A_352 = vector.shape_cast %parallel_loop3A_351 : vector<1x1x16xf32> to vector<16xf32>
        %parallel_loop3A_353 = arith.constant 3.125000e-02 : f32
        %parallel_loop3A_354 = vector.broadcast %parallel_loop3A_353 : f32 to vector<16xf32>
        %parallel_loop3A_355 = arith.mulf %parallel_loop3A_352, %parallel_loop3A_354 : vector<16xf32>
        %parallel_loop3A_356 = arith.index_cast %select_n3A_249 : i32 to index
        %parallel_loop3A_357 = arith.index_cast %parallel_loop3A_291 : i32 to index
        %parallel_loop3A_358 = arith.constant 64 : index
        %parallel_loop3A_359 = tpu.vector_load %arg4[%parallel_loop3A_356, %parallel_loop3A_357, %parallel_loop3A_358] {strides = array<i32>} : memref<7x16x1024xf32, #tpu.memory_space<vmem>>, vector<1x1x16xf32>,
        %parallel_loop3A_360 = vector.shape_cast %parallel_loop3A_359 : vector<1x1x16xf32> to vector<16xf32>
        %parallel_loop3A_361 = vector.shape_cast %parallel_loop3A_355 : vector<16xf32> to vector<1x1x16xf32>
        tpu.vector_store %arg4[%parallel_loop3A_356, %parallel_loop3A_357, %parallel_loop3A_358], %parallel_loop3A_361 {strides = array<i32>} : memref<7x16x1024xf32, #tpu.memory_space<vmem>>, vector<1x1x16xf32>,
        %parallel_loop3A_362 = arith.index_cast %select_n3A_249 : i32 to index
        %parallel_loop3A_363 = arith.index_cast %parallel_loop3A_291 : i32 to index
        %parallel_loop3A_364 = arith.constant 80 : index
        %parallel_loop3A_365 = tpu.vector_load %arg4[%parallel_loop3A_362, %parallel_loop3A_363, %parallel_loop3A_364] {strides = array<i32>} : memref<7x16x1024xf32, #tpu.memory_space<vmem>>, vector<1x1x16xf32>,
        %parallel_loop3A_366 = vector.shape_cast %parallel_loop3A_365 : vector<1x1x16xf32> to vector<16xf32>
        %parallel_loop3A_367 = arith.constant 3.125000e-02 : f32
        %parallel_loop3A_368 = vector.broadcast %parallel_loop3A_367 : f32 to vector<16xf32>
        %parallel_loop3A_369 = arith.mulf %parallel_loop3A_366, %parallel_loop3A_368 : vector<16xf32>
        %parallel_loop3A_370 = arith.index_cast %select_n3A_249 : i32 to index
        %parallel_loop3A_371 = arith.index_cast %parallel_loop3A_291 : i32 to index
        %parallel_loop3A_372 = arith.constant 80 : index
        %parallel_loop3A_373 = tpu.vector_load %arg4[%parallel_loop3A_370, %parallel_loop3A_371, %parallel_loop3A_372] {strides = array<i32>} : memref<7x16x1024xf32, #tpu.memory_space<vmem>>, vector<1x1x16xf32>,
        %parallel_loop3A_374 = vector.shape_cast %parallel_loop3A_373 : vector<1x1x16xf32> to vector<16xf32>
        %parallel_loop3A_375 = vector.shape_cast %parallel_loop3A_369 : vector<16xf32> to vector<1x1x16xf32>
        tpu.vector_store %arg4[%parallel_loop3A_370, %parallel_loop3A_371, %parallel_loop3A_372], %parallel_loop3A_375 {strides = array<i32>} : memref<7x16x1024xf32, #tpu.memory_space<vmem>>, vector<1x1x16xf32>,
        %parallel_loop3A_376 = arith.index_cast %select_n3A_249 : i32 to index
        %parallel_loop3A_377 = arith.index_cast %parallel_loop3A_291 : i32 to index
        %parallel_loop3A_378 = arith.constant 96 : index
        %parallel_loop3A_379 = tpu.vector_load %arg4[%parallel_loop3A_376, %parallel_loop3A_377, %parallel_loop3A_378] {strides = array<i32>} : memref<7x16x1024xf32, #tpu.memory_space<vmem>>, vector<1x1x16xf32>,
        %parallel_loop3A_380 = vector.shape_cast %parallel_loop3A_379 : vector<1x1x16xf32> to vector<16xf32>
        %parallel_loop3A_381 = arith.constant 3.125000e-02 : f32
        %parallel_loop3A_382 = vector.broadcast %parallel_loop3A_381 : f32 to vector<16xf32>
        %parallel_loop3A_383 = arith.mulf %parallel_loop3A_380, %parallel_loop3A_382 : vector<16xf32>
        %parallel_loop3A_384 = arith.index_cast %select_n3A_249 : i32 to index
        %parallel_loop3A_385 = arith.index_cast %parallel_loop3A_291 : i32 to index
        %parallel_loop3A_386 = arith.constant 96 : index
        %parallel_loop3A_387 = tpu.vector_load %arg4[%parallel_loop3A_384, %parallel_loop3A_385, %parallel_loop3A_386] {strides = array<i32>} : memref<7x16x1024xf32, #tpu.memory_space<vmem>>, vector<1x1x16xf32>,
        %parallel_loop3A_388 = vector.shape_cast %parallel_loop3A_387 : vector<1x1x16xf32> to vector<16xf32>
        %parallel_loop3A_389 = vector.shape_cast %parallel_loop3A_383 : vector<16xf32> to vector<1x1x16xf32>
        tpu.vector_store %arg4[%parallel_loop3A_384, %parallel_loop3A_385, %parallel_loop3A_386], %parallel_loop3A_389 {strides = array<i32>} : memref<7x16x1024xf32, #tpu.memory_space<vmem>>, vector<1x1x16xf32>,
        %parallel_loop3A_390 = arith.index_cast %select_n3A_249 : i32 to index
        %parallel_loop3A_391 = arith.index_cast %parallel_loop3A_291 : i32 to index
        %parallel_loop3A_392 = arith.constant 112 : index
        %parallel_loop3A_393 = tpu.vector_load %arg4[%parallel_loop3A_390, %parallel_loop3A_391, %parallel_loop3A_392] {strides = array<i32>} : memref<7x16x1024xf32, #tpu.memory_space<vmem>>, vector<1x1x16xf32>,
        %parallel_loop3A_394 = vector.shape_cast %parallel_loop3A_393 : vector<1x1x16xf32> to vector<16xf32>
        %parallel_loop3A_395 = arith.constant 3.125000e-02 : f32
        %parallel_loop3A_396 = vector.broadcast %parallel_loop3A_395 : f32 to vector<16xf32>
        %parallel_loop3A_397 = arith.mulf %parallel_loop3A_394, %parallel_loop3A_396 : vector<16xf32>
        %parallel_loop3A_398 = arith.index_cast %select_n3A_249 : i32 to index
        %parallel_loop3A_399 = arith.index_cast %parallel_loop3A_291 : i32 to index
        %parallel_loop3A_400 = arith.constant 112 : index
        %parallel_loop3A_401 = tpu.vector_load %arg4[%parallel_loop3A_398, %parallel_loop3A_399, %parallel_loop3A_400] {strides = array<i32>} : memref<7x16x1024xf32, #tpu.memory_space<vmem>>, vector<1x1x16xf32>,
        %parallel_loop3A_402 = vector.shape_cast %parallel_loop3A_401 : vector<1x1x16xf32> to vector<16xf32>
        %parallel_loop3A_403 = vector.shape_cast %parallel_loop3A_397 : vector<16xf32> to vector<1x1x16xf32>
        tpu.vector_store %arg4[%parallel_loop3A_398, %parallel_loop3A_399, %parallel_loop3A_400], %parallel_loop3A_403 {strides = array<i32>} : memref<7x16x1024xf32, #tpu.memory_space<vmem>>, vector<1x1x16xf32>,
        %parallel_loop3A_404 = arith.index_cast %select_n3A_249 : i32 to index
        %parallel_loop3A_405 = arith.index_cast %parallel_loop3A_291 : i32 to index
        %parallel_loop3A_406 = arith.constant 128 : index
        %parallel_loop3A_407 = tpu.vector_load %arg4[%parallel_loop3A_404, %parallel_loop3A_405, %parallel_loop3A_406] {strides = array<i32>} : memref<7x16x1024xf32, #tpu.memory_space<vmem>>, vector<1x1x16xf32>,
        %parallel_loop3A_408 = vector.shape_cast %parallel_loop3A_407 : vector<1x1x16xf32> to vector<16xf32>
        %parallel_loop3A_409 = arith.constant 3.125000e-02 : f32
        %parallel_loop3A_410 = vector.broadcast %parallel_loop3A_409 : f32 to vector<16xf32>
        %parallel_loop3A_411 = arith.mulf %parallel_loop3A_408, %parallel_loop3A_410 : vector<16xf32>
        %parallel_loop3A_412 = arith.index_cast %select_n3A_249 : i32 to index
        %parallel_loop3A_413 = arith.index_cast %parallel_loop3A_291 : i32 to index
        %parallel_loop3A_414 = arith.constant 128 : index
        %parallel_loop3A_415 = tpu.vector_load %arg4[%parallel_loop3A_412, %parallel_loop3A_413, %parallel_loop3A_414] {strides = array<i32>} : memref<7x16x1024xf32, #tpu.memory_space<vmem>>, vector<1x1x16xf32>,
        %parallel_loop3A_416 = vector.shape_cast %parallel_loop3A_415 : vector<1x1x16xf32> to vector<16xf32>
        %parallel_loop3A_417 = vector.shape_cast %parallel_loop3A_411 : vector<16xf32> to vector<1x1x16xf32>
        tpu.vector_store %arg4[%parallel_loop3A_412, %parallel_loop3A_413, %parallel_loop3A_414], %parallel_loop3A_417 {strides = array<i32>} : memref<7x16x1024xf32, #tpu.memory_space<vmem>>, vector<1x1x16xf32>,
        %parallel_loop3A_418 = arith.index_cast %select_n3A_249 : i32 to index
        %parallel_loop3A_419 = arith.index_cast %parallel_loop3A_291 : i32 to index
        %parallel_loop3A_420 = arith.constant 144 : index
        %parallel_loop3A_421 = tpu.vector_load %arg4[%parallel_loop3A_418, %parallel_loop3A_419, %parallel_loop3A_420] {strides = array<i32>} : memref<7x16x1024xf32, #tpu.memory_space<vmem>>, vector<1x1x16xf32>,
        %parallel_loop3A_422 = vector.shape_cast %parallel_loop3A_421 : vector<1x1x16xf32> to vector<16xf32>
        %parallel_loop3A_423 = arith.constant 3.125000e-02 : f32
        %parallel_loop3A_424 = vector.broadcast %parallel_loop3A_423 : f32 to vector<16xf32>
        %parallel_loop3A_425 = arith.mulf %parallel_loop3A_422, %parallel_loop3A_424 : vector<16xf32>
        %parallel_loop3A_426 = arith.index_cast %select_n3A_249 : i32 to index
        %parallel_loop3A_427 = arith.index_cast %parallel_loop3A_291 : i32 to index
        %parallel_loop3A_428 = arith.constant 144 : index
        %parallel_loop3A_429 = tpu.vector_load %arg4[%parallel_loop3A_426, %parallel_loop3A_427, %parallel_loop3A_428] {strides = array<i32>} : memref<7x16x1024xf32, #tpu.memory_space<vmem>>, vector<1x1x16xf32>,
        %parallel_loop3A_430 = vector.shape_cast %parallel_loop3A_429 : vector<1x1x16xf32> to vector<16xf32>
        %parallel_loop3A_431 = vector.shape_cast %parallel_loop3A_425 : vector<16xf32> to vector<1x1x16xf32>
        tpu.vector_store %arg4[%parallel_loop3A_426, %parallel_loop3A_427, %parallel_loop3A_428], %parallel_loop3A_431 {strides = array<i32>} : memref<7x16x1024xf32, #tpu.memory_space<vmem>>, vector<1x1x16xf32>,
        %parallel_loop3A_432 = arith.index_cast %select_n3A_249 : i32 to index
        %parallel_loop3A_433 = arith.index_cast %parallel_loop3A_291 : i32 to index
        %parallel_loop3A_434 = arith.constant 160 : index
        %parallel_loop3A_435 = tpu.vector_load %arg4[%parallel_loop3A_432, %parallel_loop3A_433, %parallel_loop3A_434] {strides = array<i32>} : memref<7x16x1024xf32, #tpu.memory_space<vmem>>, vector<1x1x16xf32>,
        %parallel_loop3A_436 = vector.shape_cast %parallel_loop3A_435 : vector<1x1x16xf32> to vector<16xf32>
        %parallel_loop3A_437 = arith.constant 3.125000e-02 : f32
        %parallel_loop3A_438 = vector.broadcast %parallel_loop3A_437 : f32 to vector<16xf32>
        %parallel_loop3A_439 = arith.mulf %parallel_loop3A_436, %parallel_loop3A_438 : vector<16xf32>
        %parallel_loop3A_440 = arith.index_cast %select_n3A_249 : i32 to index
        %parallel_loop3A_441 = arith.index_cast %parallel_loop3A_291 : i32 to index
        %parallel_loop3A_442 = arith.constant 160 : index
        %parallel_loop3A_443 = tpu.vector_load %arg4[%parallel_loop3A_440, %parallel_loop3A_441, %parallel_loop3A_442] {strides = array<i32>} : memref<7x16x1024xf32, #tpu.memory_space<vmem>>, vector<1x1x16xf32>,
        %parallel_loop3A_444 = vector.shape_cast %parallel_loop3A_443 : vector<1x1x16xf32> to vector<16xf32>
        %parallel_loop3A_445 = vector.shape_cast %parallel_loop3A_439 : vector<16xf32> to vector<1x1x16xf32>
        tpu.vector_store %arg4[%parallel_loop3A_440, %parallel_loop3A_441, %parallel_loop3A_442], %parallel_loop3A_445 {strides = array<i32>} : memref<7x16x1024xf32, #tpu.memory_space<vmem>>, vector<1x1x16xf32>,
        %parallel_loop3A_446 = arith.index_cast %select_n3A_249 : i32 to index
        %parallel_loop3A_447 = arith.index_cast %parallel_loop3A_291 : i32 to index
        %parallel_loop3A_448 = arith.constant 176 : index
        %parallel_loop3A_449 = tpu.vector_load %arg4[%parallel_loop3A_446, %parallel_loop3A_447, %parallel_loop3A_448] {strides = array<i32>} : memref<7x16x1024xf32, #tpu.memory_space<vmem>>, vector<1x1x16xf32>,
        %parallel_loop3A_450 = vector.shape_cast %parallel_loop3A_449 : vector<1x1x16xf32> to vector<16xf32>
        %parallel_loop3A_451 = arith.constant 3.125000e-02 : f32
        %parallel_loop3A_452 = vector.broadcast %parallel_loop3A_451 : f32 to vector<16xf32>
        %parallel_loop3A_453 = arith.mulf %parallel_loop3A_450, %parallel_loop3A_452 : vector<16xf32>
        %parallel_loop3A_454 = arith.index_cast %select_n3A_249 : i32 to index
        %parallel_loop3A_455 = arith.index_cast %parallel_loop3A_291 : i32 to index
        %parallel_loop3A_456 = arith.constant 176 : index
        %parallel_loop3A_457 = tpu.vector_load %arg4[%parallel_loop3A_454, %parallel_loop3A_455, %parallel_loop3A_456] {strides = array<i32>} : memref<7x16x1024xf32, #tpu.memory_space<vmem>>, vector<1x1x16xf32>,
        %parallel_loop3A_458 = vector.shape_cast %parallel_loop3A_457 : vector<1x1x16xf32> to vector<16xf32>
        %parallel_loop3A_459 = vector.shape_cast %parallel_loop3A_453 : vector<16xf32> to vector<1x1x16xf32>
        tpu.vector_store %arg4[%parallel_loop3A_454, %parallel_loop3A_455, %parallel_loop3A_456], %parallel_loop3A_459 {strides = array<i32>} : memref<7x16x1024xf32, #tpu.memory_space<vmem>>, vector<1x1x16xf32>,
        %parallel_loop3A_460 = arith.index_cast %select_n3A_249 : i32 to index
        %parallel_loop3A_461 = arith.index_cast %parallel_loop3A_291 : i32 to index
        %parallel_loop3A_462 = arith.constant 192 : index
        %parallel_loop3A_463 = tpu.vector_load %arg4[%parallel_loop3A_460, %parallel_loop3A_461, %parallel_loop3A_462] {strides = array<i32>} : memref<7x16x1024xf32, #tpu.memory_space<vmem>>, vector<1x1x16xf32>,
        %parallel_loop3A_464 = vector.shape_cast %parallel_loop3A_463 : vector<1x1x16xf32> to vector<16xf32>
        %parallel_loop3A_465 = arith.constant 3.125000e-02 : f32
        %parallel_loop3A_466 = vector.broadcast %parallel_loop3A_465 : f32 to vector<16xf32>
        %parallel_loop3A_467 = arith.mulf %parallel_loop3A_464, %parallel_loop3A_466 : vector<16xf32>
        %parallel_loop3A_468 = arith.index_cast %select_n3A_249 : i32 to index
        %parallel_loop3A_469 = arith.index_cast %parallel_loop3A_291 : i32 to index
        %parallel_loop3A_470 = arith.constant 192 : index
        %parallel_loop3A_471 = tpu.vector_load %arg4[%parallel_loop3A_468, %parallel_loop3A_469, %parallel_loop3A_470] {strides = array<i32>} : memref<7x16x1024xf32, #tpu.memory_space<vmem>>, vector<1x1x16xf32>,
        %parallel_loop3A_472 = vector.shape_cast %parallel_loop3A_471 : vector<1x1x16xf32> to vector<16xf32>
        %parallel_loop3A_473 = vector.shape_cast %parallel_loop3A_467 : vector<16xf32> to vector<1x1x16xf32>
        tpu.vector_store %arg4[%parallel_loop3A_468, %parallel_loop3A_469, %parallel_loop3A_470], %parallel_loop3A_473 {strides = array<i32>} : memref<7x16x1024xf32, #tpu.memory_space<vmem>>, vector<1x1x16xf32>,
        %parallel_loop3A_474 = arith.index_cast %select_n3A_249 : i32 to index
        %parallel_loop3A_475 = arith.index_cast %parallel_loop3A_291 : i32 to index
        %parallel_loop3A_476 = arith.constant 208 : index
        %parallel_loop3A_477 = tpu.vector_load %arg4[%parallel_loop3A_474, %parallel_loop3A_475, %parallel_loop3A_476] {strides = array<i32>} : memref<7x16x1024xf32, #tpu.memory_space<vmem>>, vector<1x1x16xf32>,
        %parallel_loop3A_478 = vector.shape_cast %parallel_loop3A_477 : vector<1x1x16xf32> to vector<16xf32>
        %parallel_loop3A_479 = arith.constant 3.125000e-02 : f32
        %parallel_loop3A_480 = vector.broadcast %parallel_loop3A_479 : f32 to vector<16xf32>
        %parallel_loop3A_481 = arith.mulf %parallel_loop3A_478, %parallel_loop3A_480 : vector<16xf32>
        %parallel_loop3A_482 = arith.index_cast %select_n3A_249 : i32 to index
        %parallel_loop3A_483 = arith.index_cast %parallel_loop3A_291 : i32 to index
        %parallel_loop3A_484 = arith.constant 208 : index
        %parallel_loop3A_485 = tpu.vector_load %arg4[%parallel_loop3A_482, %parallel_loop3A_483, %parallel_loop3A_484] {strides = array<i32>} : memref<7x16x1024xf32, #tpu.memory_space<vmem>>, vector<1x1x16xf32>,
        %parallel_loop3A_486 = vector.shape_cast %parallel_loop3A_485 : vector<1x1x16xf32> to vector<16xf32>
        %parallel_loop3A_487 = vector.shape_cast %parallel_loop3A_481 : vector<16xf32> to vector<1x1x16xf32>
        tpu.vector_store %arg4[%parallel_loop3A_482, %parallel_loop3A_483, %parallel_loop3A_484], %parallel_loop3A_487 {strides = array<i32>} : memref<7x16x1024xf32, #tpu.memory_space<vmem>>, vector<1x1x16xf32>,
        %parallel_loop3A_488 = arith.index_cast %select_n3A_249 : i32 to index
        %parallel_loop3A_489 = arith.index_cast %parallel_loop3A_291 : i32 to index
        %parallel_loop3A_490 = arith.constant 224 : index
        %parallel_loop3A_491 = tpu.vector_load %arg4[%parallel_loop3A_488, %parallel_loop3A_489, %parallel_loop3A_490] {strides = array<i32>} : memref<7x16x1024xf32, #tpu.memory_space<vmem>>, vector<1x1x16xf32>,
        %parallel_loop3A_492 = vector.shape_cast %parallel_loop3A_491 : vector<1x1x16xf32> to vector<16xf32>
        %parallel_loop3A_493 = arith.constant 3.125000e-02 : f32
        %parallel_loop3A_494 = vector.broadcast %parallel_loop3A_493 : f32 to vector<16xf32>
        %parallel_loop3A_495 = arith.mulf %parallel_loop3A_492, %parallel_loop3A_494 : vector<16xf32>
        %parallel_loop3A_496 = arith.index_cast %select_n3A_249 : i32 to index
        %parallel_loop3A_497 = arith.index_cast %parallel_loop3A_291 : i32 to index
        %parallel_loop3A_498 = arith.constant 224 : index
        %parallel_loop3A_499 = tpu.vector_load %arg4[%parallel_loop3A_496, %parallel_loop3A_497, %parallel_loop3A_498] {strides = array<i32>} : memref<7x16x1024xf32, #tpu.memory_space<vmem>>, vector<1x1x16xf32>,
        %parallel_loop3A_500 = vector.shape_cast %parallel_loop3A_499 : vector<1x1x16xf32> to vector<16xf32>
        %parallel_loop3A_501 = vector.shape_cast %parallel_loop3A_495 : vector<16xf32> to vector<1x1x16xf32>
        tpu.vector_store %arg4[%parallel_loop3A_496, %parallel_loop3A_497, %parallel_loop3A_498], %parallel_loop3A_501 {strides = array<i32>} : memref<7x16x1024xf32, #tpu.memory_space<vmem>>, vector<1x1x16xf32>,
        %parallel_loop3A_502 = arith.index_cast %select_n3A_249 : i32 to index
        %parallel_loop3A_503 = arith.index_cast %parallel_loop3A_291 : i32 to index
        %parallel_loop3A_504 = arith.constant 240 : index
        %parallel_loop3A_505 = tpu.vector_load %arg4[%parallel_loop3A_502, %parallel_loop3A_503, %parallel_loop3A_504] {strides = array<i32>} : memref<7x16x1024xf32, #tpu.memory_space<vmem>>, vector<1x1x16xf32>,
        %parallel_loop3A_506 = vector.shape_cast %parallel_loop3A_505 : vector<1x1x16xf32> to vector<16xf32>
        %parallel_loop3A_507 = arith.constant 3.125000e-02 : f32
        %parallel_loop3A_508 = vector.broadcast %parallel_loop3A_507 : f32 to vector<16xf32>
        %parallel_loop3A_509 = arith.mulf %parallel_loop3A_506, %parallel_loop3A_508 : vector<16xf32>
        %parallel_loop3A_510 = arith.index_cast %select_n3A_249 : i32 to index
        %parallel_loop3A_511 = arith.index_cast %parallel_loop3A_291 : i32 to index
        %parallel_loop3A_512 = arith.constant 240 : index
        %parallel_loop3A_513 = tpu.vector_load %arg4[%parallel_loop3A_510, %parallel_loop3A_511, %parallel_loop3A_512] {strides = array<i32>} : memref<7x16x1024xf32, #tpu.memory_space<vmem>>, vector<1x1x16xf32>,
        %parallel_loop3A_514 = vector.shape_cast %parallel_loop3A_513 : vector<1x1x16xf32> to vector<16xf32>
        %parallel_loop3A_515 = vector.shape_cast %parallel_loop3A_509 : vector<16xf32> to vector<1x1x16xf32>
        tpu.vector_store %arg4[%parallel_loop3A_510, %parallel_loop3A_511, %parallel_loop3A_512], %parallel_loop3A_515 {strides = array<i32>} : memref<7x16x1024xf32, #tpu.memory_space<vmem>>, vector<1x1x16xf32>,
        %parallel_loop3A_516 = arith.index_cast %select_n3A_249 : i32 to index
        %parallel_loop3A_517 = arith.index_cast %parallel_loop3A_291 : i32 to index
        %parallel_loop3A_518 = arith.constant 256 : index
        %parallel_loop3A_519 = tpu.vector_load %arg4[%parallel_loop3A_516, %parallel_loop3A_517, %parallel_loop3A_518] {strides = array<i32>} : memref<7x16x1024xf32, #tpu.memory_space<vmem>>, vector<1x1x16xf32>,
        %parallel_loop3A_520 = vector.shape_cast %parallel_loop3A_519 : vector<1x1x16xf32> to vector<16xf32>
        %parallel_loop3A_521 = arith.constant 3.125000e-02 : f32
        %parallel_loop3A_522 = vector.broadcast %parallel_loop3A_521 : f32 to vector<16xf32>
        %parallel_loop3A_523 = arith.mulf %parallel_loop3A_520, %parallel_loop3A_522 : vector<16xf32>
        %parallel_loop3A_524 = arith.index_cast %select_n3A_249 : i32 to index
        %parallel_loop3A_525 = arith.index_cast %parallel_loop3A_291 : i32 to index
        %parallel_loop3A_526 = arith.constant 256 : index
        %parallel_loop3A_527 = tpu.vector_load %arg4[%parallel_loop3A_524, %parallel_loop3A_525, %parallel_loop3A_526] {strides = array<i32>} : memref<7x16x1024xf32, #tpu.memory_space<vmem>>, vector<1x1x16xf32>,
        %parallel_loop3A_528 = vector.shape_cast %parallel_loop3A_527 : vector<1x1x16xf32> to vector<16xf32>
        %parallel_loop3A_529 = vector.shape_cast %parallel_loop3A_523 : vector<16xf32> to vector<1x1x16xf32>
        tpu.vector_store %arg4[%parallel_loop3A_524, %parallel_loop3A_525, %parallel_loop3A_526], %parallel_loop3A_529 {strides = array<i32>} : memref<7x16x1024xf32, #tpu.memory_space<vmem>>, vector<1x1x16xf32>,
        %parallel_loop3A_530 = arith.index_cast %select_n3A_249 : i32 to index
        %parallel_loop3A_531 = arith.index_cast %parallel_loop3A_291 : i32 to index
        %parallel_loop3A_532 = arith.constant 272 : index
        %parallel_loop3A_533 = tpu.vector_load %arg4[%parallel_loop3A_530, %parallel_loop3A_531, %parallel_loop3A_532] {strides = array<i32>} : memref<7x16x1024xf32, #tpu.memory_space<vmem>>, vector<1x1x16xf32>,
        %parallel_loop3A_534 = vector.shape_cast %parallel_loop3A_533 : vector<1x1x16xf32> to vector<16xf32>
        %parallel_loop3A_535 = arith.constant 3.125000e-02 : f32
        %parallel_loop3A_536 = vector.broadcast %parallel_loop3A_535 : f32 to vector<16xf32>
        %parallel_loop3A_537 = arith.mulf %parallel_loop3A_534, %parallel_loop3A_536 : vector<16xf32>
        %parallel_loop3A_538 = arith.index_cast %select_n3A_249 : i32 to index
        %parallel_loop3A_539 = arith.index_cast %parallel_loop3A_291 : i32 to index
        %parallel_loop3A_540 = arith.constant 272 : index
        %parallel_loop3A_541 = tpu.vector_load %arg4[%parallel_loop3A_538, %parallel_loop3A_539, %parallel_loop3A_540] {strides = array<i32>} : memref<7x16x1024xf32, #tpu.memory_space<vmem>>, vector<1x1x16xf32>,
        %parallel_loop3A_542 = vector.shape_cast %parallel_loop3A_541 : vector<1x1x16xf32> to vector<16xf32>
        %parallel_loop3A_543 = vector.shape_cast %parallel_loop3A_537 : vector<16xf32> to vector<1x1x16xf32>
        tpu.vector_store %arg4[%parallel_loop3A_538, %parallel_loop3A_539, %parallel_loop3A_540], %parallel_loop3A_543 {strides = array<i32>} : memref<7x16x1024xf32, #tpu.memory_space<vmem>>, vector<1x1x16xf32>,
        %parallel_loop3A_544 = arith.index_cast %select_n3A_249 : i32 to index
        %parallel_loop3A_545 = arith.index_cast %parallel_loop3A_291 : i32 to index
        %parallel_loop3A_546 = arith.constant 288 : index
        %parallel_loop3A_547 = tpu.vector_load %arg4[%parallel_loop3A_544, %parallel_loop3A_545, %parallel_loop3A_546] {strides = array<i32>} : memref<7x16x1024xf32, #tpu.memory_space<vmem>>, vector<1x1x16xf32>,
        %parallel_loop3A_548 = vector.shape_cast %parallel_loop3A_547 : vector<1x1x16xf32> to vector<16xf32>
        %parallel_loop3A_549 = arith.constant 3.125000e-02 : f32
        %parallel_loop3A_550 = vector.broadcast %parallel_loop3A_549 : f32 to vector<16xf32>
        %parallel_loop3A_551 = arith.mulf %parallel_loop3A_548, %parallel_loop3A_550 : vector<16xf32>
        %parallel_loop3A_552 = arith.index_cast %select_n3A_249 : i32 to index
        %parallel_loop3A_553 = arith.index_cast %parallel_loop3A_291 : i32 to index
        %parallel_loop3A_554 = arith.constant 288 : index
        %parallel_loop3A_555 = tpu.vector_load %arg4[%parallel_loop3A_552, %parallel_loop3A_553, %parallel_loop3A_554] {strides = array<i32>} : memref<7x16x1024xf32, #tpu.memory_space<vmem>>, vector<1x1x16xf32>,
        %parallel_loop3A_556 = vector.shape_cast %parallel_loop3A_555 : vector<1x1x16xf32> to vector<16xf32>
        %parallel_loop3A_557 = vector.shape_cast %parallel_loop3A_551 : vector<16xf32> to vector<1x1x16xf32>
        tpu.vector_store %arg4[%parallel_loop3A_552, %parallel_loop3A_553, %parallel_loop3A_554], %parallel_loop3A_557 {strides = array<i32>} : memref<7x16x1024xf32, #tpu.memory_space<vmem>>, vector<1x1x16xf32>,
        %parallel_loop3A_558 = arith.index_cast %select_n3A_249 : i32 to index
        %parallel_loop3A_559 = arith.index_cast %parallel_loop3A_291 : i32 to index
        %parallel_loop3A_560 = arith.constant 304 : index
        %parallel_loop3A_561 = tpu.vector_load %arg4[%parallel_loop3A_558, %parallel_loop3A_559, %parallel_loop3A_560] {strides = array<i32>} : memref<7x16x1024xf32, #tpu.memory_space<vmem>>, vector<1x1x16xf32>,
        %parallel_loop3A_562 = vector.shape_cast %parallel_loop3A_561 : vector<1x1x16xf32> to vector<16xf32>
        %parallel_loop3A_563 = arith.constant 3.125000e-02 : f32
        %parallel_loop3A_564 = vector.broadcast %parallel_loop3A_563 : f32 to vector<16xf32>
        %parallel_loop3A_565 = arith.mulf %parallel_loop3A_562, %parallel_loop3A_564 : vector<16xf32>
        %parallel_loop3A_566 = arith.index_cast %select_n3A_249 : i32 to index
        %parallel_loop3A_567 = arith.index_cast %parallel_loop3A_291 : i32 to index
        %parallel_loop3A_568 = arith.constant 304 : index
        %parallel_loop3A_569 = tpu.vector_load %arg4[%parallel_loop3A_566, %parallel_loop3A_567, %parallel_loop3A_568] {strides = array<i32>} : memref<7x16x1024xf32, #tpu.memory_space<vmem>>, vector<1x1x16xf32>,
        %parallel_loop3A_570 = vector.shape_cast %parallel_loop3A_569 : vector<1x1x16xf32> to vector<16xf32>
        %parallel_loop3A_571 = vector.shape_cast %parallel_loop3A_565 : vector<16xf32> to vector<1x1x16xf32>
        tpu.vector_store %arg4[%parallel_loop3A_566, %parallel_loop3A_567, %parallel_loop3A_568], %parallel_loop3A_571 {strides = array<i32>} : memref<7x16x1024xf32, #tpu.memory_space<vmem>>, vector<1x1x16xf32>,
        %parallel_loop3A_572 = arith.index_cast %select_n3A_249 : i32 to index
        %parallel_loop3A_573 = arith.index_cast %parallel_loop3A_291 : i32 to index
        %parallel_loop3A_574 = arith.constant 320 : index
        %parallel_loop3A_575 = tpu.vector_load %arg4[%parallel_loop3A_572, %parallel_loop3A_573, %parallel_loop3A_574] {strides = array<i32>} : memref<7x16x1024xf32, #tpu.memory_space<vmem>>, vector<1x1x16xf32>,
        %parallel_loop3A_576 = vector.shape_cast %parallel_loop3A_575 : vector<1x1x16xf32> to vector<16xf32>
        %parallel_loop3A_577 = arith.constant 3.125000e-02 : f32
        %parallel_loop3A_578 = vector.broadcast %parallel_loop3A_577 : f32 to vector<16xf32>
        %parallel_loop3A_579 = arith.mulf %parallel_loop3A_576, %parallel_loop3A_578 : vector<16xf32>
        %parallel_loop3A_580 = arith.index_cast %select_n3A_249 : i32 to index
        %parallel_loop3A_581 = arith.index_cast %parallel_loop3A_291 : i32 to index
        %parallel_loop3A_582 = arith.constant 320 : index
        %parallel_loop3A_583 = tpu.vector_load %arg4[%parallel_loop3A_580, %parallel_loop3A_581, %parallel_loop3A_582] {strides = array<i32>} : memref<7x16x1024xf32, #tpu.memory_space<vmem>>, vector<1x1x16xf32>,
        %parallel_loop3A_584 = vector.shape_cast %parallel_loop3A_583 : vector<1x1x16xf32> to vector<16xf32>
        %parallel_loop3A_585 = vector.shape_cast %parallel_loop3A_579 : vector<16xf32> to vector<1x1x16xf32>
        tpu.vector_store %arg4[%parallel_loop3A_580, %parallel_loop3A_581, %parallel_loop3A_582], %parallel_loop3A_585 {strides = array<i32>} : memref<7x16x1024xf32, #tpu.memory_space<vmem>>, vector<1x1x16xf32>,
        %parallel_loop3A_586 = arith.index_cast %select_n3A_249 : i32 to index
        %parallel_loop3A_587 = arith.index_cast %parallel_loop3A_291 : i32 to index
        %parallel_loop3A_588 = arith.constant 336 : index
        %parallel_loop3A_589 = tpu.vector_load %arg4[%parallel_loop3A_586, %parallel_loop3A_587, %parallel_loop3A_588] {strides = array<i32>} : memref<7x16x1024xf32, #tpu.memory_space<vmem>>, vector<1x1x16xf32>,
        %parallel_loop3A_590 = vector.shape_cast %parallel_loop3A_589 : vector<1x1x16xf32> to vector<16xf32>
        %parallel_loop3A_591 = arith.constant 3.125000e-02 : f32
        %parallel_loop3A_592 = vector.broadcast %parallel_loop3A_591 : f32 to vector<16xf32>
        %parallel_loop3A_593 = arith.mulf %parallel_loop3A_590, %parallel_loop3A_592 : vector<16xf32>
        %parallel_loop3A_594 = arith.index_cast %select_n3A_249 : i32 to index
        %parallel_loop3A_595 = arith.index_cast %parallel_loop3A_291 : i32 to index
        %parallel_loop3A_596 = arith.constant 336 : index
        %parallel_loop3A_597 = tpu.vector_load %arg4[%parallel_loop3A_594, %parallel_loop3A_595, %parallel_loop3A_596] {strides = array<i32>} : memref<7x16x1024xf32, #tpu.memory_space<vmem>>, vector<1x1x16xf32>,
        %parallel_loop3A_598 = vector.shape_cast %parallel_loop3A_597 : vector<1x1x16xf32> to vector<16xf32>
        %parallel_loop3A_599 = vector.shape_cast %parallel_loop3A_593 : vector<16xf32> to vector<1x1x16xf32>
        tpu.vector_store %arg4[%parallel_loop3A_594, %parallel_loop3A_595, %parallel_loop3A_596], %parallel_loop3A_599 {strides = array<i32>} : memref<7x16x1024xf32, #tpu.memory_space<vmem>>, vector<1x1x16xf32>,
        %parallel_loop3A_600 = arith.index_cast %select_n3A_249 : i32 to index
        %parallel_loop3A_601 = arith.index_cast %parallel_loop3A_291 : i32 to index
        %parallel_loop3A_602 = arith.constant 352 : index
        %parallel_loop3A_603 = tpu.vector_load %arg4[%parallel_loop3A_600, %parallel_loop3A_601, %parallel_loop3A_602] {strides = array<i32>} : memref<7x16x1024xf32, #tpu.memory_space<vmem>>, vector<1x1x16xf32>,
        %parallel_loop3A_604 = vector.shape_cast %parallel_loop3A_603 : vector<1x1x16xf32> to vector<16xf32>
        %parallel_loop3A_605 = arith.constant 3.125000e-02 : f32
        %parallel_loop3A_606 = vector.broadcast %parallel_loop3A_605 : f32 to vector<16xf32>
        %parallel_loop3A_607 = arith.mulf %parallel_loop3A_604, %parallel_loop3A_606 : vector<16xf32>
        %parallel_loop3A_608 = arith.index_cast %select_n3A_249 : i32 to index
        %parallel_loop3A_609 = arith.index_cast %parallel_loop3A_291 : i32 to index
        %parallel_loop3A_610 = arith.constant 352 : index
        %parallel_loop3A_611 = tpu.vector_load %arg4[%parallel_loop3A_608, %parallel_loop3A_609, %parallel_loop3A_610] {strides = array<i32>} : memref<7x16x1024xf32, #tpu.memory_space<vmem>>, vector<1x1x16xf32>,
        %parallel_loop3A_612 = vector.shape_cast %parallel_loop3A_611 : vector<1x1x16xf32> to vector<16xf32>
        %parallel_loop3A_613 = vector.shape_cast %parallel_loop3A_607 : vector<16xf32> to vector<1x1x16xf32>
        tpu.vector_store %arg4[%parallel_loop3A_608, %parallel_loop3A_609, %parallel_loop3A_610], %parallel_loop3A_613 {strides = array<i32>} : memref<7x16x1024xf32, #tpu.memory_space<vmem>>, vector<1x1x16xf32>,
        %parallel_loop3A_614 = arith.index_cast %select_n3A_249 : i32 to index
        %parallel_loop3A_615 = arith.index_cast %parallel_loop3A_291 : i32 to index
        %parallel_loop3A_616 = arith.constant 368 : index
        %parallel_loop3A_617 = tpu.vector_load %arg4[%parallel_loop3A_614, %parallel_loop3A_615, %parallel_loop3A_616] {strides = array<i32>} : memref<7x16x1024xf32, #tpu.memory_space<vmem>>, vector<1x1x16xf32>,
        %parallel_loop3A_618 = vector.shape_cast %parallel_loop3A_617 : vector<1x1x16xf32> to vector<16xf32>
        %parallel_loop3A_619 = arith.constant 3.125000e-02 : f32
        %parallel_loop3A_620 = vector.broadcast %parallel_loop3A_619 : f32 to vector<16xf32>
        %parallel_loop3A_621 = arith.mulf %parallel_loop3A_618, %parallel_loop3A_620 : vector<16xf32>
        %parallel_loop3A_622 = arith.index_cast %select_n3A_249 : i32 to index
        %parallel_loop3A_623 = arith.index_cast %parallel_loop3A_291 : i32 to index
        %parallel_loop3A_624 = arith.constant 368 : index
        %parallel_loop3A_625 = tpu.vector_load %arg4[%parallel_loop3A_622, %parallel_loop3A_623, %parallel_loop3A_624] {strides = array<i32>} : memref<7x16x1024xf32, #tpu.memory_space<vmem>>, vector<1x1x16xf32>,
        %parallel_loop3A_626 = vector.shape_cast %parallel_loop3A_625 : vector<1x1x16xf32> to vector<16xf32>
        %parallel_loop3A_627 = vector.shape_cast %parallel_loop3A_621 : vector<16xf32> to vector<1x1x16xf32>
        tpu.vector_store %arg4[%parallel_loop3A_622, %parallel_loop3A_623, %parallel_loop3A_624], %parallel_loop3A_627 {strides = array<i32>} : memref<7x16x1024xf32, #tpu.memory_space<vmem>>, vector<1x1x16xf32>,
        %parallel_loop3A_628 = arith.index_cast %select_n3A_249 : i32 to index
        %parallel_loop3A_629 = arith.index_cast %parallel_loop3A_291 : i32 to index
        %parallel_loop3A_630 = arith.constant 384 : index
        %parallel_loop3A_631 = tpu.vector_load %arg4[%parallel_loop3A_628, %parallel_loop3A_629, %parallel_loop3A_630] {strides = array<i32>} : memref<7x16x1024xf32, #tpu.memory_space<vmem>>, vector<1x1x16xf32>,
        %parallel_loop3A_632 = vector.shape_cast %parallel_loop3A_631 : vector<1x1x16xf32> to vector<16xf32>
        %parallel_loop3A_633 = arith.constant 3.125000e-02 : f32
        %parallel_loop3A_634 = vector.broadcast %parallel_loop3A_633 : f32 to vector<16xf32>
        %parallel_loop3A_635 = arith.mulf %parallel_loop3A_632, %parallel_loop3A_634 : vector<16xf32>
        %parallel_loop3A_636 = arith.index_cast %select_n3A_249 : i32 to index
        %parallel_loop3A_637 = arith.index_cast %parallel_loop3A_291 : i32 to index
        %parallel_loop3A_638 = arith.constant 384 : index
        %parallel_loop3A_639 = tpu.vector_load %arg4[%parallel_loop3A_636, %parallel_loop3A_637, %parallel_loop3A_638] {strides = array<i32>} : memref<7x16x1024xf32, #tpu.memory_space<vmem>>, vector<1x1x16xf32>,
        %parallel_loop3A_640 = vector.shape_cast %parallel_loop3A_639 : vector<1x1x16xf32> to vector<16xf32>
        %parallel_loop3A_641 = vector.shape_cast %parallel_loop3A_635 : vector<16xf32> to vector<1x1x16xf32>
        tpu.vector_store %arg4[%parallel_loop3A_636, %parallel_loop3A_637, %parallel_loop3A_638], %parallel_loop3A_641 {strides = array<i32>} : memref<7x16x1024xf32, #tpu.memory_space<vmem>>, vector<1x1x16xf32>,
        %parallel_loop3A_642 = arith.index_cast %select_n3A_249 : i32 to index
        %parallel_loop3A_643 = arith.index_cast %parallel_loop3A_291 : i32 to index
        %parallel_loop3A_644 = arith.constant 400 : index
        %parallel_loop3A_645 = tpu.vector_load %arg4[%parallel_loop3A_642, %parallel_loop3A_643, %parallel_loop3A_644] {strides = array<i32>} : memref<7x16x1024xf32, #tpu.memory_space<vmem>>, vector<1x1x16xf32>,
        %parallel_loop3A_646 = vector.shape_cast %parallel_loop3A_645 : vector<1x1x16xf32> to vector<16xf32>
        %parallel_loop3A_647 = arith.constant 3.125000e-02 : f32
        %parallel_loop3A_648 = vector.broadcast %parallel_loop3A_647 : f32 to vector<16xf32>
        %parallel_loop3A_649 = arith.mulf %parallel_loop3A_646, %parallel_loop3A_648 : vector<16xf32>
        %parallel_loop3A_650 = arith.index_cast %select_n3A_249 : i32 to index
        %parallel_loop3A_651 = arith.index_cast %parallel_loop3A_291 : i32 to index
        %parallel_loop3A_652 = arith.constant 400 : index
        %parallel_loop3A_653 = tpu.vector_load %arg4[%parallel_loop3A_650, %parallel_loop3A_651, %parallel_loop3A_652] {strides = array<i32>} : memref<7x16x1024xf32, #tpu.memory_space<vmem>>, vector<1x1x16xf32>,
        %parallel_loop3A_654 = vector.shape_cast %parallel_loop3A_653 : vector<1x1x16xf32> to vector<16xf32>
        %parallel_loop3A_655 = vector.shape_cast %parallel_loop3A_649 : vector<16xf32> to vector<1x1x16xf32>
        tpu.vector_store %arg4[%parallel_loop3A_650, %parallel_loop3A_651, %parallel_loop3A_652], %parallel_loop3A_655 {strides = array<i32>} : memref<7x16x1024xf32, #tpu.memory_space<vmem>>, vector<1x1x16xf32>,
        %parallel_loop3A_656 = arith.index_cast %select_n3A_249 : i32 to index
        %parallel_loop3A_657 = arith.index_cast %parallel_loop3A_291 : i32 to index
        %parallel_loop3A_658 = arith.constant 416 : index
        %parallel_loop3A_659 = tpu.vector_load %arg4[%parallel_loop3A_656, %parallel_loop3A_657, %parallel_loop3A_658] {strides = array<i32>} : memref<7x16x1024xf32, #tpu.memory_space<vmem>>, vector<1x1x16xf32>,
        %parallel_loop3A_660 = vector.shape_cast %parallel_loop3A_659 : vector<1x1x16xf32> to vector<16xf32>
        %parallel_loop3A_661 = arith.constant 3.125000e-02 : f32
        %parallel_loop3A_662 = vector.broadcast %parallel_loop3A_661 : f32 to vector<16xf32>
        %parallel_loop3A_663 = arith.mulf %parallel_loop3A_660, %parallel_loop3A_662 : vector<16xf32>
        %parallel_loop3A_664 = arith.index_cast %select_n3A_249 : i32 to index
        %parallel_loop3A_665 = arith.index_cast %parallel_loop3A_291 : i32 to index
        %parallel_loop3A_666 = arith.constant 416 : index
        %parallel_loop3A_667 = tpu.vector_load %arg4[%parallel_loop3A_664, %parallel_loop3A_665, %parallel_loop3A_666] {strides = array<i32>} : memref<7x16x1024xf32, #tpu.memory_space<vmem>>, vector<1x1x16xf32>,
        %parallel_loop3A_668 = vector.shape_cast %parallel_loop3A_667 : vector<1x1x16xf32> to vector<16xf32>
        %parallel_loop3A_669 = vector.shape_cast %parallel_loop3A_663 : vector<16xf32> to vector<1x1x16xf32>
        tpu.vector_store %arg4[%parallel_loop3A_664, %parallel_loop3A_665, %parallel_loop3A_666], %parallel_loop3A_669 {strides = array<i32>} : memref<7x16x1024xf32, #tpu.memory_space<vmem>>, vector<1x1x16xf32>,
        %parallel_loop3A_670 = arith.index_cast %select_n3A_249 : i32 to index
        %parallel_loop3A_671 = arith.index_cast %parallel_loop3A_291 : i32 to index
        %parallel_loop3A_672 = arith.constant 432 : index
        %parallel_loop3A_673 = tpu.vector_load %arg4[%parallel_loop3A_670, %parallel_loop3A_671, %parallel_loop3A_672] {strides = array<i32>} : memref<7x16x1024xf32, #tpu.memory_space<vmem>>, vector<1x1x16xf32>,
        %parallel_loop3A_674 = vector.shape_cast %parallel_loop3A_673 : vector<1x1x16xf32> to vector<16xf32>
        %parallel_loop3A_675 = arith.constant 3.125000e-02 : f32
        %parallel_loop3A_676 = vector.broadcast %parallel_loop3A_675 : f32 to vector<16xf32>
        %parallel_loop3A_677 = arith.mulf %parallel_loop3A_674, %parallel_loop3A_676 : vector<16xf32>
        %parallel_loop3A_678 = arith.index_cast %select_n3A_249 : i32 to index
        %parallel_loop3A_679 = arith.index_cast %parallel_loop3A_291 : i32 to index
        %parallel_loop3A_680 = arith.constant 432 : index
        %parallel_loop3A_681 = tpu.vector_load %arg4[%parallel_loop3A_678, %parallel_loop3A_679, %parallel_loop3A_680] {strides = array<i32>} : memref<7x16x1024xf32, #tpu.memory_space<vmem>>, vector<1x1x16xf32>,
        %parallel_loop3A_682 = vector.shape_cast %parallel_loop3A_681 : vector<1x1x16xf32> to vector<16xf32>
        %parallel_loop3A_683 = vector.shape_cast %parallel_loop3A_677 : vector<16xf32> to vector<1x1x16xf32>
        tpu.vector_store %arg4[%parallel_loop3A_678, %parallel_loop3A_679, %parallel_loop3A_680], %parallel_loop3A_683 {strides = array<i32>} : memref<7x16x1024xf32, #tpu.memory_space<vmem>>, vector<1x1x16xf32>,
        %parallel_loop3A_684 = arith.index_cast %select_n3A_249 : i32 to index
        %parallel_loop3A_685 = arith.index_cast %parallel_loop3A_291 : i32 to index
        %parallel_loop3A_686 = arith.constant 448 : index
        %parallel_loop3A_687 = tpu.vector_load %arg4[%parallel_loop3A_684, %parallel_loop3A_685, %parallel_loop3A_686] {strides = array<i32>} : memref<7x16x1024xf32, #tpu.memory_space<vmem>>, vector<1x1x16xf32>,
        %parallel_loop3A_688 = vector.shape_cast %parallel_loop3A_687 : vector<1x1x16xf32> to vector<16xf32>
        %parallel_loop3A_689 = arith.constant 3.125000e-02 : f32
        %parallel_loop3A_690 = vector.broadcast %parallel_loop3A_689 : f32 to vector<16xf32>
        %parallel_loop3A_691 = arith.mulf %parallel_loop3A_688, %parallel_loop3A_690 : vector<16xf32>
        %parallel_loop3A_692 = arith.index_cast %select_n3A_249 : i32 to index
        %parallel_loop3A_693 = arith.index_cast %parallel_loop3A_291 : i32 to index
        %parallel_loop3A_694 = arith.constant 448 : index
        %parallel_loop3A_695 = tpu.vector_load %arg4[%parallel_loop3A_692, %parallel_loop3A_693, %parallel_loop3A_694] {strides = array<i32>} : memref<7x16x1024xf32, #tpu.memory_space<vmem>>, vector<1x1x16xf32>,
        %parallel_loop3A_696 = vector.shape_cast %parallel_loop3A_695 : vector<1x1x16xf32> to vector<16xf32>
        %parallel_loop3A_697 = vector.shape_cast %parallel_loop3A_691 : vector<16xf32> to vector<1x1x16xf32>
        tpu.vector_store %arg4[%parallel_loop3A_692, %parallel_loop3A_693, %parallel_loop3A_694], %parallel_loop3A_697 {strides = array<i32>} : memref<7x16x1024xf32, #tpu.memory_space<vmem>>, vector<1x1x16xf32>,
        %parallel_loop3A_698 = arith.index_cast %select_n3A_249 : i32 to index
        %parallel_loop3A_699 = arith.index_cast %parallel_loop3A_291 : i32 to index
        %parallel_loop3A_700 = arith.constant 464 : index
        %parallel_loop3A_701 = tpu.vector_load %arg4[%parallel_loop3A_698, %parallel_loop3A_699, %parallel_loop3A_700] {strides = array<i32>} : memref<7x16x1024xf32, #tpu.memory_space<vmem>>, vector<1x1x16xf32>,
        %parallel_loop3A_702 = vector.shape_cast %parallel_loop3A_701 : vector<1x1x16xf32> to vector<16xf32>
        %parallel_loop3A_703 = arith.constant 3.125000e-02 : f32
        %parallel_loop3A_704 = vector.broadcast %parallel_loop3A_703 : f32 to vector<16xf32>
        %parallel_loop3A_705 = arith.mulf %parallel_loop3A_702, %parallel_loop3A_704 : vector<16xf32>
        %parallel_loop3A_706 = arith.index_cast %select_n3A_249 : i32 to index
        %parallel_loop3A_707 = arith.index_cast %parallel_loop3A_291 : i32 to index
        %parallel_loop3A_708 = arith.constant 464 : index
        %parallel_loop3A_709 = tpu.vector_load %arg4[%parallel_loop3A_706, %parallel_loop3A_707, %parallel_loop3A_708] {strides = array<i32>} : memref<7x16x1024xf32, #tpu.memory_space<vmem>>, vector<1x1x16xf32>,
        %parallel_loop3A_710 = vector.shape_cast %parallel_loop3A_709 : vector<1x1x16xf32> to vector<16xf32>
        %parallel_loop3A_711 = vector.shape_cast %parallel_loop3A_705 : vector<16xf32> to vector<1x1x16xf32>
        tpu.vector_store %arg4[%parallel_loop3A_706, %parallel_loop3A_707, %parallel_loop3A_708], %parallel_loop3A_711 {strides = array<i32>} : memref<7x16x1024xf32, #tpu.memory_space<vmem>>, vector<1x1x16xf32>,
        %parallel_loop3A_712 = arith.index_cast %select_n3A_249 : i32 to index
        %parallel_loop3A_713 = arith.index_cast %parallel_loop3A_291 : i32 to index
        %parallel_loop3A_714 = arith.constant 480 : index
        %parallel_loop3A_715 = tpu.vector_load %arg4[%parallel_loop3A_712, %parallel_loop3A_713, %parallel_loop3A_714] {strides = array<i32>} : memref<7x16x1024xf32, #tpu.memory_space<vmem>>, vector<1x1x16xf32>,
        %parallel_loop3A_716 = vector.shape_cast %parallel_loop3A_715 : vector<1x1x16xf32> to vector<16xf32>
        %parallel_loop3A_717 = arith.constant 3.125000e-02 : f32
        %parallel_loop3A_718 = vector.broadcast %parallel_loop3A_717 : f32 to vector<16xf32>
        %parallel_loop3A_719 = arith.mulf %parallel_loop3A_716, %parallel_loop3A_718 : vector<16xf32>
        %parallel_loop3A_720 = arith.index_cast %select_n3A_249 : i32 to index
        %parallel_loop3A_721 = arith.index_cast %parallel_loop3A_291 : i32 to index
        %parallel_loop3A_722 = arith.constant 480 : index
        %parallel_loop3A_723 = tpu.vector_load %arg4[%parallel_loop3A_720, %parallel_loop3A_721, %parallel_loop3A_722] {strides = array<i32>} : memref<7x16x1024xf32, #tpu.memory_space<vmem>>, vector<1x1x16xf32>,
        %parallel_loop3A_724 = vector.shape_cast %parallel_loop3A_723 : vector<1x1x16xf32> to vector<16xf32>
        %parallel_loop3A_725 = vector.shape_cast %parallel_loop3A_719 : vector<16xf32> to vector<1x1x16xf32>
        tpu.vector_store %arg4[%parallel_loop3A_720, %parallel_loop3A_721, %parallel_loop3A_722], %parallel_loop3A_725 {strides = array<i32>} : memref<7x16x1024xf32, #tpu.memory_space<vmem>>, vector<1x1x16xf32>,
        %parallel_loop3A_726 = arith.index_cast %select_n3A_249 : i32 to index
        %parallel_loop3A_727 = arith.index_cast %parallel_loop3A_291 : i32 to index
        %parallel_loop3A_728 = arith.constant 496 : index
        %parallel_loop3A_729 = tpu.vector_load %arg4[%parallel_loop3A_726, %parallel_loop3A_727, %parallel_loop3A_728] {strides = array<i32>} : memref<7x16x1024xf32, #tpu.memory_space<vmem>>, vector<1x1x16xf32>,
        %parallel_loop3A_730 = vector.shape_cast %parallel_loop3A_729 : vector<1x1x16xf32> to vector<16xf32>
        %parallel_loop3A_731 = arith.constant 3.125000e-02 : f32
        %parallel_loop3A_732 = vector.broadcast %parallel_loop3A_731 : f32 to vector<16xf32>
        %parallel_loop3A_733 = arith.mulf %parallel_loop3A_730, %parallel_loop3A_732 : vector<16xf32>
        %parallel_loop3A_734 = arith.index_cast %select_n3A_249 : i32 to index
        %parallel_loop3A_735 = arith.index_cast %parallel_loop3A_291 : i32 to index
        %parallel_loop3A_736 = arith.constant 496 : index
        %parallel_loop3A_737 = tpu.vector_load %arg4[%parallel_loop3A_734, %parallel_loop3A_735, %parallel_loop3A_736] {strides = array<i32>} : memref<7x16x1024xf32, #tpu.memory_space<vmem>>, vector<1x1x16xf32>,
        %parallel_loop3A_738 = vector.shape_cast %parallel_loop3A_737 : vector<1x1x16xf32> to vector<16xf32>
        %parallel_loop3A_739 = vector.shape_cast %parallel_loop3A_733 : vector<16xf32> to vector<1x1x16xf32>
        tpu.vector_store %arg4[%parallel_loop3A_734, %parallel_loop3A_735, %parallel_loop3A_736], %parallel_loop3A_739 {strides = array<i32>} : memref<7x16x1024xf32, #tpu.memory_space<vmem>>, vector<1x1x16xf32>,
        %parallel_loop3A_740 = arith.index_cast %select_n3A_249 : i32 to index
        %parallel_loop3A_741 = arith.index_cast %parallel_loop3A_291 : i32 to index
        %parallel_loop3A_742 = arith.constant 512 : index
        %parallel_loop3A_743 = tpu.vector_load %arg4[%parallel_loop3A_740, %parallel_loop3A_741, %parallel_loop3A_742] {strides = array<i32>} : memref<7x16x1024xf32, #tpu.memory_space<vmem>>, vector<1x1x16xf32>,
        %parallel_loop3A_744 = vector.shape_cast %parallel_loop3A_743 : vector<1x1x16xf32> to vector<16xf32>
        %parallel_loop3A_745 = arith.constant 3.125000e-02 : f32
        %parallel_loop3A_746 = vector.broadcast %parallel_loop3A_745 : f32 to vector<16xf32>
        %parallel_loop3A_747 = arith.mulf %parallel_loop3A_744, %parallel_loop3A_746 : vector<16xf32>
        %parallel_loop3A_748 = arith.index_cast %select_n3A_249 : i32 to index
        %parallel_loop3A_749 = arith.index_cast %parallel_loop3A_291 : i32 to index
        %parallel_loop3A_750 = arith.constant 512 : index
        %parallel_loop3A_751 = tpu.vector_load %arg4[%parallel_loop3A_748, %parallel_loop3A_749, %parallel_loop3A_750] {strides = array<i32>} : memref<7x16x1024xf32, #tpu.memory_space<vmem>>, vector<1x1x16xf32>,
        %parallel_loop3A_752 = vector.shape_cast %parallel_loop3A_751 : vector<1x1x16xf32> to vector<16xf32>
        %parallel_loop3A_753 = vector.shape_cast %parallel_loop3A_747 : vector<16xf32> to vector<1x1x16xf32>
        tpu.vector_store %arg4[%parallel_loop3A_748, %parallel_loop3A_749, %parallel_loop3A_750], %parallel_loop3A_753 {strides = array<i32>} : memref<7x16x1024xf32, #tpu.memory_space<vmem>>, vector<1x1x16xf32>,
        %parallel_loop3A_754 = arith.index_cast %select_n3A_249 : i32 to index
        %parallel_loop3A_755 = arith.index_cast %parallel_loop3A_291 : i32 to index
        %parallel_loop3A_756 = arith.constant 528 : index
        %parallel_loop3A_757 = tpu.vector_load %arg4[%parallel_loop3A_754, %parallel_loop3A_755, %parallel_loop3A_756] {strides = array<i32>} : memref<7x16x1024xf32, #tpu.memory_space<vmem>>, vector<1x1x16xf32>,
        %parallel_loop3A_758 = vector.shape_cast %parallel_loop3A_757 : vector<1x1x16xf32> to vector<16xf32>
        %parallel_loop3A_759 = arith.constant 3.125000e-02 : f32
        %parallel_loop3A_760 = vector.broadcast %parallel_loop3A_759 : f32 to vector<16xf32>
        %parallel_loop3A_761 = arith.mulf %parallel_loop3A_758, %parallel_loop3A_760 : vector<16xf32>
        %parallel_loop3A_762 = arith.index_cast %select_n3A_249 : i32 to index
        %parallel_loop3A_763 = arith.index_cast %parallel_loop3A_291 : i32 to index
        %parallel_loop3A_764 = arith.constant 528 : index
        %parallel_loop3A_765 = tpu.vector_load %arg4[%parallel_loop3A_762, %parallel_loop3A_763, %parallel_loop3A_764] {strides = array<i32>} : memref<7x16x1024xf32, #tpu.memory_space<vmem>>, vector<1x1x16xf32>,
        %parallel_loop3A_766 = vector.shape_cast %parallel_loop3A_765 : vector<1x1x16xf32> to vector<16xf32>
        %parallel_loop3A_767 = vector.shape_cast %parallel_loop3A_761 : vector<16xf32> to vector<1x1x16xf32>
        tpu.vector_store %arg4[%parallel_loop3A_762, %parallel_loop3A_763, %parallel_loop3A_764], %parallel_loop3A_767 {strides = array<i32>} : memref<7x16x1024xf32, #tpu.memory_space<vmem>>, vector<1x1x16xf32>,
        %parallel_loop3A_768 = arith.index_cast %select_n3A_249 : i32 to index
        %parallel_loop3A_769 = arith.index_cast %parallel_loop3A_291 : i32 to index
        %parallel_loop3A_770 = arith.constant 544 : index
        %parallel_loop3A_771 = tpu.vector_load %arg4[%parallel_loop3A_768, %parallel_loop3A_769, %parallel_loop3A_770] {strides = array<i32>} : memref<7x16x1024xf32, #tpu.memory_space<vmem>>, vector<1x1x16xf32>,
        %parallel_loop3A_772 = vector.shape_cast %parallel_loop3A_771 : vector<1x1x16xf32> to vector<16xf32>
        %parallel_loop3A_773 = arith.constant 3.125000e-02 : f32
        %parallel_loop3A_774 = vector.broadcast %parallel_loop3A_773 : f32 to vector<16xf32>
        %parallel_loop3A_775 = arith.mulf %parallel_loop3A_772, %parallel_loop3A_774 : vector<16xf32>
        %parallel_loop3A_776 = arith.index_cast %select_n3A_249 : i32 to index
        %parallel_loop3A_777 = arith.index_cast %parallel_loop3A_291 : i32 to index
        %parallel_loop3A_778 = arith.constant 544 : index
        %parallel_loop3A_779 = tpu.vector_load %arg4[%parallel_loop3A_776, %parallel_loop3A_777, %parallel_loop3A_778] {strides = array<i32>} : memref<7x16x1024xf32, #tpu.memory_space<vmem>>, vector<1x1x16xf32>,
        %parallel_loop3A_780 = vector.shape_cast %parallel_loop3A_779 : vector<1x1x16xf32> to vector<16xf32>
        %parallel_loop3A_781 = vector.shape_cast %parallel_loop3A_775 : vector<16xf32> to vector<1x1x16xf32>
        tpu.vector_store %arg4[%parallel_loop3A_776, %parallel_loop3A_777, %parallel_loop3A_778], %parallel_loop3A_781 {strides = array<i32>} : memref<7x16x1024xf32, #tpu.memory_space<vmem>>, vector<1x1x16xf32>,
        %parallel_loop3A_782 = arith.index_cast %select_n3A_249 : i32 to index
        %parallel_loop3A_783 = arith.index_cast %parallel_loop3A_291 : i32 to index
        %parallel_loop3A_784 = arith.constant 560 : index
        %parallel_loop3A_785 = tpu.vector_load %arg4[%parallel_loop3A_782, %parallel_loop3A_783, %parallel_loop3A_784] {strides = array<i32>} : memref<7x16x1024xf32, #tpu.memory_space<vmem>>, vector<1x1x16xf32>,
        %parallel_loop3A_786 = vector.shape_cast %parallel_loop3A_785 : vector<1x1x16xf32> to vector<16xf32>
        %parallel_loop3A_787 = arith.constant 3.125000e-02 : f32
        %parallel_loop3A_788 = vector.broadcast %parallel_loop3A_787 : f32 to vector<16xf32>
        %parallel_loop3A_789 = arith.mulf %parallel_loop3A_786, %parallel_loop3A_788 : vector<16xf32>
        %parallel_loop3A_790 = arith.index_cast %select_n3A_249 : i32 to index
        %parallel_loop3A_791 = arith.index_cast %parallel_loop3A_291 : i32 to index
        %parallel_loop3A_792 = arith.constant 560 : index
        %parallel_loop3A_793 = tpu.vector_load %arg4[%parallel_loop3A_790, %parallel_loop3A_791, %parallel_loop3A_792] {strides = array<i32>} : memref<7x16x1024xf32, #tpu.memory_space<vmem>>, vector<1x1x16xf32>,
        %parallel_loop3A_794 = vector.shape_cast %parallel_loop3A_793 : vector<1x1x16xf32> to vector<16xf32>
        %parallel_loop3A_795 = vector.shape_cast %parallel_loop3A_789 : vector<16xf32> to vector<1x1x16xf32>
        tpu.vector_store %arg4[%parallel_loop3A_790, %parallel_loop3A_791, %parallel_loop3A_792], %parallel_loop3A_795 {strides = array<i32>} : memref<7x16x1024xf32, #tpu.memory_space<vmem>>, vector<1x1x16xf32>,
        %parallel_loop3A_796 = arith.index_cast %select_n3A_249 : i32 to index
        %parallel_loop3A_797 = arith.index_cast %parallel_loop3A_291 : i32 to index
        %parallel_loop3A_798 = arith.constant 576 : index
        %parallel_loop3A_799 = tpu.vector_load %arg4[%parallel_loop3A_796, %parallel_loop3A_797, %parallel_loop3A_798] {strides = array<i32>} : memref<7x16x1024xf32, #tpu.memory_space<vmem>>, vector<1x1x16xf32>,
        %parallel_loop3A_800 = vector.shape_cast %parallel_loop3A_799 : vector<1x1x16xf32> to vector<16xf32>
        %parallel_loop3A_801 = arith.constant 3.125000e-02 : f32
        %parallel_loop3A_802 = vector.broadcast %parallel_loop3A_801 : f32 to vector<16xf32>
        %parallel_loop3A_803 = arith.mulf %parallel_loop3A_800, %parallel_loop3A_802 : vector<16xf32>
        %parallel_loop3A_804 = arith.index_cast %select_n3A_249 : i32 to index
        %parallel_loop3A_805 = arith.index_cast %parallel_loop3A_291 : i32 to index
        %parallel_loop3A_806 = arith.constant 576 : index
        %parallel_loop3A_807 = tpu.vector_load %arg4[%parallel_loop3A_804, %parallel_loop3A_805, %parallel_loop3A_806] {strides = array<i32>} : memref<7x16x1024xf32, #tpu.memory_space<vmem>>, vector<1x1x16xf32>,
        %parallel_loop3A_808 = vector.shape_cast %parallel_loop3A_807 : vector<1x1x16xf32> to vector<16xf32>
        %parallel_loop3A_809 = vector.shape_cast %parallel_loop3A_803 : vector<16xf32> to vector<1x1x16xf32>
        tpu.vector_store %arg4[%parallel_loop3A_804, %parallel_loop3A_805, %parallel_loop3A_806], %parallel_loop3A_809 {strides = array<i32>} : memref<7x16x1024xf32, #tpu.memory_space<vmem>>, vector<1x1x16xf32>,
        %parallel_loop3A_810 = arith.index_cast %select_n3A_249 : i32 to index
        %parallel_loop3A_811 = arith.index_cast %parallel_loop3A_291 : i32 to index
        %parallel_loop3A_812 = arith.constant 592 : index
        %parallel_loop3A_813 = tpu.vector_load %arg4[%parallel_loop3A_810, %parallel_loop3A_811, %parallel_loop3A_812] {strides = array<i32>} : memref<7x16x1024xf32, #tpu.memory_space<vmem>>, vector<1x1x16xf32>,
        %parallel_loop3A_814 = vector.shape_cast %parallel_loop3A_813 : vector<1x1x16xf32> to vector<16xf32>
        %parallel_loop3A_815 = arith.constant 3.125000e-02 : f32
        %parallel_loop3A_816 = vector.broadcast %parallel_loop3A_815 : f32 to vector<16xf32>
        %parallel_loop3A_817 = arith.mulf %parallel_loop3A_814, %parallel_loop3A_816 : vector<16xf32>
        %parallel_loop3A_818 = arith.index_cast %select_n3A_249 : i32 to index
        %parallel_loop3A_819 = arith.index_cast %parallel_loop3A_291 : i32 to index
        %parallel_loop3A_820 = arith.constant 592 : index
        %parallel_loop3A_821 = tpu.vector_load %arg4[%parallel_loop3A_818, %parallel_loop3A_819, %parallel_loop3A_820] {strides = array<i32>} : memref<7x16x1024xf32, #tpu.memory_space<vmem>>, vector<1x1x16xf32>,
        %parallel_loop3A_822 = vector.shape_cast %parallel_loop3A_821 : vector<1x1x16xf32> to vector<16xf32>
        %parallel_loop3A_823 = vector.shape_cast %parallel_loop3A_817 : vector<16xf32> to vector<1x1x16xf32>
        tpu.vector_store %arg4[%parallel_loop3A_818, %parallel_loop3A_819, %parallel_loop3A_820], %parallel_loop3A_823 {strides = array<i32>} : memref<7x16x1024xf32, #tpu.memory_space<vmem>>, vector<1x1x16xf32>,
        %parallel_loop3A_824 = arith.index_cast %select_n3A_249 : i32 to index
        %parallel_loop3A_825 = arith.index_cast %parallel_loop3A_291 : i32 to index
        %parallel_loop3A_826 = arith.constant 608 : index
        %parallel_loop3A_827 = tpu.vector_load %arg4[%parallel_loop3A_824, %parallel_loop3A_825, %parallel_loop3A_826] {strides = array<i32>} : memref<7x16x1024xf32, #tpu.memory_space<vmem>>, vector<1x1x16xf32>,
        %parallel_loop3A_828 = vector.shape_cast %parallel_loop3A_827 : vector<1x1x16xf32> to vector<16xf32>
        %parallel_loop3A_829 = arith.constant 3.125000e-02 : f32
        %parallel_loop3A_830 = vector.broadcast %parallel_loop3A_829 : f32 to vector<16xf32>
        %parallel_loop3A_831 = arith.mulf %parallel_loop3A_828, %parallel_loop3A_830 : vector<16xf32>
        %parallel_loop3A_832 = arith.index_cast %select_n3A_249 : i32 to index
        %parallel_loop3A_833 = arith.index_cast %parallel_loop3A_291 : i32 to index
        %parallel_loop3A_834 = arith.constant 608 : index
        %parallel_loop3A_835 = tpu.vector_load %arg4[%parallel_loop3A_832, %parallel_loop3A_833, %parallel_loop3A_834] {strides = array<i32>} : memref<7x16x1024xf32, #tpu.memory_space<vmem>>, vector<1x1x16xf32>,
        %parallel_loop3A_836 = vector.shape_cast %parallel_loop3A_835 : vector<1x1x16xf32> to vector<16xf32>
        %parallel_loop3A_837 = vector.shape_cast %parallel_loop3A_831 : vector<16xf32> to vector<1x1x16xf32>
        tpu.vector_store %arg4[%parallel_loop3A_832, %parallel_loop3A_833, %parallel_loop3A_834], %parallel_loop3A_837 {strides = array<i32>} : memref<7x16x1024xf32, #tpu.memory_space<vmem>>, vector<1x1x16xf32>,
        %parallel_loop3A_838 = arith.index_cast %select_n3A_249 : i32 to index
        %parallel_loop3A_839 = arith.index_cast %parallel_loop3A_291 : i32 to index
        %parallel_loop3A_840 = arith.constant 624 : index
        %parallel_loop3A_841 = tpu.vector_load %arg4[%parallel_loop3A_838, %parallel_loop3A_839, %parallel_loop3A_840] {strides = array<i32>} : memref<7x16x1024xf32, #tpu.memory_space<vmem>>, vector<1x1x16xf32>,
        %parallel_loop3A_842 = vector.shape_cast %parallel_loop3A_841 : vector<1x1x16xf32> to vector<16xf32>
        %parallel_loop3A_843 = arith.constant 3.125000e-02 : f32
        %parallel_loop3A_844 = vector.broadcast %parallel_loop3A_843 : f32 to vector<16xf32>
        %parallel_loop3A_845 = arith.mulf %parallel_loop3A_842, %parallel_loop3A_844 : vector<16xf32>
        %parallel_loop3A_846 = arith.index_cast %select_n3A_249 : i32 to index
        %parallel_loop3A_847 = arith.index_cast %parallel_loop3A_291 : i32 to index
        %parallel_loop3A_848 = arith.constant 624 : index
        %parallel_loop3A_849 = tpu.vector_load %arg4[%parallel_loop3A_846, %parallel_loop3A_847, %parallel_loop3A_848] {strides = array<i32>} : memref<7x16x1024xf32, #tpu.memory_space<vmem>>, vector<1x1x16xf32>,
        %parallel_loop3A_850 = vector.shape_cast %parallel_loop3A_849 : vector<1x1x16xf32> to vector<16xf32>
        %parallel_loop3A_851 = vector.shape_cast %parallel_loop3A_845 : vector<16xf32> to vector<1x1x16xf32>
        tpu.vector_store %arg4[%parallel_loop3A_846, %parallel_loop3A_847, %parallel_loop3A_848], %parallel_loop3A_851 {strides = array<i32>} : memref<7x16x1024xf32, #tpu.memory_space<vmem>>, vector<1x1x16xf32>,
        %parallel_loop3A_852 = arith.index_cast %select_n3A_249 : i32 to index
        %parallel_loop3A_853 = arith.index_cast %parallel_loop3A_291 : i32 to index
        %parallel_loop3A_854 = arith.constant 640 : index
        %parallel_loop3A_855 = tpu.vector_load %arg4[%parallel_loop3A_852, %parallel_loop3A_853, %parallel_loop3A_854] {strides = array<i32>} : memref<7x16x1024xf32, #tpu.memory_space<vmem>>, vector<1x1x16xf32>,
        %parallel_loop3A_856 = vector.shape_cast %parallel_loop3A_855 : vector<1x1x16xf32> to vector<16xf32>
        %parallel_loop3A_857 = arith.constant 3.125000e-02 : f32
        %parallel_loop3A_858 = vector.broadcast %parallel_loop3A_857 : f32 to vector<16xf32>
        %parallel_loop3A_859 = arith.mulf %parallel_loop3A_856, %parallel_loop3A_858 : vector<16xf32>
        %parallel_loop3A_860 = arith.index_cast %select_n3A_249 : i32 to index
        %parallel_loop3A_861 = arith.index_cast %parallel_loop3A_291 : i32 to index
        %parallel_loop3A_862 = arith.constant 640 : index
        %parallel_loop3A_863 = tpu.vector_load %arg4[%parallel_loop3A_860, %parallel_loop3A_861, %parallel_loop3A_862] {strides = array<i32>} : memref<7x16x1024xf32, #tpu.memory_space<vmem>>, vector<1x1x16xf32>,
        %parallel_loop3A_864 = vector.shape_cast %parallel_loop3A_863 : vector<1x1x16xf32> to vector<16xf32>
        %parallel_loop3A_865 = vector.shape_cast %parallel_loop3A_859 : vector<16xf32> to vector<1x1x16xf32>
        tpu.vector_store %arg4[%parallel_loop3A_860, %parallel_loop3A_861, %parallel_loop3A_862], %parallel_loop3A_865 {strides = array<i32>} : memref<7x16x1024xf32, #tpu.memory_space<vmem>>, vector<1x1x16xf32>,
        %parallel_loop3A_866 = arith.index_cast %select_n3A_249 : i32 to index
        %parallel_loop3A_867 = arith.index_cast %parallel_loop3A_291 : i32 to index
        %parallel_loop3A_868 = arith.constant 656 : index
        %parallel_loop3A_869 = tpu.vector_load %arg4[%parallel_loop3A_866, %parallel_loop3A_867, %parallel_loop3A_868] {strides = array<i32>} : memref<7x16x1024xf32, #tpu.memory_space<vmem>>, vector<1x1x16xf32>,
        %parallel_loop3A_870 = vector.shape_cast %parallel_loop3A_869 : vector<1x1x16xf32> to vector<16xf32>
        %parallel_loop3A_871 = arith.constant 3.125000e-02 : f32
        %parallel_loop3A_872 = vector.broadcast %parallel_loop3A_871 : f32 to vector<16xf32>
        %parallel_loop3A_873 = arith.mulf %parallel_loop3A_870, %parallel_loop3A_872 : vector<16xf32>
        %parallel_loop3A_874 = arith.index_cast %select_n3A_249 : i32 to index
        %parallel_loop3A_875 = arith.index_cast %parallel_loop3A_291 : i32 to index
        %parallel_loop3A_876 = arith.constant 656 : index
        %parallel_loop3A_877 = tpu.vector_load %arg4[%parallel_loop3A_874, %parallel_loop3A_875, %parallel_loop3A_876] {strides = array<i32>} : memref<7x16x1024xf32, #tpu.memory_space<vmem>>, vector<1x1x16xf32>,
        %parallel_loop3A_878 = vector.shape_cast %parallel_loop3A_877 : vector<1x1x16xf32> to vector<16xf32>
        %parallel_loop3A_879 = vector.shape_cast %parallel_loop3A_873 : vector<16xf32> to vector<1x1x16xf32>
        tpu.vector_store %arg4[%parallel_loop3A_874, %parallel_loop3A_875, %parallel_loop3A_876], %parallel_loop3A_879 {strides = array<i32>} : memref<7x16x1024xf32, #tpu.memory_space<vmem>>, vector<1x1x16xf32>,
        %parallel_loop3A_880 = arith.index_cast %select_n3A_249 : i32 to index
        %parallel_loop3A_881 = arith.index_cast %parallel_loop3A_291 : i32 to index
        %parallel_loop3A_882 = arith.constant 672 : index
        %parallel_loop3A_883 = tpu.vector_load %arg4[%parallel_loop3A_880, %parallel_loop3A_881, %parallel_loop3A_882] {strides = array<i32>} : memref<7x16x1024xf32, #tpu.memory_space<vmem>>, vector<1x1x16xf32>,
        %parallel_loop3A_884 = vector.shape_cast %parallel_loop3A_883 : vector<1x1x16xf32> to vector<16xf32>
        %parallel_loop3A_885 = arith.constant 3.125000e-02 : f32
        %parallel_loop3A_886 = vector.broadcast %parallel_loop3A_885 : f32 to vector<16xf32>
        %parallel_loop3A_887 = arith.mulf %parallel_loop3A_884, %parallel_loop3A_886 : vector<16xf32>
        %parallel_loop3A_888 = arith.index_cast %select_n3A_249 : i32 to index
        %parallel_loop3A_889 = arith.index_cast %parallel_loop3A_291 : i32 to index
        %parallel_loop3A_890 = arith.constant 672 : index
        %parallel_loop3A_891 = tpu.vector_load %arg4[%parallel_loop3A_888, %parallel_loop3A_889, %parallel_loop3A_890] {strides = array<i32>} : memref<7x16x1024xf32, #tpu.memory_space<vmem>>, vector<1x1x16xf32>,
        %parallel_loop3A_892 = vector.shape_cast %parallel_loop3A_891 : vector<1x1x16xf32> to vector<16xf32>
        %parallel_loop3A_893 = vector.shape_cast %parallel_loop3A_887 : vector<16xf32> to vector<1x1x16xf32>
        tpu.vector_store %arg4[%parallel_loop3A_888, %parallel_loop3A_889, %parallel_loop3A_890], %parallel_loop3A_893 {strides = array<i32>} : memref<7x16x1024xf32, #tpu.memory_space<vmem>>, vector<1x1x16xf32>,
        %parallel_loop3A_894 = arith.index_cast %select_n3A_249 : i32 to index
        %parallel_loop3A_895 = arith.index_cast %parallel_loop3A_291 : i32 to index
        %parallel_loop3A_896 = arith.constant 688 : index
        %parallel_loop3A_897 = tpu.vector_load %arg4[%parallel_loop3A_894, %parallel_loop3A_895, %parallel_loop3A_896] {strides = array<i32>} : memref<7x16x1024xf32, #tpu.memory_space<vmem>>, vector<1x1x16xf32>,
        %parallel_loop3A_898 = vector.shape_cast %parallel_loop3A_897 : vector<1x1x16xf32> to vector<16xf32>
        %parallel_loop3A_899 = arith.constant 3.125000e-02 : f32
        %parallel_loop3A_900 = vector.broadcast %parallel_loop3A_899 : f32 to vector<16xf32>
        %parallel_loop3A_901 = arith.mulf %parallel_loop3A_898, %parallel_loop3A_900 : vector<16xf32>
        %parallel_loop3A_902 = arith.index_cast %select_n3A_249 : i32 to index
        %parallel_loop3A_903 = arith.index_cast %parallel_loop3A_291 : i32 to index
        %parallel_loop3A_904 = arith.constant 688 : index
        %parallel_loop3A_905 = tpu.vector_load %arg4[%parallel_loop3A_902, %parallel_loop3A_903, %parallel_loop3A_904] {strides = array<i32>} : memref<7x16x1024xf32, #tpu.memory_space<vmem>>, vector<1x1x16xf32>,
        %parallel_loop3A_906 = vector.shape_cast %parallel_loop3A_905 : vector<1x1x16xf32> to vector<16xf32>
        %parallel_loop3A_907 = vector.shape_cast %parallel_loop3A_901 : vector<16xf32> to vector<1x1x16xf32>
        tpu.vector_store %arg4[%parallel_loop3A_902, %parallel_loop3A_903, %parallel_loop3A_904], %parallel_loop3A_907 {strides = array<i32>} : memref<7x16x1024xf32, #tpu.memory_space<vmem>>, vector<1x1x16xf32>,
        %parallel_loop3A_908 = arith.index_cast %select_n3A_249 : i32 to index
        %parallel_loop3A_909 = arith.index_cast %parallel_loop3A_291 : i32 to index
        %parallel_loop3A_910 = arith.constant 704 : index
        %parallel_loop3A_911 = tpu.vector_load %arg4[%parallel_loop3A_908, %parallel_loop3A_909, %parallel_loop3A_910] {strides = array<i32>} : memref<7x16x1024xf32, #tpu.memory_space<vmem>>, vector<1x1x16xf32>,
        %parallel_loop3A_912 = vector.shape_cast %parallel_loop3A_911 : vector<1x1x16xf32> to vector<16xf32>
        %parallel_loop3A_913 = arith.constant 3.125000e-02 : f32
        %parallel_loop3A_914 = vector.broadcast %parallel_loop3A_913 : f32 to vector<16xf32>
        %parallel_loop3A_915 = arith.mulf %parallel_loop3A_912, %parallel_loop3A_914 : vector<16xf32>
        %parallel_loop3A_916 = arith.index_cast %select_n3A_249 : i32 to index
        %parallel_loop3A_917 = arith.index_cast %parallel_loop3A_291 : i32 to index
        %parallel_loop3A_918 = arith.constant 704 : index
        %parallel_loop3A_919 = tpu.vector_load %arg4[%parallel_loop3A_916, %parallel_loop3A_917, %parallel_loop3A_918] {strides = array<i32>} : memref<7x16x1024xf32, #tpu.memory_space<vmem>>, vector<1x1x16xf32>,
        %parallel_loop3A_920 = vector.shape_cast %parallel_loop3A_919 : vector<1x1x16xf32> to vector<16xf32>
        %parallel_loop3A_921 = vector.shape_cast %parallel_loop3A_915 : vector<16xf32> to vector<1x1x16xf32>
        tpu.vector_store %arg4[%parallel_loop3A_916, %parallel_loop3A_917, %parallel_loop3A_918], %parallel_loop3A_921 {strides = array<i32>} : memref<7x16x1024xf32, #tpu.memory_space<vmem>>, vector<1x1x16xf32>,
        %parallel_loop3A_922 = arith.index_cast %select_n3A_249 : i32 to index
        %parallel_loop3A_923 = arith.index_cast %parallel_loop3A_291 : i32 to index
        %parallel_loop3A_924 = arith.constant 720 : index
        %parallel_loop3A_925 = tpu.vector_load %arg4[%parallel_loop3A_922, %parallel_loop3A_923, %parallel_loop3A_924] {strides = array<i32>} : memref<7x16x1024xf32, #tpu.memory_space<vmem>>, vector<1x1x16xf32>,
        %parallel_loop3A_926 = vector.shape_cast %parallel_loop3A_925 : vector<1x1x16xf32> to vector<16xf32>
        %parallel_loop3A_927 = arith.constant 3.125000e-02 : f32
        %parallel_loop3A_928 = vector.broadcast %parallel_loop3A_927 : f32 to vector<16xf32>
        %parallel_loop3A_929 = arith.mulf %parallel_loop3A_926, %parallel_loop3A_928 : vector<16xf32>
        %parallel_loop3A_930 = arith.index_cast %select_n3A_249 : i32 to index
        %parallel_loop3A_931 = arith.index_cast %parallel_loop3A_291 : i32 to index
        %parallel_loop3A_932 = arith.constant 720 : index
        %parallel_loop3A_933 = tpu.vector_load %arg4[%parallel_loop3A_930, %parallel_loop3A_931, %parallel_loop3A_932] {strides = array<i32>} : memref<7x16x1024xf32, #tpu.memory_space<vmem>>, vector<1x1x16xf32>,
        %parallel_loop3A_934 = vector.shape_cast %parallel_loop3A_933 : vector<1x1x16xf32> to vector<16xf32>
        %parallel_loop3A_935 = vector.shape_cast %parallel_loop3A_929 : vector<16xf32> to vector<1x1x16xf32>
        tpu.vector_store %arg4[%parallel_loop3A_930, %parallel_loop3A_931, %parallel_loop3A_932], %parallel_loop3A_935 {strides = array<i32>} : memref<7x16x1024xf32, #tpu.memory_space<vmem>>, vector<1x1x16xf32>,
        %parallel_loop3A_936 = arith.index_cast %select_n3A_249 : i32 to index
        %parallel_loop3A_937 = arith.index_cast %parallel_loop3A_291 : i32 to index
        %parallel_loop3A_938 = arith.constant 736 : index
        %parallel_loop3A_939 = tpu.vector_load %arg4[%parallel_loop3A_936, %parallel_loop3A_937, %parallel_loop3A_938] {strides = array<i32>} : memref<7x16x1024xf32, #tpu.memory_space<vmem>>, vector<1x1x16xf32>,
        %parallel_loop3A_940 = vector.shape_cast %parallel_loop3A_939 : vector<1x1x16xf32> to vector<16xf32>
        %parallel_loop3A_941 = arith.constant 3.125000e-02 : f32
        %parallel_loop3A_942 = vector.broadcast %parallel_loop3A_941 : f32 to vector<16xf32>
        %parallel_loop3A_943 = arith.mulf %parallel_loop3A_940, %parallel_loop3A_942 : vector<16xf32>
        %parallel_loop3A_944 = arith.index_cast %select_n3A_249 : i32 to index
        %parallel_loop3A_945 = arith.index_cast %parallel_loop3A_291 : i32 to index
        %parallel_loop3A_946 = arith.constant 736 : index
        %parallel_loop3A_947 = tpu.vector_load %arg4[%parallel_loop3A_944, %parallel_loop3A_945, %parallel_loop3A_946] {strides = array<i32>} : memref<7x16x1024xf32, #tpu.memory_space<vmem>>, vector<1x1x16xf32>,
        %parallel_loop3A_948 = vector.shape_cast %parallel_loop3A_947 : vector<1x1x16xf32> to vector<16xf32>
        %parallel_loop3A_949 = vector.shape_cast %parallel_loop3A_943 : vector<16xf32> to vector<1x1x16xf32>
        tpu.vector_store %arg4[%parallel_loop3A_944, %parallel_loop3A_945, %parallel_loop3A_946], %parallel_loop3A_949 {strides = array<i32>} : memref<7x16x1024xf32, #tpu.memory_space<vmem>>, vector<1x1x16xf32>,
        %parallel_loop3A_950 = arith.index_cast %select_n3A_249 : i32 to index
        %parallel_loop3A_951 = arith.index_cast %parallel_loop3A_291 : i32 to index
        %parallel_loop3A_952 = arith.constant 752 : index
        %parallel_loop3A_953 = tpu.vector_load %arg4[%parallel_loop3A_950, %parallel_loop3A_951, %parallel_loop3A_952] {strides = array<i32>} : memref<7x16x1024xf32, #tpu.memory_space<vmem>>, vector<1x1x16xf32>,
        %parallel_loop3A_954 = vector.shape_cast %parallel_loop3A_953 : vector<1x1x16xf32> to vector<16xf32>
        %parallel_loop3A_955 = arith.constant 3.125000e-02 : f32
        %parallel_loop3A_956 = vector.broadcast %parallel_loop3A_955 : f32 to vector<16xf32>
        %parallel_loop3A_957 = arith.mulf %parallel_loop3A_954, %parallel_loop3A_956 : vector<16xf32>
        %parallel_loop3A_958 = arith.index_cast %select_n3A_249 : i32 to index
        %parallel_loop3A_959 = arith.index_cast %parallel_loop3A_291 : i32 to index
        %parallel_loop3A_960 = arith.constant 752 : index
        %parallel_loop3A_961 = tpu.vector_load %arg4[%parallel_loop3A_958, %parallel_loop3A_959, %parallel_loop3A_960] {strides = array<i32>} : memref<7x16x1024xf32, #tpu.memory_space<vmem>>, vector<1x1x16xf32>,
        %parallel_loop3A_962 = vector.shape_cast %parallel_loop3A_961 : vector<1x1x16xf32> to vector<16xf32>
        %parallel_loop3A_963 = vector.shape_cast %parallel_loop3A_957 : vector<16xf32> to vector<1x1x16xf32>
        tpu.vector_store %arg4[%parallel_loop3A_958, %parallel_loop3A_959, %parallel_loop3A_960], %parallel_loop3A_963 {strides = array<i32>} : memref<7x16x1024xf32, #tpu.memory_space<vmem>>, vector<1x1x16xf32>,
        %parallel_loop3A_964 = arith.index_cast %select_n3A_249 : i32 to index
        %parallel_loop3A_965 = arith.index_cast %parallel_loop3A_291 : i32 to index
        %parallel_loop3A_966 = arith.constant 768 : index
        %parallel_loop3A_967 = tpu.vector_load %arg4[%parallel_loop3A_964, %parallel_loop3A_965, %parallel_loop3A_966] {strides = array<i32>} : memref<7x16x1024xf32, #tpu.memory_space<vmem>>, vector<1x1x16xf32>,
        %parallel_loop3A_968 = vector.shape_cast %parallel_loop3A_967 : vector<1x1x16xf32> to vector<16xf32>
        %parallel_loop3A_969 = arith.constant 3.125000e-02 : f32
        %parallel_loop3A_970 = vector.broadcast %parallel_loop3A_969 : f32 to vector<16xf32>
        %parallel_loop3A_971 = arith.mulf %parallel_loop3A_968, %parallel_loop3A_970 : vector<16xf32>
        %parallel_loop3A_972 = arith.index_cast %select_n3A_249 : i32 to index
        %parallel_loop3A_973 = arith.index_cast %parallel_loop3A_291 : i32 to index
        %parallel_loop3A_974 = arith.constant 768 : index
        %parallel_loop3A_975 = tpu.vector_load %arg4[%parallel_loop3A_972, %parallel_loop3A_973, %parallel_loop3A_974] {strides = array<i32>} : memref<7x16x1024xf32, #tpu.memory_space<vmem>>, vector<1x1x16xf32>,
        %parallel_loop3A_976 = vector.shape_cast %parallel_loop3A_975 : vector<1x1x16xf32> to vector<16xf32>
        %parallel_loop3A_977 = vector.shape_cast %parallel_loop3A_971 : vector<16xf32> to vector<1x1x16xf32>
        tpu.vector_store %arg4[%parallel_loop3A_972, %parallel_loop3A_973, %parallel_loop3A_974], %parallel_loop3A_977 {strides = array<i32>} : memref<7x16x1024xf32, #tpu.memory_space<vmem>>, vector<1x1x16xf32>,
        %parallel_loop3A_978 = arith.index_cast %select_n3A_249 : i32 to index
        %parallel_loop3A_979 = arith.index_cast %parallel_loop3A_291 : i32 to index
        %parallel_loop3A_980 = arith.constant 784 : index
        %parallel_loop3A_981 = tpu.vector_load %arg4[%parallel_loop3A_978, %parallel_loop3A_979, %parallel_loop3A_980] {strides = array<i32>} : memref<7x16x1024xf32, #tpu.memory_space<vmem>>, vector<1x1x16xf32>,
        %parallel_loop3A_982 = vector.shape_cast %parallel_loop3A_981 : vector<1x1x16xf32> to vector<16xf32>
        %parallel_loop3A_983 = arith.constant 3.125000e-02 : f32
        %parallel_loop3A_984 = vector.broadcast %parallel_loop3A_983 : f32 to vector<16xf32>
        %parallel_loop3A_985 = arith.mulf %parallel_loop3A_982, %parallel_loop3A_984 : vector<16xf32>
        %parallel_loop3A_986 = arith.index_cast %select_n3A_249 : i32 to index
        %parallel_loop3A_987 = arith.index_cast %parallel_loop3A_291 : i32 to index
        %parallel_loop3A_988 = arith.constant 784 : index
        %parallel_loop3A_989 = tpu.vector_load %arg4[%parallel_loop3A_986, %parallel_loop3A_987, %parallel_loop3A_988] {strides = array<i32>} : memref<7x16x1024xf32, #tpu.memory_space<vmem>>, vector<1x1x16xf32>,
        %parallel_loop3A_990 = vector.shape_cast %parallel_loop3A_989 : vector<1x1x16xf32> to vector<16xf32>
        %parallel_loop3A_991 = vector.shape_cast %parallel_loop3A_985 : vector<16xf32> to vector<1x1x16xf32>
        tpu.vector_store %arg4[%parallel_loop3A_986, %parallel_loop3A_987, %parallel_loop3A_988], %parallel_loop3A_991 {strides = array<i32>} : memref<7x16x1024xf32, #tpu.memory_space<vmem>>, vector<1x1x16xf32>,
        %parallel_loop3A_992 = arith.index_cast %select_n3A_249 : i32 to index
        %parallel_loop3A_993 = arith.index_cast %parallel_loop3A_291 : i32 to index
        %parallel_loop3A_994 = arith.constant 800 : index
        %parallel_loop3A_995 = tpu.vector_load %arg4[%parallel_loop3A_992, %parallel_loop3A_993, %parallel_loop3A_994] {strides = array<i32>} : memref<7x16x1024xf32, #tpu.memory_space<vmem>>, vector<1x1x16xf32>,
        %parallel_loop3A_996 = vector.shape_cast %parallel_loop3A_995 : vector<1x1x16xf32> to vector<16xf32>
        %parallel_loop3A_997 = arith.constant 3.125000e-02 : f32
        %parallel_loop3A_998 = vector.broadcast %parallel_loop3A_997 : f32 to vector<16xf32>
        %parallel_loop3A_999 = arith.mulf %parallel_loop3A_996, %parallel_loop3A_998 : vector<16xf32>
        %parallel_loop3A_1000 = arith.index_cast %select_n3A_249 : i32 to index
        %parallel_loop3A_1001 = arith.index_cast %parallel_loop3A_291 : i32 to index
        %parallel_loop3A_1002 = arith.constant 800 : index
        %parallel_loop3A_1003 = tpu.vector_load %arg4[%parallel_loop3A_1000, %parallel_loop3A_1001, %parallel_loop3A_1002] {strides = array<i32>} : memref<7x16x1024xf32, #tpu.memory_space<vmem>>, vector<1x1x16xf32>,
        %parallel_loop3A_1004 = vector.shape_cast %parallel_loop3A_1003 : vector<1x1x16xf32> to vector<16xf32>
        %parallel_loop3A_1005 = vector.shape_cast %parallel_loop3A_999 : vector<16xf32> to vector<1x1x16xf32>
        tpu.vector_store %arg4[%parallel_loop3A_1000, %parallel_loop3A_1001, %parallel_loop3A_1002], %parallel_loop3A_1005 {strides = array<i32>} : memref<7x16x1024xf32, #tpu.memory_space<vmem>>, vector<1x1x16xf32>,
        %parallel_loop3A_1006 = arith.index_cast %select_n3A_249 : i32 to index
        %parallel_loop3A_1007 = arith.index_cast %parallel_loop3A_291 : i32 to index
        %parallel_loop3A_1008 = arith.constant 816 : index
        %parallel_loop3A_1009 = tpu.vector_load %arg4[%parallel_loop3A_1006, %parallel_loop3A_1007, %parallel_loop3A_1008] {strides = array<i32>} : memref<7x16x1024xf32, #tpu.memory_space<vmem>>, vector<1x1x16xf32>,
        %parallel_loop3A_1010 = vector.shape_cast %parallel_loop3A_1009 : vector<1x1x16xf32> to vector<16xf32>
        %parallel_loop3A_1011 = arith.constant 3.125000e-02 : f32
        %parallel_loop3A_1012 = vector.broadcast %parallel_loop3A_1011 : f32 to vector<16xf32>
        %parallel_loop3A_1013 = arith.mulf %parallel_loop3A_1010, %parallel_loop3A_1012 : vector<16xf32>
        %parallel_loop3A_1014 = arith.index_cast %select_n3A_249 : i32 to index
        %parallel_loop3A_1015 = arith.index_cast %parallel_loop3A_291 : i32 to index
        %parallel_loop3A_1016 = arith.constant 816 : index
        %parallel_loop3A_1017 = tpu.vector_load %arg4[%parallel_loop3A_1014, %parallel_loop3A_1015, %parallel_loop3A_1016] {strides = array<i32>} : memref<7x16x1024xf32, #tpu.memory_space<vmem>>, vector<1x1x16xf32>,
        %parallel_loop3A_1018 = vector.shape_cast %parallel_loop3A_1017 : vector<1x1x16xf32> to vector<16xf32>
        %parallel_loop3A_1019 = vector.shape_cast %parallel_loop3A_1013 : vector<16xf32> to vector<1x1x16xf32>
        tpu.vector_store %arg4[%parallel_loop3A_1014, %parallel_loop3A_1015, %parallel_loop3A_1016], %parallel_loop3A_1019 {strides = array<i32>} : memref<7x16x1024xf32, #tpu.memory_space<vmem>>, vector<1x1x16xf32>,
        %parallel_loop3A_1020 = arith.index_cast %select_n3A_249 : i32 to index
        %parallel_loop3A_1021 = arith.index_cast %parallel_loop3A_291 : i32 to index
        %parallel_loop3A_1022 = arith.constant 832 : index
        %parallel_loop3A_1023 = tpu.vector_load %arg4[%parallel_loop3A_1020, %parallel_loop3A_1021, %parallel_loop3A_1022] {strides = array<i32>} : memref<7x16x1024xf32, #tpu.memory_space<vmem>>, vector<1x1x16xf32>,
        %parallel_loop3A_1024 = vector.shape_cast %parallel_loop3A_1023 : vector<1x1x16xf32> to vector<16xf32>
        %parallel_loop3A_1025 = arith.constant 3.125000e-02 : f32
        %parallel_loop3A_1026 = vector.broadcast %parallel_loop3A_1025 : f32 to vector<16xf32>
        %parallel_loop3A_1027 = arith.mulf %parallel_loop3A_1024, %parallel_loop3A_1026 : vector<16xf32>
        %parallel_loop3A_1028 = arith.index_cast %select_n3A_249 : i32 to index
        %parallel_loop3A_1029 = arith.index_cast %parallel_loop3A_291 : i32 to index
        %parallel_loop3A_1030 = arith.constant 832 : index
        %parallel_loop3A_1031 = tpu.vector_load %arg4[%parallel_loop3A_1028, %parallel_loop3A_1029, %parallel_loop3A_1030] {strides = array<i32>} : memref<7x16x1024xf32, #tpu.memory_space<vmem>>, vector<1x1x16xf32>,
        %parallel_loop3A_1032 = vector.shape_cast %parallel_loop3A_1031 : vector<1x1x16xf32> to vector<16xf32>
        %parallel_loop3A_1033 = vector.shape_cast %parallel_loop3A_1027 : vector<16xf32> to vector<1x1x16xf32>
        tpu.vector_store %arg4[%parallel_loop3A_1028, %parallel_loop3A_1029, %parallel_loop3A_1030], %parallel_loop3A_1033 {strides = array<i32>} : memref<7x16x1024xf32, #tpu.memory_space<vmem>>, vector<1x1x16xf32>,
        %parallel_loop3A_1034 = arith.index_cast %select_n3A_249 : i32 to index
        %parallel_loop3A_1035 = arith.index_cast %parallel_loop3A_291 : i32 to index
        %parallel_loop3A_1036 = arith.constant 848 : index
        %parallel_loop3A_1037 = tpu.vector_load %arg4[%parallel_loop3A_1034, %parallel_loop3A_1035, %parallel_loop3A_1036] {strides = array<i32>} : memref<7x16x1024xf32, #tpu.memory_space<vmem>>, vector<1x1x16xf32>,
        %parallel_loop3A_1038 = vector.shape_cast %parallel_loop3A_1037 : vector<1x1x16xf32> to vector<16xf32>
        %parallel_loop3A_1039 = arith.constant 3.125000e-02 : f32
        %parallel_loop3A_1040 = vector.broadcast %parallel_loop3A_1039 : f32 to vector<16xf32>
        %parallel_loop3A_1041 = arith.mulf %parallel_loop3A_1038, %parallel_loop3A_1040 : vector<16xf32>
        %parallel_loop3A_1042 = arith.index_cast %select_n3A_249 : i32 to index
        %parallel_loop3A_1043 = arith.index_cast %parallel_loop3A_291 : i32 to index
        %parallel_loop3A_1044 = arith.constant 848 : index
        %parallel_loop3A_1045 = tpu.vector_load %arg4[%parallel_loop3A_1042, %parallel_loop3A_1043, %parallel_loop3A_1044] {strides = array<i32>} : memref<7x16x1024xf32, #tpu.memory_space<vmem>>, vector<1x1x16xf32>,
        %parallel_loop3A_1046 = vector.shape_cast %parallel_loop3A_1045 : vector<1x1x16xf32> to vector<16xf32>
        %parallel_loop3A_1047 = vector.shape_cast %parallel_loop3A_1041 : vector<16xf32> to vector<1x1x16xf32>
        tpu.vector_store %arg4[%parallel_loop3A_1042, %parallel_loop3A_1043, %parallel_loop3A_1044], %parallel_loop3A_1047 {strides = array<i32>} : memref<7x16x1024xf32, #tpu.memory_space<vmem>>, vector<1x1x16xf32>,
        %parallel_loop3A_1048 = arith.index_cast %select_n3A_249 : i32 to index
        %parallel_loop3A_1049 = arith.index_cast %parallel_loop3A_291 : i32 to index
        %parallel_loop3A_1050 = arith.constant 864 : index
        %parallel_loop3A_1051 = tpu.vector_load %arg4[%parallel_loop3A_1048, %parallel_loop3A_1049, %parallel_loop3A_1050] {strides = array<i32>} : memref<7x16x1024xf32, #tpu.memory_space<vmem>>, vector<1x1x16xf32>,
        %parallel_loop3A_1052 = vector.shape_cast %parallel_loop3A_1051 : vector<1x1x16xf32> to vector<16xf32>
        %parallel_loop3A_1053 = arith.constant 3.125000e-02 : f32
        %parallel_loop3A_1054 = vector.broadcast %parallel_loop3A_1053 : f32 to vector<16xf32>
        %parallel_loop3A_1055 = arith.mulf %parallel_loop3A_1052, %parallel_loop3A_1054 : vector<16xf32>
        %parallel_loop3A_1056 = arith.index_cast %select_n3A_249 : i32 to index
        %parallel_loop3A_1057 = arith.index_cast %parallel_loop3A_291 : i32 to index
        %parallel_loop3A_1058 = arith.constant 864 : index
        %parallel_loop3A_1059 = tpu.vector_load %arg4[%parallel_loop3A_1056, %parallel_loop3A_1057, %parallel_loop3A_1058] {strides = array<i32>} : memref<7x16x1024xf32, #tpu.memory_space<vmem>>, vector<1x1x16xf32>,
        %parallel_loop3A_1060 = vector.shape_cast %parallel_loop3A_1059 : vector<1x1x16xf32> to vector<16xf32>
        %parallel_loop3A_1061 = vector.shape_cast %parallel_loop3A_1055 : vector<16xf32> to vector<1x1x16xf32>
        tpu.vector_store %arg4[%parallel_loop3A_1056, %parallel_loop3A_1057, %parallel_loop3A_1058], %parallel_loop3A_1061 {strides = array<i32>} : memref<7x16x1024xf32, #tpu.memory_space<vmem>>, vector<1x1x16xf32>,
        %parallel_loop3A_1062 = arith.index_cast %select_n3A_249 : i32 to index
        %parallel_loop3A_1063 = arith.index_cast %parallel_loop3A_291 : i32 to index
        %parallel_loop3A_1064 = arith.constant 880 : index
        %parallel_loop3A_1065 = tpu.vector_load %arg4[%parallel_loop3A_1062, %parallel_loop3A_1063, %parallel_loop3A_1064] {strides = array<i32>} : memref<7x16x1024xf32, #tpu.memory_space<vmem>>, vector<1x1x16xf32>,
        %parallel_loop3A_1066 = vector.shape_cast %parallel_loop3A_1065 : vector<1x1x16xf32> to vector<16xf32>
        %parallel_loop3A_1067 = arith.constant 3.125000e-02 : f32
        %parallel_loop3A_1068 = vector.broadcast %parallel_loop3A_1067 : f32 to vector<16xf32>
        %parallel_loop3A_1069 = arith.mulf %parallel_loop3A_1066, %parallel_loop3A_1068 : vector<16xf32>
        %parallel_loop3A_1070 = arith.index_cast %select_n3A_249 : i32 to index
        %parallel_loop3A_1071 = arith.index_cast %parallel_loop3A_291 : i32 to index
        %parallel_loop3A_1072 = arith.constant 880 : index
        %parallel_loop3A_1073 = tpu.vector_load %arg4[%parallel_loop3A_1070, %parallel_loop3A_1071, %parallel_loop3A_1072] {strides = array<i32>} : memref<7x16x1024xf32, #tpu.memory_space<vmem>>, vector<1x1x16xf32>,
        %parallel_loop3A_1074 = vector.shape_cast %parallel_loop3A_1073 : vector<1x1x16xf32> to vector<16xf32>
        %parallel_loop3A_1075 = vector.shape_cast %parallel_loop3A_1069 : vector<16xf32> to vector<1x1x16xf32>
        tpu.vector_store %arg4[%parallel_loop3A_1070, %parallel_loop3A_1071, %parallel_loop3A_1072], %parallel_loop3A_1075 {strides = array<i32>} : memref<7x16x1024xf32, #tpu.memory_space<vmem>>, vector<1x1x16xf32>,
        %parallel_loop3A_1076 = arith.index_cast %select_n3A_249 : i32 to index
        %parallel_loop3A_1077 = arith.index_cast %parallel_loop3A_291 : i32 to index
        %parallel_loop3A_1078 = arith.constant 896 : index
        %parallel_loop3A_1079 = tpu.vector_load %arg4[%parallel_loop3A_1076, %parallel_loop3A_1077, %parallel_loop3A_1078] {strides = array<i32>} : memref<7x16x1024xf32, #tpu.memory_space<vmem>>, vector<1x1x16xf32>,
        %parallel_loop3A_1080 = vector.shape_cast %parallel_loop3A_1079 : vector<1x1x16xf32> to vector<16xf32>
        %parallel_loop3A_1081 = arith.constant 3.125000e-02 : f32
        %parallel_loop3A_1082 = vector.broadcast %parallel_loop3A_1081 : f32 to vector<16xf32>
        %parallel_loop3A_1083 = arith.mulf %parallel_loop3A_1080, %parallel_loop3A_1082 : vector<16xf32>
        %parallel_loop3A_1084 = arith.index_cast %select_n3A_249 : i32 to index
        %parallel_loop3A_1085 = arith.index_cast %parallel_loop3A_291 : i32 to index
        %parallel_loop3A_1086 = arith.constant 896 : index
        %parallel_loop3A_1087 = tpu.vector_load %arg4[%parallel_loop3A_1084, %parallel_loop3A_1085, %parallel_loop3A_1086] {strides = array<i32>} : memref<7x16x1024xf32, #tpu.memory_space<vmem>>, vector<1x1x16xf32>,
        %parallel_loop3A_1088 = vector.shape_cast %parallel_loop3A_1087 : vector<1x1x16xf32> to vector<16xf32>
        %parallel_loop3A_1089 = vector.shape_cast %parallel_loop3A_1083 : vector<16xf32> to vector<1x1x16xf32>
        tpu.vector_store %arg4[%parallel_loop3A_1084, %parallel_loop3A_1085, %parallel_loop3A_1086], %parallel_loop3A_1089 {strides = array<i32>} : memref<7x16x1024xf32, #tpu.memory_space<vmem>>, vector<1x1x16xf32>,
        %parallel_loop3A_1090 = arith.index_cast %select_n3A_249 : i32 to index
        %parallel_loop3A_1091 = arith.index_cast %parallel_loop3A_291 : i32 to index
        %parallel_loop3A_1092 = arith.constant 912 : index
        %parallel_loop3A_1093 = tpu.vector_load %arg4[%parallel_loop3A_1090, %parallel_loop3A_1091, %parallel_loop3A_1092] {strides = array<i32>} : memref<7x16x1024xf32, #tpu.memory_space<vmem>>, vector<1x1x16xf32>,
        %parallel_loop3A_1094 = vector.shape_cast %parallel_loop3A_1093 : vector<1x1x16xf32> to vector<16xf32>
        %parallel_loop3A_1095 = arith.constant 3.125000e-02 : f32
        %parallel_loop3A_1096 = vector.broadcast %parallel_loop3A_1095 : f32 to vector<16xf32>
        %parallel_loop3A_1097 = arith.mulf %parallel_loop3A_1094, %parallel_loop3A_1096 : vector<16xf32>
        %parallel_loop3A_1098 = arith.index_cast %select_n3A_249 : i32 to index
        %parallel_loop3A_1099 = arith.index_cast %parallel_loop3A_291 : i32 to index
        %parallel_loop3A_1100 = arith.constant 912 : index
        %parallel_loop3A_1101 = tpu.vector_load %arg4[%parallel_loop3A_1098, %parallel_loop3A_1099, %parallel_loop3A_1100] {strides = array<i32>} : memref<7x16x1024xf32, #tpu.memory_space<vmem>>, vector<1x1x16xf32>,
        %parallel_loop3A_1102 = vector.shape_cast %parallel_loop3A_1101 : vector<1x1x16xf32> to vector<16xf32>
        %parallel_loop3A_1103 = vector.shape_cast %parallel_loop3A_1097 : vector<16xf32> to vector<1x1x16xf32>
        tpu.vector_store %arg4[%parallel_loop3A_1098, %parallel_loop3A_1099, %parallel_loop3A_1100], %parallel_loop3A_1103 {strides = array<i32>} : memref<7x16x1024xf32, #tpu.memory_space<vmem>>, vector<1x1x16xf32>,
        %parallel_loop3A_1104 = arith.index_cast %select_n3A_249 : i32 to index
        %parallel_loop3A_1105 = arith.index_cast %parallel_loop3A_291 : i32 to index
        %parallel_loop3A_1106 = arith.constant 928 : index
        %parallel_loop3A_1107 = tpu.vector_load %arg4[%parallel_loop3A_1104, %parallel_loop3A_1105, %parallel_loop3A_1106] {strides = array<i32>} : memref<7x16x1024xf32, #tpu.memory_space<vmem>>, vector<1x1x16xf32>,
        %parallel_loop3A_1108 = vector.shape_cast %parallel_loop3A_1107 : vector<1x1x16xf32> to vector<16xf32>
        %parallel_loop3A_1109 = arith.constant 3.125000e-02 : f32
        %parallel_loop3A_1110 = vector.broadcast %parallel_loop3A_1109 : f32 to vector<16xf32>
        %parallel_loop3A_1111 = arith.mulf %parallel_loop3A_1108, %parallel_loop3A_1110 : vector<16xf32>
        %parallel_loop3A_1112 = arith.index_cast %select_n3A_249 : i32 to index
        %parallel_loop3A_1113 = arith.index_cast %parallel_loop3A_291 : i32 to index
        %parallel_loop3A_1114 = arith.constant 928 : index
        %parallel_loop3A_1115 = tpu.vector_load %arg4[%parallel_loop3A_1112, %parallel_loop3A_1113, %parallel_loop3A_1114] {strides = array<i32>} : memref<7x16x1024xf32, #tpu.memory_space<vmem>>, vector<1x1x16xf32>,
        %parallel_loop3A_1116 = vector.shape_cast %parallel_loop3A_1115 : vector<1x1x16xf32> to vector<16xf32>
        %parallel_loop3A_1117 = vector.shape_cast %parallel_loop3A_1111 : vector<16xf32> to vector<1x1x16xf32>
        tpu.vector_store %arg4[%parallel_loop3A_1112, %parallel_loop3A_1113, %parallel_loop3A_1114], %parallel_loop3A_1117 {strides = array<i32>} : memref<7x16x1024xf32, #tpu.memory_space<vmem>>, vector<1x1x16xf32>,
        %parallel_loop3A_1118 = arith.index_cast %select_n3A_249 : i32 to index
        %parallel_loop3A_1119 = arith.index_cast %parallel_loop3A_291 : i32 to index
        %parallel_loop3A_1120 = arith.constant 944 : index
        %parallel_loop3A_1121 = tpu.vector_load %arg4[%parallel_loop3A_1118, %parallel_loop3A_1119, %parallel_loop3A_1120] {strides = array<i32>} : memref<7x16x1024xf32, #tpu.memory_space<vmem>>, vector<1x1x16xf32>,
        %parallel_loop3A_1122 = vector.shape_cast %parallel_loop3A_1121 : vector<1x1x16xf32> to vector<16xf32>
        %parallel_loop3A_1123 = arith.constant 3.125000e-02 : f32
        %parallel_loop3A_1124 = vector.broadcast %parallel_loop3A_1123 : f32 to vector<16xf32>
        %parallel_loop3A_1125 = arith.mulf %parallel_loop3A_1122, %parallel_loop3A_1124 : vector<16xf32>
        %parallel_loop3A_1126 = arith.index_cast %select_n3A_249 : i32 to index
        %parallel_loop3A_1127 = arith.index_cast %parallel_loop3A_291 : i32 to index
        %parallel_loop3A_1128 = arith.constant 944 : index
        %parallel_loop3A_1129 = tpu.vector_load %arg4[%parallel_loop3A_1126, %parallel_loop3A_1127, %parallel_loop3A_1128] {strides = array<i32>} : memref<7x16x1024xf32, #tpu.memory_space<vmem>>, vector<1x1x16xf32>,
        %parallel_loop3A_1130 = vector.shape_cast %parallel_loop3A_1129 : vector<1x1x16xf32> to vector<16xf32>
        %parallel_loop3A_1131 = vector.shape_cast %parallel_loop3A_1125 : vector<16xf32> to vector<1x1x16xf32>
        tpu.vector_store %arg4[%parallel_loop3A_1126, %parallel_loop3A_1127, %parallel_loop3A_1128], %parallel_loop3A_1131 {strides = array<i32>} : memref<7x16x1024xf32, #tpu.memory_space<vmem>>, vector<1x1x16xf32>,
        %parallel_loop3A_1132 = arith.index_cast %select_n3A_249 : i32 to index
        %parallel_loop3A_1133 = arith.index_cast %parallel_loop3A_291 : i32 to index
        %parallel_loop3A_1134 = arith.constant 960 : index
        %parallel_loop3A_1135 = tpu.vector_load %arg4[%parallel_loop3A_1132, %parallel_loop3A_1133, %parallel_loop3A_1134] {strides = array<i32>} : memref<7x16x1024xf32, #tpu.memory_space<vmem>>, vector<1x1x16xf32>,
        %parallel_loop3A_1136 = vector.shape_cast %parallel_loop3A_1135 : vector<1x1x16xf32> to vector<16xf32>
        %parallel_loop3A_1137 = arith.constant 3.125000e-02 : f32
        %parallel_loop3A_1138 = vector.broadcast %parallel_loop3A_1137 : f32 to vector<16xf32>
        %parallel_loop3A_1139 = arith.mulf %parallel_loop3A_1136, %parallel_loop3A_1138 : vector<16xf32>
        %parallel_loop3A_1140 = arith.index_cast %select_n3A_249 : i32 to index
        %parallel_loop3A_1141 = arith.index_cast %parallel_loop3A_291 : i32 to index
        %parallel_loop3A_1142 = arith.constant 960 : index
        %parallel_loop3A_1143 = tpu.vector_load %arg4[%parallel_loop3A_1140, %parallel_loop3A_1141, %parallel_loop3A_1142] {strides = array<i32>} : memref<7x16x1024xf32, #tpu.memory_space<vmem>>, vector<1x1x16xf32>,
        %parallel_loop3A_1144 = vector.shape_cast %parallel_loop3A_1143 : vector<1x1x16xf32> to vector<16xf32>
        %parallel_loop3A_1145 = vector.shape_cast %parallel_loop3A_1139 : vector<16xf32> to vector<1x1x16xf32>
        tpu.vector_store %arg4[%parallel_loop3A_1140, %parallel_loop3A_1141, %parallel_loop3A_1142], %parallel_loop3A_1145 {strides = array<i32>} : memref<7x16x1024xf32, #tpu.memory_space<vmem>>, vector<1x1x16xf32>,
        %parallel_loop3A_1146 = arith.index_cast %select_n3A_249 : i32 to index
        %parallel_loop3A_1147 = arith.index_cast %parallel_loop3A_291 : i32 to index
        %parallel_loop3A_1148 = arith.constant 976 : index
        %parallel_loop3A_1149 = tpu.vector_load %arg4[%parallel_loop3A_1146, %parallel_loop3A_1147, %parallel_loop3A_1148] {strides = array<i32>} : memref<7x16x1024xf32, #tpu.memory_space<vmem>>, vector<1x1x16xf32>,
        %parallel_loop3A_1150 = vector.shape_cast %parallel_loop3A_1149 : vector<1x1x16xf32> to vector<16xf32>
        %parallel_loop3A_1151 = arith.constant 3.125000e-02 : f32
        %parallel_loop3A_1152 = vector.broadcast %parallel_loop3A_1151 : f32 to vector<16xf32>
        %parallel_loop3A_1153 = arith.mulf %parallel_loop3A_1150, %parallel_loop3A_1152 : vector<16xf32>
        %parallel_loop3A_1154 = arith.index_cast %select_n3A_249 : i32 to index
        %parallel_loop3A_1155 = arith.index_cast %parallel_loop3A_291 : i32 to index
        %parallel_loop3A_1156 = arith.constant 976 : index
        %parallel_loop3A_1157 = tpu.vector_load %arg4[%parallel_loop3A_1154, %parallel_loop3A_1155, %parallel_loop3A_1156] {strides = array<i32>} : memref<7x16x1024xf32, #tpu.memory_space<vmem>>, vector<1x1x16xf32>,
        %parallel_loop3A_1158 = vector.shape_cast %parallel_loop3A_1157 : vector<1x1x16xf32> to vector<16xf32>
        %parallel_loop3A_1159 = vector.shape_cast %parallel_loop3A_1153 : vector<16xf32> to vector<1x1x16xf32>
        tpu.vector_store %arg4[%parallel_loop3A_1154, %parallel_loop3A_1155, %parallel_loop3A_1156], %parallel_loop3A_1159 {strides = array<i32>} : memref<7x16x1024xf32, #tpu.memory_space<vmem>>, vector<1x1x16xf32>,
        %parallel_loop3A_1160 = arith.index_cast %select_n3A_249 : i32 to index
        %parallel_loop3A_1161 = arith.index_cast %parallel_loop3A_291 : i32 to index
        %parallel_loop3A_1162 = arith.constant 992 : index
        %parallel_loop3A_1163 = tpu.vector_load %arg4[%parallel_loop3A_1160, %parallel_loop3A_1161, %parallel_loop3A_1162] {strides = array<i32>} : memref<7x16x1024xf32, #tpu.memory_space<vmem>>, vector<1x1x16xf32>,
        %parallel_loop3A_1164 = vector.shape_cast %parallel_loop3A_1163 : vector<1x1x16xf32> to vector<16xf32>
        %parallel_loop3A_1165 = arith.constant 3.125000e-02 : f32
        %parallel_loop3A_1166 = vector.broadcast %parallel_loop3A_1165 : f32 to vector<16xf32>
        %parallel_loop3A_1167 = arith.mulf %parallel_loop3A_1164, %parallel_loop3A_1166 : vector<16xf32>
        %parallel_loop3A_1168 = arith.index_cast %select_n3A_249 : i32 to index
        %parallel_loop3A_1169 = arith.index_cast %parallel_loop3A_291 : i32 to index
        %parallel_loop3A_1170 = arith.constant 992 : index
        %parallel_loop3A_1171 = tpu.vector_load %arg4[%parallel_loop3A_1168, %parallel_loop3A_1169, %parallel_loop3A_1170] {strides = array<i32>} : memref<7x16x1024xf32, #tpu.memory_space<vmem>>, vector<1x1x16xf32>,
        %parallel_loop3A_1172 = vector.shape_cast %parallel_loop3A_1171 : vector<1x1x16xf32> to vector<16xf32>
        %parallel_loop3A_1173 = vector.shape_cast %parallel_loop3A_1167 : vector<16xf32> to vector<1x1x16xf32>
        tpu.vector_store %arg4[%parallel_loop3A_1168, %parallel_loop3A_1169, %parallel_loop3A_1170], %parallel_loop3A_1173 {strides = array<i32>} : memref<7x16x1024xf32, #tpu.memory_space<vmem>>, vector<1x1x16xf32>,
        %parallel_loop3A_1174 = arith.index_cast %select_n3A_249 : i32 to index
        %parallel_loop3A_1175 = arith.index_cast %parallel_loop3A_291 : i32 to index
        %parallel_loop3A_1176 = arith.constant 1008 : index
        %parallel_loop3A_1177 = tpu.vector_load %arg4[%parallel_loop3A_1174, %parallel_loop3A_1175, %parallel_loop3A_1176] {strides = array<i32>} : memref<7x16x1024xf32, #tpu.memory_space<vmem>>, vector<1x1x16xf32>,
        %parallel_loop3A_1178 = vector.shape_cast %parallel_loop3A_1177 : vector<1x1x16xf32> to vector<16xf32>
        %parallel_loop3A_1179 = arith.constant 3.125000e-02 : f32
        %parallel_loop3A_1180 = vector.broadcast %parallel_loop3A_1179 : f32 to vector<16xf32>
        %parallel_loop3A_1181 = arith.mulf %parallel_loop3A_1178, %parallel_loop3A_1180 : vector<16xf32>
        %parallel_loop3A_1182 = arith.index_cast %select_n3A_249 : i32 to index
        %parallel_loop3A_1183 = arith.index_cast %parallel_loop3A_291 : i32 to index
        %parallel_loop3A_1184 = arith.constant 1008 : index
        %parallel_loop3A_1185 = tpu.vector_load %arg4[%parallel_loop3A_1182, %parallel_loop3A_1183, %parallel_loop3A_1184] {strides = array<i32>} : memref<7x16x1024xf32, #tpu.memory_space<vmem>>, vector<1x1x16xf32>,
        %parallel_loop3A_1186 = vector.shape_cast %parallel_loop3A_1185 : vector<1x1x16xf32> to vector<16xf32>
        %parallel_loop3A_1187 = vector.shape_cast %parallel_loop3A_1181 : vector<16xf32> to vector<1x1x16xf32>
        tpu.vector_store %arg4[%parallel_loop3A_1182, %parallel_loop3A_1183, %parallel_loop3A_1184], %parallel_loop3A_1187 {strides = array<i32>} : memref<7x16x1024xf32, #tpu.memory_space<vmem>>, vector<1x1x16xf32>,
      } {sc.loop_unroll_factor = 4 : i64, sc.parallel_access}
      %mul3A_274 = arith.constant 16 : i32
      %mul3A_275 = arith.muli %scan3A_240, %mul3A_274 : i32
      %add3A_276 = arith.addi %mul3A_2, %mul3A_275 : i32
      %dma_start3A_277 = arith.constant 0 : i32
      %dma_start3A_278 = arith.constant 0 : i32
      %dma_start3A_279 = tpu.memref_slice %arg4[%select_n3A_249, %dma_start3A_277, %dma_start3A_278] : memref<7x16x1024xf32, #tpu.memory_space<vmem>> -> memref<1x16x1024xf32, #tpu.memory_space<vmem>>
      %dma_start3A_280 = tpu.memref_squeeze %dma_start3A_279 : memref<1x16x1024xf32, #tpu.memory_space<vmem>> -> memref<16x1024xf32, #tpu.memory_space<vmem>>
      %dma_start3A_281 = arith.constant 0 : i32
      %dma_start3A_282 = tpu.memref_slice %arg3[%add3A_276, %dma_start3A_281] : memref<8192x1024xf32, #tpu.memory_space<hbm>> -> memref<16x1024xf32, #tpu.memory_space<hbm>>
      %dma_start3A_283 = tpu.memref_slice %arg6[%select_n3A_249] : memref<7x!tpu.dma_semaphore, #tpu.memory_space<semaphore_mem>> -> memref<1x!tpu.dma_semaphore, #tpu.memory_space<semaphore_mem>>
      %dma_start3A_284 = tpu.memref_squeeze %dma_start3A_283 : memref<1x!tpu.dma_semaphore, #tpu.memory_space<semaphore_mem>> -> memref<!tpu.dma_semaphore, #tpu.memory_space<semaphore_mem>>
      %dma_start3A_285 = arith.constant 0 : i32
      %dma_start3A_286 = tpu.memref_slice %arg3[%add3A_276, %dma_start3A_285] : memref<8192x1024xf32, #tpu.memory_space<hbm>> -> memref<16x1024xf32, #tpu.memory_space<hbm>>
      %dma_start3A_287 = arith.constant 0 : i32
      %dma_start3A_288 = arith.constant 0 : i32
      %dma_start3A_289 = tpu.memref_slice %arg4[%select_n3A_249, %dma_start3A_287, %dma_start3A_288] : memref<7x16x1024xf32, #tpu.memory_space<vmem>> -> memref<1x16x1024xf32, #tpu.memory_space<vmem>>
      %dma_start3A_290 = tpu.memref_squeeze %dma_start3A_289 : memref<1x16x1024xf32, #tpu.memory_space<vmem>> -> memref<16x1024xf32, #tpu.memory_space<vmem>>
      tpu.enqueue_dma source(%dma_start3A_290 : memref<16x1024xf32, #tpu.memory_space<vmem>>) target(%dma_start3A_286 : memref<16x1024xf32, #tpu.memory_space<hbm>>) target_semaphore(%dma_start3A_284 : memref<!tpu.dma_semaphore, #tpu.memory_space<semaphore_mem>>)
    }
    %scan3A_114 = arith.constant 16 : i32
    %add3A_115 = arith.constant 144 : i32
    %add3A_116 = arith.addi %mul3A_2, %add3A_115 : i32
    %dma_wait3A = arith.constant 2 : i32
    %dma_wait3A_117 = arith.constant 2 : i32
    %dma_wait3A_118 = arith.constant 0 : i32
    %dma_wait3A_119 = arith.constant 0 : i32
    %dma_wait3A_120 = tpu.memref_slice %arg4[%dma_wait3A, %dma_wait3A_118, %dma_wait3A_119] : memref<7x16x1024xf32, #tpu.memory_space<vmem>> -> memref<1x16x1024xf32, #tpu.memory_space<vmem>>
    %dma_wait3A_121 = tpu.memref_squeeze %dma_wait3A_120 : memref<1x16x1024xf32, #tpu.memory_space<vmem>> -> memref<16x1024xf32, #tpu.memory_space<vmem>>
    %dma_wait3A_122 = arith.constant 0 : i32
    %dma_wait3A_123 = tpu.memref_slice %arg3[%add3A_116, %dma_wait3A_122] : memref<8192x1024xf32, #tpu.memory_space<hbm>> -> memref<16x1024xf32, #tpu.memory_space<hbm>>
    %dma_wait3A_124 = tpu.memref_slice %arg6[%dma_wait3A_117] : memref<7x!tpu.dma_semaphore, #tpu.memory_space<semaphore_mem>> -> memref<1x!tpu.dma_semaphore, #tpu.memory_space<semaphore_mem>>
    %dma_wait3A_125 = tpu.memref_squeeze %dma_wait3A_124 : memref<1x!tpu.dma_semaphore, #tpu.memory_space<semaphore_mem>> -> memref<!tpu.dma_semaphore, #tpu.memory_space<semaphore_mem>>
    %dma_wait3A_126 = arith.constant 0 : i32
    %dma_wait3A_127 = tpu.memref_slice %arg3[%add3A_116, %dma_wait3A_126] : memref<8192x1024xf32, #tpu.memory_space<hbm>> -> memref<16x1024xf32, #tpu.memory_space<hbm>>
    %dma_wait3A_128 = arith.constant 0 : i32
    %dma_wait3A_129 = arith.constant 0 : i32
    %dma_wait3A_130 = tpu.memref_slice %arg4[%dma_wait3A, %dma_wait3A_128, %dma_wait3A_129] : memref<7x16x1024xf32, #tpu.memory_space<vmem>> -> memref<1x16x1024xf32, #tpu.memory_space<vmem>>
    %dma_wait3A_131 = tpu.memref_squeeze %dma_wait3A_130 : memref<1x16x1024xf32, #tpu.memory_space<vmem>> -> memref<16x1024xf32, #tpu.memory_space<vmem>>
    tpu.wait_dma2 semaphore(%dma_wait3A_125 : memref<!tpu.dma_semaphore, #tpu.memory_space<semaphore_mem>>) src(%dma_wait3A_131 : memref<16x1024xf32, #tpu.memory_space<vmem>>) dst(%dma_wait3A_127 : memref<16x1024xf32, #tpu.memory_space<hbm>>)
    %add3A_132 = arith.constant 160 : i32
    %add3A_133 = arith.addi %mul3A_2, %add3A_132 : i32
    %dma_wait3A_134 = arith.constant 3 : i32
    %dma_wait3A_135 = arith.constant 3 : i32
    %dma_wait3A_136 = arith.constant 0 : i32
    %dma_wait3A_137 = arith.constant 0 : i32
    %dma_wait3A_138 = tpu.memref_slice %arg4[%dma_wait3A_134, %dma_wait3A_136, %dma_wait3A_137] : memref<7x16x1024xf32, #tpu.memory_space<vmem>> -> memref<1x16x1024xf32, #tpu.memory_space<vmem>>
    %dma_wait3A_139 = tpu.memref_squeeze %dma_wait3A_138 : memref<1x16x1024xf32, #tpu.memory_space<vmem>> -> memref<16x1024xf32, #tpu.memory_space<vmem>>
    %dma_wait3A_140 = arith.constant 0 : i32
    %dma_wait3A_141 = tpu.memref_slice %arg3[%add3A_133, %dma_wait3A_140] : memref<8192x1024xf32, #tpu.memory_space<hbm>> -> memref<16x1024xf32, #tpu.memory_space<hbm>>
    %dma_wait3A_142 = tpu.memref_slice %arg6[%dma_wait3A_135] : memref<7x!tpu.dma_semaphore, #tpu.memory_space<semaphore_mem>> -> memref<1x!tpu.dma_semaphore, #tpu.memory_space<semaphore_mem>>
    %dma_wait3A_143 = tpu.memref_squeeze %dma_wait3A_142 : memref<1x!tpu.dma_semaphore, #tpu.memory_space<semaphore_mem>> -> memref<!tpu.dma_semaphore, #tpu.memory_space<semaphore_mem>>
    %dma_wait3A_144 = arith.constant 0 : i32
    %dma_wait3A_145 = tpu.memref_slice %arg3[%add3A_133, %dma_wait3A_144] : memref<8192x1024xf32, #tpu.memory_space<hbm>> -> memref<16x1024xf32, #tpu.memory_space<hbm>>
    %dma_wait3A_146 = arith.constant 0 : i32
    %dma_wait3A_147 = arith.constant 0 : i32
    %dma_wait3A_148 = tpu.memref_slice %arg4[%dma_wait3A_134, %dma_wait3A_146, %dma_wait3A_147] : memref<7x16x1024xf32, #tpu.memory_space<vmem>> -> memref<1x16x1024xf32, #tpu.memory_space<vmem>>
    %dma_wait3A_149 = tpu.memref_squeeze %dma_wait3A_148 : memref<1x16x1024xf32, #tpu.memory_space<vmem>> -> memref<16x1024xf32, #tpu.memory_space<vmem>>
    tpu.wait_dma2 semaphore(%dma_wait3A_143 : memref<!tpu.dma_semaphore, #tpu.memory_space<semaphore_mem>>) src(%dma_wait3A_149 : memref<16x1024xf32, #tpu.memory_space<vmem>>) dst(%dma_wait3A_145 : memref<16x1024xf32, #tpu.memory_space<hbm>>)
    %add3A_150 = arith.constant 176 : i32
    %add3A_151 = arith.addi %mul3A_2, %add3A_150 : i32
    %dma_wait3A_152 = arith.constant 4 : i32
    %dma_wait3A_153 = arith.constant 4 : i32
    %dma_wait3A_154 = arith.constant 0 : i32
    %dma_wait3A_155 = arith.constant 0 : i32
    %dma_wait3A_156 = tpu.memref_slice %arg4[%dma_wait3A_152, %dma_wait3A_154, %dma_wait3A_155] : memref<7x16x1024xf32, #tpu.memory_space<vmem>> -> memref<1x16x1024xf32, #tpu.memory_space<vmem>>
    %dma_wait3A_157 = tpu.memref_squeeze %dma_wait3A_156 : memref<1x16x1024xf32, #tpu.memory_space<vmem>> -> memref<16x1024xf32, #tpu.memory_space<vmem>>
    %dma_wait3A_158 = arith.constant 0 : i32
    %dma_wait3A_159 = tpu.memref_slice %arg3[%add3A_151, %dma_wait3A_158] : memref<8192x1024xf32, #tpu.memory_space<hbm>> -> memref<16x1024xf32, #tpu.memory_space<hbm>>
    %dma_wait3A_160 = tpu.memref_slice %arg6[%dma_wait3A_153] : memref<7x!tpu.dma_semaphore, #tpu.memory_space<semaphore_mem>> -> memref<1x!tpu.dma_semaphore, #tpu.memory_space<semaphore_mem>>
    %dma_wait3A_161 = tpu.memref_squeeze %dma_wait3A_160 : memref<1x!tpu.dma_semaphore, #tpu.memory_space<semaphore_mem>> -> memref<!tpu.dma_semaphore, #tpu.memory_space<semaphore_mem>>
    %dma_wait3A_162 = arith.constant 0 : i32
    %dma_wait3A_163 = tpu.memref_slice %arg3[%add3A_151, %dma_wait3A_162] : memref<8192x1024xf32, #tpu.memory_space<hbm>> -> memref<16x1024xf32, #tpu.memory_space<hbm>>
    %dma_wait3A_164 = arith.constant 0 : i32
    %dma_wait3A_165 = arith.constant 0 : i32
    %dma_wait3A_166 = tpu.memref_slice %arg4[%dma_wait3A_152, %dma_wait3A_164, %dma_wait3A_165] : memref<7x16x1024xf32, #tpu.memory_space<vmem>> -> memref<1x16x1024xf32, #tpu.memory_space<vmem>>
    %dma_wait3A_167 = tpu.memref_squeeze %dma_wait3A_166 : memref<1x16x1024xf32, #tpu.memory_space<vmem>> -> memref<16x1024xf32, #tpu.memory_space<vmem>>
    tpu.wait_dma2 semaphore(%dma_wait3A_161 : memref<!tpu.dma_semaphore, #tpu.memory_space<semaphore_mem>>) src(%dma_wait3A_167 : memref<16x1024xf32, #tpu.memory_space<vmem>>) dst(%dma_wait3A_163 : memref<16x1024xf32, #tpu.memory_space<hbm>>)
    %add3A_168 = arith.constant 192 : i32
    %add3A_169 = arith.addi %mul3A_2, %add3A_168 : i32
    %dma_wait3A_170 = arith.constant 5 : i32
    %dma_wait3A_171 = arith.constant 5 : i32
    %dma_wait3A_172 = arith.constant 0 : i32
    %dma_wait3A_173 = arith.constant 0 : i32
    %dma_wait3A_174 = tpu.memref_slice %arg4[%dma_wait3A_170, %dma_wait3A_172, %dma_wait3A_173] : memref<7x16x1024xf32, #tpu.memory_space<vmem>> -> memref<1x16x1024xf32, #tpu.memory_space<vmem>>
    %dma_wait3A_175 = tpu.memref_squeeze %dma_wait3A_174 : memref<1x16x1024xf32, #tpu.memory_space<vmem>> -> memref<16x1024xf32, #tpu.memory_space<vmem>>
    %dma_wait3A_176 = arith.constant 0 : i32
    %dma_wait3A_177 = tpu.memref_slice %arg3[%add3A_169, %dma_wait3A_176] : memref<8192x1024xf32, #tpu.memory_space<hbm>> -> memref<16x1024xf32, #tpu.memory_space<hbm>>
    %dma_wait3A_178 = tpu.memref_slice %arg6[%dma_wait3A_171] : memref<7x!tpu.dma_semaphore, #tpu.memory_space<semaphore_mem>> -> memref<1x!tpu.dma_semaphore, #tpu.memory_space<semaphore_mem>>
    %dma_wait3A_179 = tpu.memref_squeeze %dma_wait3A_178 : memref<1x!tpu.dma_semaphore, #tpu.memory_space<semaphore_mem>> -> memref<!tpu.dma_semaphore, #tpu.memory_space<semaphore_mem>>
    %dma_wait3A_180 = arith.constant 0 : i32
    %dma_wait3A_181 = tpu.memref_slice %arg3[%add3A_169, %dma_wait3A_180] : memref<8192x1024xf32, #tpu.memory_space<hbm>> -> memref<16x1024xf32, #tpu.memory_space<hbm>>
    %dma_wait3A_182 = arith.constant 0 : i32
    %dma_wait3A_183 = arith.constant 0 : i32
    %dma_wait3A_184 = tpu.memref_slice %arg4[%dma_wait3A_170, %dma_wait3A_182, %dma_wait3A_183] : memref<7x16x1024xf32, #tpu.memory_space<vmem>> -> memref<1x16x1024xf32, #tpu.memory_space<vmem>>
    %dma_wait3A_185 = tpu.memref_squeeze %dma_wait3A_184 : memref<1x16x1024xf32, #tpu.memory_space<vmem>> -> memref<16x1024xf32, #tpu.memory_space<vmem>>
    tpu.wait_dma2 semaphore(%dma_wait3A_179 : memref<!tpu.dma_semaphore, #tpu.memory_space<semaphore_mem>>) src(%dma_wait3A_185 : memref<16x1024xf32, #tpu.memory_space<vmem>>) dst(%dma_wait3A_181 : memref<16x1024xf32, #tpu.memory_space<hbm>>)
    %add3A_186 = arith.constant 208 : i32
    %add3A_187 = arith.addi %mul3A_2, %add3A_186 : i32
    %dma_wait3A_188 = arith.constant 6 : i32
    %dma_wait3A_189 = arith.constant 6 : i32
    %dma_wait3A_190 = arith.constant 0 : i32
    %dma_wait3A_191 = arith.constant 0 : i32
    %dma_wait3A_192 = tpu.memref_slice %arg4[%dma_wait3A_188, %dma_wait3A_190, %dma_wait3A_191] : memref<7x16x1024xf32, #tpu.memory_space<vmem>> -> memref<1x16x1024xf32, #tpu.memory_space<vmem>>
    %dma_wait3A_193 = tpu.memref_squeeze %dma_wait3A_192 : memref<1x16x1024xf32, #tpu.memory_space<vmem>> -> memref<16x1024xf32, #tpu.memory_space<vmem>>
    %dma_wait3A_194 = arith.constant 0 : i32
    %dma_wait3A_195 = tpu.memref_slice %arg3[%add3A_187, %dma_wait3A_194] : memref<8192x1024xf32, #tpu.memory_space<hbm>> -> memref<16x1024xf32, #tpu.memory_space<hbm>>
    %dma_wait3A_196 = tpu.memref_slice %arg6[%dma_wait3A_189] : memref<7x!tpu.dma_semaphore, #tpu.memory_space<semaphore_mem>> -> memref<1x!tpu.dma_semaphore, #tpu.memory_space<semaphore_mem>>
    %dma_wait3A_197 = tpu.memref_squeeze %dma_wait3A_196 : memref<1x!tpu.dma_semaphore, #tpu.memory_space<semaphore_mem>> -> memref<!tpu.dma_semaphore, #tpu.memory_space<semaphore_mem>>
    %dma_wait3A_198 = arith.constant 0 : i32
    %dma_wait3A_199 = tpu.memref_slice %arg3[%add3A_187, %dma_wait3A_198] : memref<8192x1024xf32, #tpu.memory_space<hbm>> -> memref<16x1024xf32, #tpu.memory_space<hbm>>
    %dma_wait3A_200 = arith.constant 0 : i32
    %dma_wait3A_201 = arith.constant 0 : i32
    %dma_wait3A_202 = tpu.memref_slice %arg4[%dma_wait3A_188, %dma_wait3A_200, %dma_wait3A_201] : memref<7x16x1024xf32, #tpu.memory_space<vmem>> -> memref<1x16x1024xf32, #tpu.memory_space<vmem>>
    %dma_wait3A_203 = tpu.memref_squeeze %dma_wait3A_202 : memref<1x16x1024xf32, #tpu.memory_space<vmem>> -> memref<16x1024xf32, #tpu.memory_space<vmem>>
    tpu.wait_dma2 semaphore(%dma_wait3A_197 : memref<!tpu.dma_semaphore, #tpu.memory_space<semaphore_mem>>) src(%dma_wait3A_203 : memref<16x1024xf32, #tpu.memory_space<vmem>>) dst(%dma_wait3A_199 : memref<16x1024xf32, #tpu.memory_space<hbm>>)
    %add3A_204 = arith.constant 224 : i32
    %add3A_205 = arith.addi %mul3A_2, %add3A_204 : i32
    %dma_wait3A_206 = arith.constant 0 : i32
    %dma_wait3A_207 = arith.constant 0 : i32
    %dma_wait3A_208 = arith.constant 0 : i32
    %dma_wait3A_209 = arith.constant 0 : i32
    %dma_wait3A_210 = tpu.memref_slice %arg4[%dma_wait3A_206, %dma_wait3A_208, %dma_wait3A_209] : memref<7x16x1024xf32, #tpu.memory_space<vmem>> -> memref<1x16x1024xf32, #tpu.memory_space<vmem>>
    %dma_wait3A_211 = tpu.memref_squeeze %dma_wait3A_210 : memref<1x16x1024xf32, #tpu.memory_space<vmem>> -> memref<16x1024xf32, #tpu.memory_space<vmem>>
    %dma_wait3A_212 = arith.constant 0 : i32
    %dma_wait3A_213 = tpu.memref_slice %arg3[%add3A_205, %dma_wait3A_212] : memref<8192x1024xf32, #tpu.memory_space<hbm>> -> memref<16x1024xf32, #tpu.memory_space<hbm>>
    %dma_wait3A_214 = tpu.memref_slice %arg6[%dma_wait3A_207] : memref<7x!tpu.dma_semaphore, #tpu.memory_space<semaphore_mem>> -> memref<1x!tpu.dma_semaphore, #tpu.memory_space<semaphore_mem>>
    %dma_wait3A_215 = tpu.memref_squeeze %dma_wait3A_214 : memref<1x!tpu.dma_semaphore, #tpu.memory_space<semaphore_mem>> -> memref<!tpu.dma_semaphore, #tpu.memory_space<semaphore_mem>>
    %dma_wait3A_216 = arith.constant 0 : i32
    %dma_wait3A_217 = tpu.memref_slice %arg3[%add3A_205, %dma_wait3A_216] : memref<8192x1024xf32, #tpu.memory_space<hbm>> -> memref<16x1024xf32, #tpu.memory_space<hbm>>
    %dma_wait3A_218 = arith.constant 0 : i32
    %dma_wait3A_219 = arith.constant 0 : i32
    %dma_wait3A_220 = tpu.memref_slice %arg4[%dma_wait3A_206, %dma_wait3A_218, %dma_wait3A_219] : memref<7x16x1024xf32, #tpu.memory_space<vmem>> -> memref<1x16x1024xf32, #tpu.memory_space<vmem>>
    %dma_wait3A_221 = tpu.memref_squeeze %dma_wait3A_220 : memref<1x16x1024xf32, #tpu.memory_space<vmem>> -> memref<16x1024xf32, #tpu.memory_space<vmem>>
    tpu.wait_dma2 semaphore(%dma_wait3A_215 : memref<!tpu.dma_semaphore, #tpu.memory_space<semaphore_mem>>) src(%dma_wait3A_221 : memref<16x1024xf32, #tpu.memory_space<vmem>>) dst(%dma_wait3A_217 : memref<16x1024xf32, #tpu.memory_space<hbm>>)
    %add3A_222 = arith.constant 240 : i32
    %add3A_223 = arith.addi %mul3A_2, %add3A_222 : i32
    %dma_wait3A_224 = arith.constant 1 : i32
    %dma_wait3A_225 = arith.constant 1 : i32
    %dma_wait3A_226 = arith.constant 0 : i32
    %dma_wait3A_227 = arith.constant 0 : i32
    %dma_wait3A_228 = tpu.memref_slice %arg4[%dma_wait3A_224, %dma_wait3A_226, %dma_wait3A_227] : memref<7x16x1024xf32, #tpu.memory_space<vmem>> -> memref<1x16x1024xf32, #tpu.memory_space<vmem>>
    %dma_wait3A_229 = tpu.memref_squeeze %dma_wait3A_228 : memref<1x16x1024xf32, #tpu.memory_space<vmem>> -> memref<16x1024xf32, #tpu.memory_space<vmem>>
    %dma_wait3A_230 = arith.constant 0 : i32
    %dma_wait3A_231 = tpu.memref_slice %arg3[%add3A_223, %dma_wait3A_230] : memref<8192x1024xf32, #tpu.memory_space<hbm>> -> memref<16x1024xf32, #tpu.memory_space<hbm>>
    %dma_wait3A_232 = tpu.memref_slice %arg6[%dma_wait3A_225] : memref<7x!tpu.dma_semaphore, #tpu.memory_space<semaphore_mem>> -> memref<1x!tpu.dma_semaphore, #tpu.memory_space<semaphore_mem>>
    %dma_wait3A_233 = tpu.memref_squeeze %dma_wait3A_232 : memref<1x!tpu.dma_semaphore, #tpu.memory_space<semaphore_mem>> -> memref<!tpu.dma_semaphore, #tpu.memory_space<semaphore_mem>>
    %dma_wait3A_234 = arith.constant 0 : i32
    %dma_wait3A_235 = tpu.memref_slice %arg3[%add3A_223, %dma_wait3A_234] : memref<8192x1024xf32, #tpu.memory_space<hbm>> -> memref<16x1024xf32, #tpu.memory_space<hbm>>
    %dma_wait3A_236 = arith.constant 0 : i32
    %dma_wait3A_237 = arith.constant 0 : i32
    %dma_wait3A_238 = tpu.memref_slice %arg4[%dma_wait3A_224, %dma_wait3A_236, %dma_wait3A_237] : memref<7x16x1024xf32, #tpu.memory_space<vmem>> -> memref<1x16x1024xf32, #tpu.memory_space<vmem>>
    %dma_wait3A_239 = tpu.memref_squeeze %dma_wait3A_238 : memref<1x16x1024xf32, #tpu.memory_space<vmem>> -> memref<16x1024xf32, #tpu.memory_space<vmem>>
    tpu.wait_dma2 semaphore(%dma_wait3A_233 : memref<!tpu.dma_semaphore, #tpu.memory_space<semaphore_mem>>) src(%dma_wait3A_239 : memref<16x1024xf32, #tpu.memory_space<vmem>>) dst(%dma_wait3A_235 : memref<16x1024xf32, #tpu.memory_space<hbm>>)
    return
  }
}

</mosaic_0001>

<sc_bundles>
// kernel: kernel.3.cloned.1.call-start
scs
__scs_entry_jumppad:
0x0: {  	(pc) =	sbr.rel $0x88, $3  }
0x1: {  	(tag) =	ssettag $0x0;
	lr =	simm.s32 $0x1  }
0x2: {  	[smem:$0x3FA0] =	sst lr;
	_ =	strace $0xD0000000  }
0x3: {  	_ = 	snop  }
0x4: {  	_ = 	snop  }
0x5: {  	_ = 	snop  }
0x6: {  	_ = 	snop  }
0x7: {  	_ = 	snop  }
__scs_overlays_trampoline_lowered:
0x8: {  	[smem:$0x3FAF] =	sst s0  }
0x9: {  	[smem:$0x3FB0] =	sst s1  }
0xa: {  	[smem:$0x3FB1] =	sst s2  }
0xb: {  	[smem:$0x3FB2] =	sst s3  }
0xc: {  	[smem:$0x3FB3] =	sst s4  }
0xd: {  	[smem:$0x3FB4] =	sst s5  }
0xe: {  	[smem:$0x3FB5] =	sst s6  }
0xf: {  	[smem:$0x3FB6] =	sst s7  }
0x10: {  	[smem:$0x3FB7] =	sst s8  }
0x11: {  	[smem:$0x3FB8] =	sst s9;
	s0 =	simm.s32 @!p0 $0x0  }
0x12: {  	s1 =	sld [smem:$0x3F9E];
	s0 =	simm.s32 @p0 $0x1  }
0x13: {  	[smem:$0x3FB9] =	sst s0;
	s0 =	simm.s32 @!p1 $0x0  }
0x14: {  	s2 =	sld [smem:$0x3F9D];
	s0 =	simm.s32 @p1 $0x1  }
0x15: {  	[smem:$0x3FBA] =	sst s0;
	s0 =	simm.s32 @!p2 $0x0  }
0x16: {  	s3 =	sld [smem:$0x3FDB];
	s0 =	simm.s32 @p2 $0x1  }
0x17: {  	s4 =	simm.s32 $0x1BF5;
	[smem:$0x3FBC] =	sst s0  }
0x18: {  	s0 =	sld [smem:$0x3F9F];
	_ =	swait.ge [sflag:s4], $0x0  }
0x19: {  	s7 =	sld [smem:$0x3FA0]  }
0x1a: {  	s8 =	sadd.s32 $0xFFFFE003, lr  }
0x1b: {  	s9 =	sadd.s32 $0xFFFFFEF7, lr;
	s5 =	simm.s32 $0xFFFFFFFF;
	p2 =	slt.u32 s8, $0xFFFFF086  }
0x1c: {  	p1 =	slt.u32 s9, $0xF7A;
	s5 =	simm.s32 @!p2 $0x0  }
0x1d: {  	s5 =	simm.s32 @p1 $0x1;
	p0 =	seq.s32 s7, s2  }
0x1e: {  	s7 =	smul.u32 @!p0 $0xF7A, s2;
	p2 =	seq.s32 @!p0 s5, $0x0  }
0x1f: {  	s9 =	smul.u32 $0xF7A, s1;
	s8 =	simm.s32 @!p0 $0x1BF5;
	p2 =	por !p2, p0  }
0x20: {  	[sflag:s8] =	ssyncset.s32 @!p0 $0xFFFFF086;
	s6 =	sadd.s32 @!p0 s3, s7;
	s7 =	simm.s32 @!p0 $0x108  }
0x21: {  	s3 =	sadd.s32 s3, s9;
	s6 =	sadd.s32 @!p0 $0x88, s6;
	s7 =	simm.s32 @p2 $0x1082  }
0x22: {  	[simem:s7], [sflag:s8] =	dma.local @!p0 [hbm:s6], $0xF7A  }
0x23: {  	s9 =	sor.u32 $0xD0000000, s2;
	s6 =	simm.s32 $0x108;
	_ =	swait.ge @!p0 [sflag:s8], $0x0  }
0x24: {  	s3 =	sadd.s32 $0x88, s3;
	s6 =	simm.s32 @!p1 $0x1082;
	[sflag:s4] =	ssyncset.s32 $0xFFFFF086  }
0x25: {  	[simem:s6], [sflag:s4] =	dma.local [hbm:s3], $0xF7A  }
0x26: {  	[smem:$0x3FA0] =	sst s1;
	(tag) =	ssettag s2;
	_ =	strace s9  }
0x27: {  	s1 =	sld [smem:$0x3FB0]  }
0x28: {  	s2 =	sld [smem:$0x3FB1]  }
0x29: {  	s4 =	sld [smem:$0x3FB3]  }
0x2a: {  	p0 =	seq.s32 s5, $0x0;
	s5 =	sld [smem:$0x3FB4]  }
0x2b: {  	s6 =	sld [smem:$0x3FB5]  }
0x2c: {  	s7 =	sld [smem:$0x3FB6]  }
0x2d: {  	s3 =	simm.s32 $0x108;
	s8 =	sld [smem:$0x3FB7]  }
0x2e: {  	s3 =	simm.s32 @!p0 $0x1082;
	s9 =	sld [smem:$0x3FB8]  }
0x2f: {  	lr =	sadd.s32 s0, s3;
	s0 =	sld [smem:$0x3FAF]  }
0x30: {  	s3 =	sld [smem:$0x3FB2]  }
0x31: {  	[smem:$0x3FBB] =	sst s10  }
0x32: {  	s10 =	sld [smem:$0x3FB9];
	_ =	sdelay $0x3  }
0x33: {  	p0 =	seq.s32 s10, $0x1;
	s10 =	sld [smem:$0x3FBB];
	_ =	sdelay $0x3  }
0x34: {  	[smem:$0x3FBB] =	sst s10  }
0x35: {  	s10 =	sld [smem:$0x3FBA];
	_ =	sdelay $0x3  }
0x36: {  	p1 =	seq.s32 s10, $0x1;
	s10 =	sld [smem:$0x3FBB];
	_ =	sdelay $0x3  }
0x37: {  	[smem:$0x3FBB] =	sst s10  }
0x38: {  	s10 =	sld [smem:$0x3FBC]  }
0x39: {  	_ = 	snop;
	(pc) =	sbr.ind lr, $3  }
0x3a: {  	_ = 	snop  }
0x3b: {  	_ = 	snop  }
0x3c: {  	p2 =	seq.s32 s10, $0x1;
	s10 =	sld [smem:$0x3FBB]  }
0x3d: {  	_ =	shalt  }
0x3e: {  	_ =	shalt  }
0x3f: {  	_ =	shalt  }
0x40: {  	_ =	shalt  }
0x41: {  	_ =	shalt  }
0x42: {  	_ =	shalt  }
0x43: {  	_ =	shalt  }
0x44: {  	_ =	shalt  }
0x45: {  	_ =	shalt  }
0x46: {  	_ =	shalt  }
0x47: {  	_ =	shalt  }
0x48: {  	_ =	shalt  }
0x49: {  	_ =	shalt  }
0x4a: {  	_ =	shalt  }
0x4b: {  	_ =	shalt  }
0x4c: {  	_ =	shalt  }
0x4d: {  	_ =	shalt  }
0x4e: {  	_ =	shalt  }
0x4f: {  	_ =	shalt  }
0x50: {  	_ =	shalt  }
0x51: {  	_ =	shalt  }
0x52: {  	_ =	shalt  }
0x53: {  	_ =	shalt  }
0x54: {  	_ =	shalt  }
0x55: {  	_ =	shalt  }
0x56: {  	_ =	shalt  }
0x57: {  	_ =	shalt  }
0x58: {  	_ =	shalt  }
0x59: {  	_ =	shalt  }
0x5a: {  	_ =	shalt  }
0x5b: {  	_ =	shalt  }
0x5c: {  	_ =	shalt  }
0x5d: {  	_ =	shalt  }
0x5e: {  	_ =	shalt  }
0x5f: {  	_ =	shalt  }
0x60: {  	_ =	shalt  }
0x61: {  	_ =	shalt  }
0x62: {  	_ =	shalt  }
0x63: {  	_ =	shalt  }
0x64: {  	_ =	shalt  }
0x65: {  	_ =	shalt  }
0x66: {  	_ =	shalt  }
0x67: {  	_ =	shalt  }
0x68: {  	_ =	shalt  }
0x69: {  	_ =	shalt  }
0x6a: {  	_ =	shalt  }
0x6b: {  	_ =	shalt  }
0x6c: {  	_ =	shalt  }
0x6d: {  	_ =	shalt  }
0x6e: {  	_ =	shalt  }
0x6f: {  	_ =	shalt  }
0x70: {  	_ =	shalt  }
0x71: {  	_ =	shalt  }
0x72: {  	_ =	shalt  }
0x73: {  	_ =	shalt  }
0x74: {  	_ =	shalt  }
0x75: {  	_ =	shalt  }
0x76: {  	_ =	shalt  }
0x77: {  	_ =	shalt  }
0x78: {  	_ =	shalt  }
0x79: {  	_ =	shalt  }
0x7a: {  	_ =	shalt  }
0x7b: {  	_ =	shalt  }
0x7c: {  	_ =	shalt  }
0x7d: {  	_ =	shalt  }
0x7e: {  	_ =	shalt  }
0x7f: {  	_ =	shalt  }
0x80: {  	_ =	shalt  }
0x81: {  	_ =	shalt  }
0x82: {  	_ =	shalt  }
0x83: {  	_ =	shalt  }
0x84: {  	_ =	shalt  }
0x85: {  	_ =	shalt  }
0x86: {  	_ =	shalt  }
0x87: {  	_ =	shalt  }
.Lfunc_end0:
.L_simem_size_0:
called_computation_lowered:
.L_overlay_start_0:
0x88: {  	s2 =	sld [smem:$0x3FD9]  }
0x89: {  	s3 =	sld [smem:$0x3FFE];
	_ =	sdelay $0x1  }
0x8a: {  	s1 =	srdreg.scid  }
0x8b: {  	s0 =	sand.u32 $0x1, s1  }
0x8c: {  	s18 =	sshll.u32 s0, $0xA;
	s2 =	sadd.s32 s3, s2  }
0x8d: {  	s2 =	sadd.s32 s2, s18  }
0x8e: {  	[smem:$0x3FC7] =	sst s2  }
0x8f: {  	_ = 	snop  }
0x90: {  	s2 =	sld [smem:$0x3FC9]  }
0x91: {  	s19 =	sld [smem:$0x3FD0];
	(tm) =	ssettm $0x1  }
0x92: {  	s4 =	sld [smem:$0x3FFB];
	_ =	sdelay $0x3  }
0x93: {  	_ =	strace s4  }
0x94: {  	s4 =	sld [smem:$0x3FFC];
	_ =	sdelay $0x3  }
0x95: {  	_ =	strace s4  }
0x96: {  	s4 =	sld [smem:$0x3FFD];
	_ =	sdelay $0x3  }
0x97: {  	_ =	strace s4  }
0x98: {  	_ =	strace $0x8FFFFFFF  }
0x99: {  	s20 =	sld [smem:$0x3FDB];
	_ =	sdelay $0x1  }
0x9a: {  	s5 =	simm.s32 $_scs_section_size  }
0x9b: {  	s6 =	simm.s32 $_size__tile_overlayer_lowered;
	s7 =	simm.s32 $_tile_overlayer_lowered  }
0x9c: {  	s23 =	simm.s32 $0x1BFF;
	s22 =	sshll.u32 s7, $0x1;
	s4 =	sadd.s32 s5, s20  }
0x9d: {  	s8 =	simm.s32 $0x0;
	s21 =	sshll.u32 s6, $0x1;
	s6 =	sadd.s32 s22, s4  }
0x9e: {  	[timem:s8], [sflag:s23] =	dma.local [hbm:s6], s21  }
0x9f: {  	_ =	swait.ge [sflag:s23], s21  }
0xa0: {  	s5 =	ssub.s32 $0x0, s21;
	[sflag:s23] =	ssyncset.done $0x0  }
0xa1: {  	[sflag:s23] =	ssyncadd.s32 s5;
	_ =	sdelay $0x1  }
0xa2: {  	s24 =	simm.s32 $0x1B8B  }
0xa3: {  	_ =	swait.ge [sflag:s24], $0x1  }
0xa4: {  	[sflag:s24] =	ssyncset.done $0x0  }
0xa5: {  	s25 =	simm.s32 $0x1B8E;
	[sflag:s24] =	ssyncadd.s32 $0xFFFFFFFF  }
0xa6: {  	s26 =	simm.s32 $execute0_lowered;
	[smem:$0x3FD2] =	sst s25  }
0xa7: {  	s5 =	sshll.u32 s26, $0x1;
	_ =	strace $0x80000046;
	[dreg:$0x1] =	wrdreg $0xFFFFFFFF  }
0xa8: {  	s28 =	simm.s32 $_size_execute0_lowered;
	s4 =	sadd.s32 s4, s5;
	[dreg:$0x0] =	wrdreg $0x0  }
0xa9: {  	s5 =	sshll.u32 s28, $0x1;
	[dreg:$0x2] =	wrdreg s4  }
0xaa: {  	[dreg:$0x3] =	wrdreg s5  }
0xab: {  	[dreg:$0x4] =	wrdreg $0xC0  }
0xac: {  	_ =	task [dreg:s8], $0x5FFFF  }
0xad: {  	[dreg:$0x1] =	wrdreg $0xFFFFFFFF  }
0xae: {  	[dreg:$0x0] =	wrdreg $0x60  }
0xaf: {  	[dreg:$0x2] =	wrdreg s2  }
0xb0: {  	[dreg:$0x3] =	wrdreg s19  }
0xb1: {  	[dreg:$0x4] =	wrdreg $0x9  }
0xb2: {  	_ =	task.clear_ibuf [dreg:s8], $0x5FFFF;
	_ =	strace $0x90000046  }
0xb3: {  	s29 =	simm.s32 $0x9;
	_ =	strace $0x80000048  }
0xb4: {  	_ =	swait.ge [sflag:s29], $0x1  }
0xb5: {  	[sflag:s29] =	ssyncadd.s32 $0xFFFFFFFF  }
0xb6: {  	_ =	strace $0x90000048  }
0xb7: {  	_ =	sfence  }
0xb8: {  	s30 =	sld [smem:$0x0];
	_ =	sdelay $0x2  }
0xb9: {  	s31 =	sshll.u32 s1, $0xD;
	s1 =	sshrl.u32 s1, $0x2  }
0xba: {  	s3 =	sand.u32 $0x4000, s31;
	s1 =	sadd.s32 s1, s30  }
0xbb: {  	s0 =	sor.u32 s3, s0;
	s1 =	sshll.u32 s1, $0x11  }
0xbc: {  	s0 =	sor.u32 s1, s0  }
0xbd: {  	s0 =	sadd.s32 $0x8F2B, s0  }
0xbe: {  	[sflag:s0] =	ssyncadd.remote.s32 $0x1  }
0xbf: {  	_ =	sfence.sel $0xFFFF  }
0xc0: {  	[dreg:$0x0] =	wrdreg $0xFFFFFFFF;
	(pc) =	sbr.abs _section_cstart, $3  }
0xc1: {  	[dreg:$0x1] =	wrdreg $0xFFFFFFFF  }
0xc2: {  	_ =	task.clear_ibuf [dreg:s8], $0x2FFFF;
	_ =	strace $0x9FFFFFFF  }
0xc3: {  	(tm) =	ssettm $0x7FFFFFFF  }
tec
execute0_lowered:
.L_overlay_start_1:
0x0: {  	(tag) =	ssettag $0x1  }
0x1: {  	s0 =	rddreg [dreg:$0x0]  }
0x2: {  	s9 =	rddreg [dreg:$0x1]  }
0x3: {  	s2 =	srdreg.scid;
	s1 =	stileid.u32;
	s11 =	simm.s32 $0x4000  }
0x4: {  	s12 =	simm.s32 $0x8000;
	s13 =	simm.s32 $0xC000;
	s14 =	simm.s32 $0x10000  }
0x5: {  	s15 =	simm.s32 $0x14000;
	s16 =	simm.s32 $0xA;
	s17 =	simm.s32 $0xB  }
0x6: {  	s18 =	simm.s32 $0xC;
	s19 =	simm.s32 $0xD;
	s20 =	simm.s32 $0xE  }
0x7: {  	s21 =	simm.s32 $0x8;
	s22 =	simm.s32 $0x9;
	s23 =	simm.s32 $0x0  }
0x8: {  	s3 =	sand.u32 $0x1, s2;
	s2 =	simm.s32 $0x0;
	s4 =	sshll.u32 s1, $0x10  }
0x9: {  	s5 =	sshll.u32 s3, $0xF;
	[smem:$0x7FF] =	sst s2;
	s6 =	ssub.s32 $0x2, s3  }
0xa: {  	s10 =	sor.u32 s5, s4;
	_ =	strace $0x80000047;
	s30 =	sshrl.u32 s6, $0x1  }
0xb: {  	s3 =	sadd.s32 s0, s10;
	s31 =	ssub.s32 s6, s30;
	s9 =	sadd.s32 s9, s10  }
0xc: {  	s4 =	sadd.s32 $0x800, s3;
	s5 =	sadd.s32 $0x1000, s3;
	s6 =	sadd.s32 $0x1800, s3  }
0xd: {  	s7 =	sadd.s32 $0x2000, s3;
	s8 =	sadd.s32 $0x2800, s3;
	s10 =	smax.u32 s31, $0x1  }
.LBB2_1:
0xe: {  	[tilespmem:s2], [sflag:$0x1] =	stream.linear.gather [hbm4b:s3+s2], $0x4000, $0x38;
	[tilespmem:$0x1C000] =	vst v63  }
0xf: {  	_ = 	snop  }
0x10: {  	[tilespmem:s11], [sflag:$0x2] =	stream.linear.gather [hbm4b:s4+s2], $0x4000, $0x38;
	[tilespmem:$0x1C000] =	vst v63  }
0x11: {  	_ = 	snop  }
0x12: {  	[tilespmem:s12], [sflag:$0x3] =	stream.linear.gather [hbm4b:s5+s2], $0x4000, $0x38;
	[tilespmem:$0x1C000] =	vst v63  }
0x13: {  	_ = 	snop  }
0x14: {  	[tilespmem:s13], [sflag:$0x4] =	stream.linear.gather [hbm4b:s6+s2], $0x4000, $0x38;
	[tilespmem:$0x1C000] =	vst v63  }
0x15: {  	_ = 	snop  }
0x16: {  	[tilespmem:s14], [sflag:$0x5] =	stream.linear.gather [hbm4b:s7+s2], $0x4000, $0x38;
	[tilespmem:$0x1C000] =	vst v63  }
0x17: {  	s24 =	simm.s32 $0x0  }
0x18: {  	[tilespmem:s15], [sflag:$0x6] =	stream.linear.gather [hbm4b:s8+s2], $0x4000, $0x38;
	[tilespmem:$0x1C000] =	vst v63  }
.LBB2_2:
0x19: {  	s0 =	smul.u32 $0x25, s24;
	_ =	sdelay $0x1  }
0x1a: {  	s26 =	sadd.s32 $0x6, s24;
	p0 =	sgt.u32 s24, $0x9;
	s0 =	sshrl.u32 s0, $0x8  }
0x1b: {  	s28 =	smul.u32 @!p0 $0x25, s26;
	s25 =	ssub.s32 s24, s0  }
0x1c: {  	s25 =	sand.u32 $0xFE, s25  }
0x1d: {  	s28 =	sshrl.u32 @!p0 s28, $0x8;
	s25 =	sshrl.u32 s25, $0x1  }
0x1e: {  	s0 =	sadd.s32 s0, s25;
	s25 =	ssub.s32 @!p0 s26, s28  }
0x1f: {  	s0 =	sand.u32 $0xFC, s0;
	s25 =	sand.u32 @!p0 $0xFE, s25  }
0x20: {  	s0 =	sshrl.u32 s0, $0x2;
	s25 =	sshrl.u32 @!p0 s25, $0x1  }
0x21: {  	s0 =	smul.u32 $0x7, s0;
	s25 =	sadd.s32 @!p0 s28, s25  }
0x22: {  	s25 =	sand.u32 @!p0 $0xFC, s25  }
0x23: {  	s0 =	ssub.s32 s24, s0;
	s28 =	sshrl.u32 @!p0 s25, $0x2  }
0x24: {  	s25 =	sand.u32 $0xFF, s0;
	s0 =	smul.u32 @!p0 $0x7, s28  }
0x25: {  	s28 =	sadd.s32 $0x1, s25  }
0x26: {  	p1 =	seq.s32 @!p0 s24, $0x0;
	_ =	swait.ge [sflag:s28], $0x4000;
	s0 =	ssub.s32 @!p0 s26, s0  }
0x27: {  	p1 =	por p1, p0;
	[sflag:s28] =	ssyncset.done $0x0;
	s0 =	sand.u32 @!p0 $0xFF, s0  }
0x28: {  	[sflag:s28] =	ssyncadd.s32 $0xFFFFC000;
	s28 =	sadd.s32 @!p1 $0x8, s0  }
0x29: {  	s26 =	sshll.u32 @!p0 s26, $0xB;
	_ =	swait.ge @!p1 [sflag:s28], $0x4000  }
0x2a: {  	s29 =	simm.s32 @!p0 $0x0;
	s26 =	sadd.s32 @!p0 s26, s3;
	[sflag:s28] =	ssyncset.done @!p1 $0x0  }
0x2b: {  	[sflag:s28] =	ssyncadd.s32 @!p1 $0xFFFFC000;
	s28 =	sshll.u32 @!p0 s0, $0xE;
	s0 =	sadd.s32 @!p0 $0x1, s0  }
0x2c: {  	[tilespmem:s28], [sflag:s0] =	stream.linear.gather @!p0 [hbm4b:s26+s29], $0x4000, $0x38;
	[tilespmem:$0x1C000] =	vst v63  }
0x2d: {  	s29 =	simm.s32 $0x0  }
0x2e: {  	s26 =	sshll.u32 s25, $0xE;
	s1 =	sand.u32 $0x2000, s29  }
0x2f: {  	s28 =	sand.u32 $0x200, s29;
	s0 =	sadd.s32 s1, s26  }
0x30: {  	s28 =	sadd.s32 s28, s0  }
0x31: {  	v0 =	vld [tilespmem:s28+$0x0]  }
0x32: {  	v1 =	vld [tilespmem:s28+$0x10]  }
0x33: {  	v2 =	vld [tilespmem:s28+$0x20]  }
0x34: {  	v3 =	vld [tilespmem:s28+$0x30]  }
0x35: {  	v6 =	vld [tilespmem:s28+$0x450]  }
0x36: {  	v7 =	vld [tilespmem:s28+$0x1DF0]  }
0x37: {  	v9 =	vld [tilespmem:s28+$0x90]  }
0x38: {  	v10 =	vld [tilespmem:s28+$0xA0];
	v0 =	vmul.f32 $3.125000000e-02, v0  }
0x39: {  	v11 =	vld [tilespmem:s28+$0xB0];
	v1 =	vmul.f32 $3.125000000e-02, v1  }
0x3a: {  	v12 =	vld [tilespmem:s28+$0xC0];
	v6 =	vmul.f32 $3.125000000e-02, v6;
	[tilespmem:s28+$0x0] =	vst v0  }
0x3b: {  	v4 =	vld [tilespmem:s28+$0x40];
	v7 =	vmul.f32 $3.125000000e-02, v7;
	[tilespmem:s28+$0x10] =	vst v1  }
0x3c: {  	v5 =	vld [tilespmem:s28+$0x50];
	v9 =	vmul.f32 $3.125000000e-02, v9;
	[tilespmem:s28+$0x450] =	vst v6  }
0x3d: {  	v8 =	vld [tilespmem:s28+$0x80];
	v10 =	vmul.f32 $3.125000000e-02, v10;
	[tilespmem:s28+$0x1DF0] =	vst v7  }
0x3e: {  	v50 =	vld [tilespmem:s28+$0xC10];
	v11 =	vmul.f32 $3.125000000e-02, v11;
	[tilespmem:s28+$0x90] =	vst v9  }
0x3f: {  	v51 =	vld [tilespmem:s28+$0xC20];
	v12 =	vmul.f32 $3.125000000e-02, v12;
	[tilespmem:s28+$0xA0] =	vst v10  }
0x40: {  	v52 =	vld [tilespmem:s28+$0xC30];
	v0 =	vmul.f32 $3.125000000e-02, v2;
	[tilespmem:s28+$0xB0] =	vst v11  }
0x41: {  	v53 =	vld [tilespmem:s28+$0xC40];
	v1 =	vmul.f32 $3.125000000e-02, v3;
	[tilespmem:s28+$0xC0] =	vst v12  }
0x42: {  	v54 =	vld [tilespmem:s28+$0x4E0];
	v7 =	vmul.f32 $3.125000000e-02, v8;
	[tilespmem:s28+$0x20] =	vst v0  }
0x43: {  	v55 =	vld [tilespmem:s28+$0x4F0];
	v9 =	vmul.f32 $3.125000000e-02, v50;
	[tilespmem:s28+$0x30] =	vst v1  }
0x44: {  	v56 =	vld [tilespmem:s28+$0x880];
	v10 =	vmul.f32 $3.125000000e-02, v51;
	[tilespmem:s28+$0x80] =	vst v7  }
0x45: {  	v57 =	vld [tilespmem:s28+$0x890];
	v11 =	vmul.f32 $3.125000000e-02, v52;
	[tilespmem:s28+$0xC10] =	vst v9  }
0x46: {  	v58 =	vld [tilespmem:s28+$0x1060];
	v12 =	vmul.f32 $3.125000000e-02, v53;
	[tilespmem:s28+$0xC20] =	vst v10  }
0x47: {  	v59 =	vld [tilespmem:s28+$0x1070];
	v0 =	vmul.f32 $3.125000000e-02, v4;
	[tilespmem:s28+$0xC30] =	vst v11  }
0x48: {  	v60 =	vld [tilespmem:s28+$0x1400];
	v1 =	vmul.f32 $3.125000000e-02, v5;
	[tilespmem:s28+$0xC40] =	vst v12  }
0x49: {  	v61 =	vld [tilespmem:s28+$0x1410];
	v9 =	vmul.f32 $3.125000000e-02, v54;
	[tilespmem:s28+$0x40] =	vst v0  }
0x4a: {  	v62 =	vld [tilespmem:s28+$0xCB0];
	v10 =	vmul.f32 $3.125000000e-02, v55;
	[tilespmem:s28+$0x50] =	vst v1  }
0x4b: {  	v63 =	vld [tilespmem:s28+$0xCC0];
	v11 =	vmul.f32 $3.125000000e-02, v56;
	[tilespmem:s28+$0x4E0] =	vst v9  }
0x4c: {  	v2 =	vld [tilespmem:s28+$0x400];
	v12 =	vmul.f32 $3.125000000e-02, v57;
	[tilespmem:s28+$0x4F0] =	vst v10  }
0x4d: {  	v3 =	vld [tilespmem:s28+$0x410];
	[tilespmem:s28+$0x880] =	vst v11;
	v9 =	vmul.f32 $3.125000000e-02, v58  }
0x4e: {  	v6 =	vld [tilespmem:s28+$0x840];
	[tilespmem:s28+$0x890] =	vst v12;
	v10 =	vmul.f32 $3.125000000e-02, v59  }
0x4f: {  	v8 =	vld [tilespmem:s28+$0xD0];
	v11 =	vmul.f32 $3.125000000e-02, v60;
	[tilespmem:s28+$0x1060] =	vst v9  }
0x50: {  	v16 =	vld [tilespmem:s28+$0xCD0];
	v12 =	vmul.f32 $3.125000000e-02, v61;
	[tilespmem:s28+$0x1070] =	vst v10  }
0x51: {  	v17 =	vld [tilespmem:s28+$0xCE0];
	v2 =	vmul.f32 $3.125000000e-02, v2;
	[tilespmem:s28+$0x1400] =	vst v11  }
0x52: {  	v18 =	vld [tilespmem:s28+$0x1830];
	v3 =	vmul.f32 $3.125000000e-02, v3;
	[tilespmem:s28+$0x1410] =	vst v12  }
0x53: {  	v19 =	vld [tilespmem:s28+$0x1840];
	v6 =	vmul.f32 $3.125000000e-02, v6;
	[tilespmem:s28+$0x400] =	vst v2  }
0x54: {  	v4 =	vld [tilespmem:s28+$0x420];
	v8 =	vmul.f32 $3.125000000e-02, v8;
	[tilespmem:s28+$0x410] =	vst v3  }
0x55: {  	v5 =	vld [tilespmem:s28+$0x430];
	v9 =	vmul.f32 $3.125000000e-02, v62;
	[tilespmem:s28+$0x840] =	vst v6  }
0x56: {  	v7 =	vld [tilespmem:s28+$0xC00];
	v10 =	vmul.f32 $3.125000000e-02, v63;
	[tilespmem:s28+$0xD0] =	vst v8  }
0x57: {  	v20 =	vld [tilespmem:s28+$0x1850];
	v11 =	vmul.f32 $3.125000000e-02, v16;
	[tilespmem:s28+$0xCB0] =	vst v9  }
0x58: {  	v21 =	vld [tilespmem:s28+$0x1860];
	v12 =	vmul.f32 $3.125000000e-02, v17;
	[tilespmem:s28+$0xCC0] =	vst v10  }
0x59: {  	v0 =	vld [tilespmem:s28+$0x60];
	v4 =	vmul.f32 $3.125000000e-02, v4;
	[tilespmem:s28+$0xCD0] =	vst v11  }
0x5a: {  	v23 =	vld [tilespmem:s28+$0x1490];
	v5 =	vmul.f32 $3.125000000e-02, v5;
	[tilespmem:s28+$0xCE0] =	vst v12  }
0x5b: {  	v26 =	vld [tilespmem:s28+$0x140];
	v7 =	vmul.f32 $3.125000000e-02, v7;
	[tilespmem:s28+$0x420] =	vst v4  }
0x5c: {  	v1 =	vld [tilespmem:s28+$0x70];
	v9 =	vmul.f32 $3.125000000e-02, v18;
	[tilespmem:s28+$0x430] =	vst v5  }
0x5d: {  	v2 =	vld [tilespmem:s28+$0x470];
	v10 =	vmul.f32 $3.125000000e-02, v19;
	[tilespmem:s28+$0xC00] =	vst v7  }
0x5e: {  	v3 =	vld [tilespmem:s28+$0x800];
	v0 =	vmul.f32 $3.125000000e-02, v0;
	[tilespmem:s28+$0x1830] =	vst v9  }
0x5f: {  	v6 =	vld [tilespmem:s28+$0x490];
	v11 =	vmul.f32 $3.125000000e-02, v20;
	[tilespmem:s28+$0x1840] =	vst v10  }
0x60: {  	v8 =	vld [tilespmem:s28+$0xC50];
	v9 =	vmul.f32 $3.125000000e-02, v26;
	[tilespmem:s28+$0x60] =	vst v0  }
0x61: {  	v0 =	vmul.f32 $3.125000000e-02, v1;
	v1 =	vld [tilespmem:s28+$0x440];
	[tilespmem:s28+$0x1850] =	vst v11  }
0x62: {  	v4 =	vld [tilespmem:s28+$0x810];
	v2 =	vmul.f32 $3.125000000e-02, v2;
	[tilespmem:s28+$0x140] =	vst v9  }
0x63: {  	v5 =	vld [tilespmem:s28+$0x820];
	v3 =	vmul.f32 $3.125000000e-02, v3;
	[tilespmem:s28+$0x70] =	vst v0  }
0x64: {  	v7 =	vld [tilespmem:s28+$0x4D0];
	v6 =	vmul.f32 $3.125000000e-02, v6;
	[tilespmem:s28+$0x470] =	vst v2  }
0x65: {  	v27 =	vld [tilespmem:s28+$0x170];
	v8 =	vmul.f32 $3.125000000e-02, v8;
	[tilespmem:s28+$0x800] =	vst v3  }
0x66: {  	v12 =	vmul.f32 $3.125000000e-02, v21;
	v0 =	vld [tilespmem:s28+$0x460];
	[tilespmem:s28+$0x490] =	vst v6  }
0x67: {  	v2 =	vld [tilespmem:s28+$0x860];
	v4 =	vmul.f32 $3.125000000e-02, v4;
	[tilespmem:s28+$0xC50] =	vst v8  }
0x68: {  	v3 =	vld [tilespmem:s28+$0x870];
	v5 =	vmul.f32 $3.125000000e-02, v5;
	[tilespmem:s28+$0x1860] =	vst v12  }
0x69: {  	v6 =	vld [tilespmem:s28+$0x1010];
	v7 =	vmul.f32 $3.125000000e-02, v7;
	[tilespmem:s28+$0x810] =	vst v4  }
0x6a: {  	v10 =	vmul.f32 $3.125000000e-02, v23;
	v8 =	vld [tilespmem:s28+$0x8A0];
	[tilespmem:s28+$0x820] =	vst v5  }
0x6b: {  	v1 =	vmul.f32 $3.125000000e-02, v1;
	v4 =	vld [tilespmem:s28+$0xE0];
	[tilespmem:s28+$0x4D0] =	vst v7  }
0x6c: {  	v5 =	vld [tilespmem:s28+$0xF0];
	[tilespmem:s28+$0x1490] =	vst v10;
	v10 =	vmul.f32 $3.125000000e-02, v27  }
0x6d: {  	[tilespmem:s28+$0x440] =	vst v1;
	v0 =	vmul.f32 $3.125000000e-02, v0  }
0x6e: {  	v24 =	vld [tilespmem:s28+$0x14A0];
	[tilespmem:s28+$0x170] =	vst v10;
	v2 =	vmul.f32 $3.125000000e-02, v2  }
0x6f: {  	v7 =	vld [tilespmem:s28+$0x1050];
	v3 =	vmul.f32 $3.125000000e-02, v3;
	[tilespmem:s28+$0x460] =	vst v0  }
0x70: {  	v1 =	vld [tilespmem:s28+$0x830];
	v6 =	vmul.f32 $3.125000000e-02, v6;
	[tilespmem:s28+$0x860] =	vst v2  }
0x71: {  	v25 =	vld [tilespmem:s28+$0x14B0];
	v8 =	vmul.f32 $3.125000000e-02, v8;
	[tilespmem:s28+$0x870] =	vst v3  }
0x72: {  	v28 =	vld [tilespmem:s28+$0x500];
	v4 =	vmul.f32 $3.125000000e-02, v4;
	[tilespmem:s28+$0x1010] =	vst v6  }
0x73: {  	v0 =	vld [tilespmem:s28+$0x850];
	v5 =	vmul.f32 $3.125000000e-02, v5;
	[tilespmem:s28+$0x8A0] =	vst v8  }
0x74: {  	v29 =	vld [tilespmem:s28+$0x510];
	v7 =	vmul.f32 $3.125000000e-02, v7;
	[tilespmem:s28+$0xE0] =	vst v4  }
0x75: {  	v2 =	vld [tilespmem:s28+$0x4B0];
	v1 =	vmul.f32 $3.125000000e-02, v1;
	[tilespmem:s28+$0xF0] =	vst v5  }
0x76: {  	v11 =	vmul.f32 $3.125000000e-02, v24;
	v3 =	vld [tilespmem:s28+$0x4C0];
	[tilespmem:s28+$0x1050] =	vst v7  }
0x77: {  	v12 =	vmul.f32 $3.125000000e-02, v25;
	v6 =	vld [tilespmem:s28+$0x8E0];
	[tilespmem:s28+$0x830] =	vst v1  }
0x78: {  	v1 =	vld [tilespmem:s28+$0x480];
	v0 =	vmul.f32 $3.125000000e-02, v0;
	[tilespmem:s28+$0x14A0] =	vst v11  }
0x79: {  	v8 =	vld [tilespmem:s28+$0x1420];
	[tilespmem:s28+$0x14B0] =	vst v12;
	v11 =	vmul.f32 $3.125000000e-02, v28  }
0x7a: {  	v4 =	vld [tilespmem:s28+$0xC60];
	v12 =	vmul.f32 $3.125000000e-02, v29;
	[tilespmem:s28+$0x850] =	vst v0  }
0x7b: {  	v5 =	vld [tilespmem:s28+$0xC70];
	v2 =	vmul.f32 $3.125000000e-02, v2;
	[tilespmem:s28+$0x500] =	vst v11  }
0x7c: {  	v7 =	vld [tilespmem:s28+$0xCA0];
	v3 =	vmul.f32 $3.125000000e-02, v3;
	[tilespmem:s28+$0x510] =	vst v12  }
0x7d: {  	v35 =	vld [tilespmem:s28+$0x940];
	v6 =	vmul.f32 $3.125000000e-02, v6;
	[tilespmem:s28+$0x4B0] =	vst v2  }
0x7e: {  	v8 =	vmul.f32 $3.125000000e-02, v8;
	v0 =	vld [tilespmem:s28+$0x4A0];
	[tilespmem:s28+$0x4C0] =	vst v3  }
0x7f: {  	v2 =	vld [tilespmem:s28+$0x1030];
	v4 =	vmul.f32 $3.125000000e-02, v4;
	[tilespmem:s28+$0x8E0] =	vst v6  }
0x80: {  	v3 =	vld [tilespmem:s28+$0x1040];
	v5 =	vmul.f32 $3.125000000e-02, v5;
	[tilespmem:s28+$0x1420] =	vst v8  }
0x81: {  	v6 =	vld [tilespmem:s28+$0x1460];
	v7 =	vmul.f32 $3.125000000e-02, v7;
	[tilespmem:s28+$0xC60] =	vst v4  }
0x82: {  	v8 =	vld [tilespmem:s28+$0xCF0];
	v1 =	vmul.f32 $3.125000000e-02, v1;
	[tilespmem:s28+$0xC70] =	vst v5  }
0x83: {  	v30 =	vld [tilespmem:s28+$0x18B0];
	[tilespmem:s28+$0xCA0] =	vst v7;
	v0 =	vmul.f32 $3.125000000e-02, v0  }
0x84: {  	v31 =	vld [tilespmem:s28+$0x18E0];
	[tilespmem:s28+$0x480] =	vst v1;
	v2 =	vmul.f32 $3.125000000e-02, v2  }
0x85: {  	v4 =	vld [tilespmem:s28+$0x8B0];
	v3 =	vmul.f32 $3.125000000e-02, v3;
	[tilespmem:s28+$0x4A0] =	vst v0  }
0x86: {  	v5 =	vld [tilespmem:s28+$0x8C0];
	v6 =	vmul.f32 $3.125000000e-02, v6;
	[tilespmem:s28+$0x1030] =	vst v2  }
0x87: {  	v7 =	vld [tilespmem:s28+$0x1820];
	v8 =	vmul.f32 $3.125000000e-02, v8;
	[tilespmem:s28+$0x1040] =	vst v3  }
0x88: {  	v41 =	vld [tilespmem:s28+$0xD40];
	v9 =	vmul.f32 $3.125000000e-02, v30;
	[tilespmem:s28+$0x1460] =	vst v6  }
0x89: {  	v38 =	vld [tilespmem:s28+$0x1C0];
	v10 =	vmul.f32 $3.125000000e-02, v31;
	[tilespmem:s28+$0xCF0] =	vst v8  }
0x8a: {  	v1 =	vld [tilespmem:s28+$0x1000];
	v4 =	vmul.f32 $3.125000000e-02, v4;
	[tilespmem:s28+$0x18B0] =	vst v9  }
0x8b: {  	v39 =	vld [tilespmem:s28+$0x590];
	v5 =	vmul.f32 $3.125000000e-02, v5;
	[tilespmem:s28+$0x18E0] =	vst v10  }
0x8c: {  	v43 =	vld [tilespmem:s28+$0x1110];
	v7 =	vmul.f32 $3.125000000e-02, v7;
	[tilespmem:s28+$0x8B0] =	vst v4  }
0x8d: {  	v32 =	vld [tilespmem:s28+$0x18F0];
	v10 =	vmul.f32 $3.125000000e-02, v35;
	[tilespmem:s28+$0x8C0] =	vst v5  }
0x8e: {  	v33 =	vld [tilespmem:s28+$0x1C80];
	v9 =	vmul.f32 $3.125000000e-02, v38;
	[tilespmem:s28+$0x1820] =	vst v7  }
0x8f: {  	v0 =	vld [tilespmem:s28+$0x1020];
	v1 =	vmul.f32 $3.125000000e-02, v1;
	[tilespmem:s28+$0x940] =	vst v10  }
0x90: {  	v45 =	vld [tilespmem:s28+$0x990];
	[tilespmem:s28+$0x1C0] =	vst v9;
	v10 =	vmul.f32 $3.125000000e-02, v39  }
0x91: {  	v2 =	vld [tilespmem:s28+$0xC80];
	v9 =	vmul.f32 $3.125000000e-02, v41;
	[tilespmem:s28+$0x1000] =	vst v1  }
0x92: {  	v3 =	vld [tilespmem:s28+$0xC90];
	v11 =	vmul.f32 $3.125000000e-02, v32;
	[tilespmem:s28+$0x590] =	vst v10  }
0x93: {  	v6 =	vld [tilespmem:s28+$0x10B0];
	v12 =	vmul.f32 $3.125000000e-02, v33;
	[tilespmem:s28+$0xD40] =	vst v9  }
0x94: {  	v1 =	vld [tilespmem:s28+$0x8D0];
	v0 =	vmul.f32 $3.125000000e-02, v0;
	[tilespmem:s28+$0x18F0] =	vst v11  }
0x95: {  	v8 =	vld [tilespmem:s28+$0x1870];
	v10 =	vmul.f32 $3.125000000e-02, v43;
	[tilespmem:s28+$0x1C80] =	vst v12  }
0x96: {  	v36 =	vld [tilespmem:s28+$0x950];
	v9 =	vmul.f32 $3.125000000e-02, v45;
	[tilespmem:s28+$0x1020] =	vst v0  }
0x97: {  	v37 =	vld [tilespmem:s28+$0x960];
	v2 =	vmul.f32 $3.125000000e-02, v2;
	[tilespmem:s28+$0x1110] =	vst v10  }
0x98: {  	v47 =	vld [tilespmem:s28+$0x9E0];
	v3 =	vmul.f32 $3.125000000e-02, v3;
	[tilespmem:s28+$0x990] =	vst v9  }
0x99: {  	v4 =	vld [tilespmem:s28+$0x1430];
	v6 =	vmul.f32 $3.125000000e-02, v6;
	[tilespmem:s28+$0xC80] =	vst v2  }
0x9a: {  	v5 =	vld [tilespmem:s28+$0x1440];
	v8 =	vmul.f32 $3.125000000e-02, v8;
	[tilespmem:s28+$0xC90] =	vst v3  }
0x9b: {  	v7 =	vld [tilespmem:s28+$0x10F0];
	v11 =	vmul.f32 $3.125000000e-02, v36;
	[tilespmem:s28+$0x10B0] =	vst v6  }
0x9c: {  	v40 =	vld [tilespmem:s28+$0x5A0];
	v12 =	vmul.f32 $3.125000000e-02, v37;
	[tilespmem:s28+$0x1870] =	vst v8  }
0x9d: {  	v42 =	vld [tilespmem:s28+$0x5B0];
	v10 =	vmul.f32 $3.125000000e-02, v47;
	[tilespmem:s28+$0x950] =	vst v11  }
0x9e: {  	v22 =	vld [tilespmem:s28+$0x1480];
	v4 =	vmul.f32 $3.125000000e-02, v4;
	[tilespmem:s28+$0x960] =	vst v12  }
0x9f: {  	v44 =	vld [tilespmem:s28+$0x1120];
	v5 =	vmul.f32 $3.125000000e-02, v5;
	[tilespmem:s28+$0x9E0] =	vst v10  }
0xa0: {  	v46 =	vld [tilespmem:s28+$0x1130];
	v7 =	vmul.f32 $3.125000000e-02, v7;
	[tilespmem:s28+$0x1430] =	vst v4  }
0xa1: {  	v0 =	vld [tilespmem:s28+$0x8F0];
	v11 =	vmul.f32 $3.125000000e-02, v40;
	[tilespmem:s28+$0x1440] =	vst v5  }
0xa2: {  	v48 =	vld [tilespmem:s28+$0x9F0];
	v12 =	vmul.f32 $3.125000000e-02, v42;
	[tilespmem:s28+$0x10F0] =	vst v7  }
0xa3: {  	v50 =	vld [tilespmem:s28+$0xD80];
	v1 =	vmul.f32 $3.125000000e-02, v1;
	[tilespmem:s28+$0x5A0] =	vst v11  }
0xa4: {  	v2 =	vld [tilespmem:s28+$0x1800];
	[tilespmem:s28+$0x5B0] =	vst v12;
	v11 =	vmul.f32 $3.125000000e-02, v44  }
0xa5: {  	v3 =	vld [tilespmem:s28+$0x1810];
	v12 =	vmul.f32 $3.125000000e-02, v46;
	[tilespmem:s28+$0x8D0] =	vst v1  }
0xa6: {  	v8 =	vld [tilespmem:s28+$0x14C0];
	v0 =	vmul.f32 $3.125000000e-02, v0;
	[tilespmem:s28+$0x1120] =	vst v11  }
0xa7: {  	v4 =	vld [tilespmem:s28+$0x1080];
	[tilespmem:s28+$0x1130] =	vst v12;
	v11 =	vmul.f32 $3.125000000e-02, v48  }
0xa8: {  	v5 =	vld [tilespmem:s28+$0x1090];
	v12 =	vmul.f32 $3.125000000e-02, v50;
	[tilespmem:s28+$0x8F0] =	vst v0  }
0xa9: {  	v1 =	vld [tilespmem:s28+$0x1450];
	v2 =	vmul.f32 $3.125000000e-02, v2;
	[tilespmem:s28+$0x9F0] =	vst v11  }
0xaa: {  	v3 =	vmul.f32 $3.125000000e-02, v3;
	v0 =	vld [tilespmem:s28+$0x1470];
	[tilespmem:s28+$0xD80] =	vst v12  }
0xab: {  	v8 =	vmul.f32 $3.125000000e-02, v8;
	[tilespmem:s28+$0x1800] =	vst v2;
	v2 =	vld [tilespmem:s28+$0x10D0]  }
0xac: {  	v4 =	vmul.f32 $3.125000000e-02, v4;
	[tilespmem:s28+$0x1810] =	vst v3;
	v3 =	vld [tilespmem:s28+$0x10E0]  }
0xad: {  	v5 =	vmul.f32 $3.125000000e-02, v5;
	[tilespmem:s28+$0x14C0] =	vst v8;
	v8 =	vld [tilespmem:s28+$0x520]  }
0xae: {  	v1 =	vmul.f32 $3.125000000e-02, v1;
	[tilespmem:s28+$0x1080] =	vst v4;
	v4 =	vld [tilespmem:s28+$0x1C00]  }
0xaf: {  	[tilespmem:s28+$0x1090] =	vst v5;
	v5 =	vld [tilespmem:s28+$0x1C10];
	v0 =	vmul.f32 $3.125000000e-02, v0  }
0xb0: {  	[tilespmem:s28+$0x1450] =	vst v1;
	v1 =	vld [tilespmem:s28+$0x10A0];
	v2 =	vmul.f32 $3.125000000e-02, v2  }
0xb1: {  	v6 =	vld [tilespmem:s28+$0x1C30];
	v3 =	vmul.f32 $3.125000000e-02, v3;
	[tilespmem:s28+$0x1470] =	vst v0  }
0xb2: {  	v8 =	vmul.f32 $3.125000000e-02, v8;
	v0 =	vld [tilespmem:s28+$0x10C0];
	[tilespmem:s28+$0x10D0] =	vst v2  }
0xb3: {  	v2 =	vld [tilespmem:s28+$0x1C50];
	v4 =	vmul.f32 $3.125000000e-02, v4;
	[tilespmem:s28+$0x10E0] =	vst v3  }
0xb4: {  	v5 =	vmul.f32 $3.125000000e-02, v5;
	[tilespmem:s28+$0x520] =	vst v8;
	v8 =	vld [tilespmem:s28+$0x1C90]  }
0xb5: {  	v7 =	vld [tilespmem:s28+$0x1C70];
	v1 =	vmul.f32 $3.125000000e-02, v1;
	[tilespmem:s28+$0x1C00] =	vst v4  }
0xb6: {  	v4 =	vld [tilespmem:s28+$0x14D0];
	[tilespmem:s28+$0x1C10] =	vst v5;
	v5 =	vmul.f32 $3.125000000e-02, v6  }
0xb7: {  	v6 =	vld [tilespmem:s28+$0x14E0];
	[tilespmem:s28+$0x10A0] =	vst v1;
	v0 =	vmul.f32 $3.125000000e-02, v0  }
0xb8: {  	v1 =	vld [tilespmem:s28+$0x1C20];
	[tilespmem:s28+$0x1C30] =	vst v5;
	v2 =	vmul.f32 $3.125000000e-02, v2  }
0xb9: {  	v5 =	vld [tilespmem:s28+$0x110];
	v8 =	vmul.f32 $3.125000000e-02, v8;
	[tilespmem:s28+$0x10C0] =	vst v0  }
0xba: {  	v0 =	vld [tilespmem:s28+$0x1C40];
	[tilespmem:s28+$0x1C50] =	vst v2;
	v2 =	vmul.f32 $3.125000000e-02, v7  }
0xbb: {  	v7 =	vld [tilespmem:s28+$0x130];
	v4 =	vmul.f32 $3.125000000e-02, v4;
	[tilespmem:s28+$0x1C90] =	vst v8  }
0xbc: {  	v6 =	vmul.f32 $3.125000000e-02, v6;
	v8 =	vld [tilespmem:s28+$0x970];
	[tilespmem:s28+$0x1C70] =	vst v2  }
0xbd: {  	v3 =	vld [tilespmem:s28+$0x1C60];
	v1 =	vmul.f32 $3.125000000e-02, v1;
	[tilespmem:s28+$0x14D0] =	vst v4  }
0xbe: {  	v2 =	vld [tilespmem:s28+$0x150];
	v5 =	vmul.f32 $3.125000000e-02, v5;
	[tilespmem:s28+$0x14E0] =	vst v6  }
0xbf: {  	v4 =	vld [tilespmem:s28+$0x530];
	[tilespmem:s28+$0x1C20] =	vst v1;
	v0 =	vmul.f32 $3.125000000e-02, v0  }
0xc0: {  	v6 =	vld [tilespmem:s28+$0x540];
	[tilespmem:s28+$0x110] =	vst v5;
	v7 =	vmul.f32 $3.125000000e-02, v7  }
0xc1: {  	v49 =	vld [tilespmem:s28+$0x1510];
	v8 =	vmul.f32 $3.125000000e-02, v8;
	[tilespmem:s28+$0x1C40] =	vst v0  }
0xc2: {  	v1 =	vld [tilespmem:s28+$0x100];
	v0 =	vmul.f32 $3.125000000e-02, v3;
	[tilespmem:s28+$0x130] =	vst v7  }
0xc3: {  	v5 =	vld [tilespmem:s28+$0x1880];
	v2 =	vmul.f32 $3.125000000e-02, v2;
	[tilespmem:s28+$0x970] =	vst v8  }
0xc4: {  	v53 =	vld [tilespmem:s28+$0xDE0];
	v4 =	vmul.f32 $3.125000000e-02, v4;
	[tilespmem:s28+$0x1C60] =	vst v0  }
0xc5: {  	v3 =	vld [tilespmem:s28+$0x120];
	v6 =	vmul.f32 $3.125000000e-02, v6;
	[tilespmem:s28+$0x150] =	vst v2  }
0xc6: {  	v7 =	vld [tilespmem:s28+$0x18A0];
	v0 =	vmul.f32 $3.125000000e-02, v22;
	[tilespmem:s28+$0x530] =	vst v4  }
0xc7: {  	v8 =	vld [tilespmem:s28+$0x5C0];
	v1 =	vmul.f32 $3.125000000e-02, v1;
	[tilespmem:s28+$0x540] =	vst v6  }
0xc8: {  	v2 =	vld [tilespmem:s28+$0x18C0];
	v5 =	vmul.f32 $3.125000000e-02, v5;
	[tilespmem:s28+$0x1480] =	vst v0  }
0xc9: {  	v9 =	vmul.f32 $3.125000000e-02, v49;
	v4 =	vld [tilespmem:s28+$0x1CA0];
	[tilespmem:s28+$0x100] =	vst v1  }
0xca: {  	v6 =	vld [tilespmem:s28+$0x1CB0];
	v3 =	vmul.f32 $3.125000000e-02, v3;
	[tilespmem:s28+$0x1880] =	vst v5  }
0xcb: {  	v0 =	vld [tilespmem:s28+$0x160];
	v7 =	vmul.f32 $3.125000000e-02, v7;
	[tilespmem:s28+$0x1510] =	vst v9  }
0xcc: {  	v51 =	vld [tilespmem:s28+$0x1560];
	v8 =	vmul.f32 $3.125000000e-02, v8;
	[tilespmem:s28+$0x120] =	vst v3  }
0xcd: {  	v1 =	vld [tilespmem:s28+$0x14F0];
	v9 =	vmul.f32 $3.125000000e-02, v53;
	[tilespmem:s28+$0x18A0] =	vst v7  }
0xce: {  	v5 =	vld [tilespmem:s28+$0x560];
	v2 =	vmul.f32 $3.125000000e-02, v2;
	[tilespmem:s28+$0x5C0] =	vst v8  }
0xcf: {  	v55 =	vld [tilespmem:s28+$0x11B0];
	v4 =	vmul.f32 $3.125000000e-02, v4;
	[tilespmem:s28+$0xDE0] =	vst v9  }
0xd0: {  	v52 =	vld [tilespmem:s28+$0x1570];
	v6 =	vmul.f32 $3.125000000e-02, v6;
	[tilespmem:s28+$0x18C0] =	vst v2  }
0xd1: {  	v54 =	vld [tilespmem:s28+$0x1900];
	v0 =	vmul.f32 $3.125000000e-02, v0;
	[tilespmem:s28+$0x1CA0] =	vst v4  }
0xd2: {  	v3 =	vld [tilespmem:s28+$0x1890];
	v1 =	vmul.f32 $3.125000000e-02, v1;
	[tilespmem:s28+$0x1CB0] =	vst v6  }
0xd3: {  	v56 =	vld [tilespmem:s28+$0x11C0];
	v5 =	vmul.f32 $3.125000000e-02, v5;
	[tilespmem:s28+$0x160] =	vst v0  }
0xd4: {  	v10 =	vmul.f32 $3.125000000e-02, v51;
	v7 =	vld [tilespmem:s28+$0x900];
	[tilespmem:s28+$0x14F0] =	vst v1  }
0xd5: {  	v8 =	vld [tilespmem:s28+$0x1140];
	v11 =	vmul.f32 $3.125000000e-02, v52;
	[tilespmem:s28+$0x560] =	vst v5  }
0xd6: {  	v58 =	vld [tilespmem:s28+$0x11D0];
	v12 =	vmul.f32 $3.125000000e-02, v54;
	[tilespmem:s28+$0x1560] =	vst v10  }
0xd7: {  	v1 =	vld [tilespmem:s28+$0x550];
	v3 =	vmul.f32 $3.125000000e-02, v3;
	[tilespmem:s28+$0x1570] =	vst v11  }
0xd8: {  	v4 =	vld [tilespmem:s28+$0x180];
	v10 =	vmul.f32 $3.125000000e-02, v55;
	[tilespmem:s28+$0x1900] =	vst v12  }
0xd9: {  	v2 =	vld [tilespmem:s28+$0x920];
	v7 =	vmul.f32 $3.125000000e-02, v7;
	[tilespmem:s28+$0x1890] =	vst v3  }
0xda: {  	v6 =	vld [tilespmem:s28+$0x190];
	v8 =	vmul.f32 $3.125000000e-02, v8;
	[tilespmem:s28+$0x11B0] =	vst v10  }
0xdb: {  	v0 =	vld [tilespmem:s28+$0x18D0];
	v11 =	vmul.f32 $3.125000000e-02, v56;
	[tilespmem:s28+$0x900] =	vst v7  }
0xdc: {  	v34 =	vld [tilespmem:s28+$0x910];
	v12 =	vmul.f32 $3.125000000e-02, v58;
	[tilespmem:s28+$0x1140] =	vst v8  }
0xdd: {  	v5 =	vld [tilespmem:s28+$0x1CD0];
	v4 =	vmul.f32 $3.125000000e-02, v4;
	[tilespmem:s28+$0x11C0] =	vst v11  }
0xde: {  	v57 =	vld [tilespmem:s28+$0x1960];
	v2 =	vmul.f32 $3.125000000e-02, v2;
	[tilespmem:s28+$0x11D0] =	vst v12  }
0xdf: {  	v3 =	vld [tilespmem:s28+$0x570];
	v6 =	vmul.f32 $3.125000000e-02, v6;
	[tilespmem:s28+$0x180] =	vst v4  }
0xe0: {  	v7 =	vld [tilespmem:s28+$0x1CF0];
	v0 =	vmul.f32 $3.125000000e-02, v0;
	[tilespmem:s28+$0x920] =	vst v2  }
0xe1: {  	v8 =	vld [tilespmem:s28+$0xD90];
	v1 =	vmul.f32 $3.125000000e-02, v1;
	[tilespmem:s28+$0x190] =	vst v6  }
0xe2: {  	v5 =	vmul.f32 $3.125000000e-02, v5;
	v4 =	vld [tilespmem:s28+$0xD00];
	[tilespmem:s28+$0x18D0] =	vst v0  }
0xe3: {  	v2 =	vld [tilespmem:s28+$0x1F0];
	v9 =	vmul.f32 $3.125000000e-02, v57;
	[tilespmem:s28+$0x550] =	vst v1  }
0xe4: {  	v6 =	vld [tilespmem:s28+$0xD10];
	v3 =	vmul.f32 $3.125000000e-02, v3;
	[tilespmem:s28+$0x1CD0] =	vst v5  }
0xe5: {  	v0 =	vld [tilespmem:s28+$0x930];
	v5 =	vmul.f32 $3.125000000e-02, v7;
	[tilespmem:s28+$0x1960] =	vst v9  }
0xe6: {  	v1 =	vld [tilespmem:s28+$0x1CC0];
	v8 =	vmul.f32 $3.125000000e-02, v8;
	[tilespmem:s28+$0x570] =	vst v3  }
0xe7: {  	v7 =	vld [tilespmem:s28+$0x1B0];
	[tilespmem:s28+$0x1CF0] =	vst v5;
	v4 =	vmul.f32 $3.125000000e-02, v4  }
0xe8: {  	v3 =	vld [tilespmem:s28+$0x1CE0];
	v2 =	vmul.f32 $3.125000000e-02, v2;
	[tilespmem:s28+$0xD90] =	vst v8  }
0xe9: {  	v5 =	vld [tilespmem:s28+$0x1D0];
	v6 =	vmul.f32 $3.125000000e-02, v6;
	[tilespmem:s28+$0xD00] =	vst v4  }
0xea: {  	v8 =	vld [tilespmem:s28+$0x1910];
	v0 =	vmul.f32 $3.125000000e-02, v0;
	[tilespmem:s28+$0x1F0] =	vst v2  }
0xeb: {  	v1 =	vmul.f32 $3.125000000e-02, v1;
	[tilespmem:s28+$0xD10] =	vst v6  }
0xec: {  	v4 =	vld [tilespmem:s28+$0x5D0];
	[tilespmem:s28+$0x930] =	vst v0;
	v7 =	vmul.f32 $3.125000000e-02, v7  }
0xed: {  	v2 =	vld [tilespmem:s28+$0xD70];
	[tilespmem:s28+$0x1CC0] =	vst v1;
	v1 =	vmul.f32 $3.125000000e-02, v3  }
0xee: {  	v6 =	vld [tilespmem:s28+$0x5E0];
	[tilespmem:s28+$0x1B0] =	vst v7;
	v5 =	vmul.f32 $3.125000000e-02, v5  }
0xef: {  	v0 =	vld [tilespmem:s28+$0x580];
	v8 =	vmul.f32 $3.125000000e-02, v8;
	[tilespmem:s28+$0x1CE0] =	vst v1  }
0xf0: {  	v3 =	vld [tilespmem:s28+$0x1A0];
	v1 =	vmul.f32 $3.125000000e-02, v34;
	[tilespmem:s28+$0x1D0] =	vst v5  }
0xf1: {  	v7 =	vld [tilespmem:s28+$0xD30];
	v4 =	vmul.f32 $3.125000000e-02, v4;
	[tilespmem:s28+$0x1910] =	vst v8  }
0xf2: {  	v5 =	vld [tilespmem:s28+$0xD50];
	v2 =	vmul.f32 $3.125000000e-02, v2;
	[tilespmem:s28+$0x910] =	vst v1  }
0xf3: {  	v6 =	vmul.f32 $3.125000000e-02, v6;
	v8 =	vld [tilespmem:s28+$0x11E0];
	[tilespmem:s28+$0x5D0] =	vst v4  }
0xf4: {  	v1 =	vld [tilespmem:s28+$0x1E0];
	v0 =	vmul.f32 $3.125000000e-02, v0;
	[tilespmem:s28+$0xD70] =	vst v2  }
0xf5: {  	v3 =	vmul.f32 $3.125000000e-02, v3;
	v4 =	vld [tilespmem:s28+$0x1150];
	[tilespmem:s28+$0x5E0] =	vst v6  }
0xf6: {  	v2 =	vld [tilespmem:s28+$0x9C0];
	[tilespmem:s28+$0x580] =	vst v0;
	v7 =	vmul.f32 $3.125000000e-02, v7  }
0xf7: {  	v6 =	vld [tilespmem:s28+$0x1160];
	[tilespmem:s28+$0x1A0] =	vst v3;
	v5 =	vmul.f32 $3.125000000e-02, v5  }
0xf8: {  	v0 =	vld [tilespmem:s28+$0x1100];
	[tilespmem:s28+$0xD30] =	vst v7;
	v8 =	vmul.f32 $3.125000000e-02, v8  }
0xf9: {  	v3 =	vld [tilespmem:s28+$0xD20];
	v1 =	vmul.f32 $3.125000000e-02, v1;
	[tilespmem:s28+$0xD50] =	vst v5  }
0xfa: {  	v7 =	vld [tilespmem:s28+$0x980];
	v4 =	vmul.f32 $3.125000000e-02, v4;
	[tilespmem:s28+$0x11E0] =	vst v8  }
0xfb: {  	v5 =	vld [tilespmem:s28+$0x9A0];
	v2 =	vmul.f32 $3.125000000e-02, v2;
	[tilespmem:s28+$0x1E0] =	vst v1  }
0xfc: {  	v6 =	vmul.f32 $3.125000000e-02, v6;
	v1 =	vld [tilespmem:s28+$0xD60];
	[tilespmem:s28+$0x1150] =	vst v4  }
0xfd: {  	v0 =	vmul.f32 $3.125000000e-02, v0;
	v4 =	vld [tilespmem:s28+$0xDA0];
	[tilespmem:s28+$0x9C0] =	vst v2  }
0xfe: {  	v3 =	vmul.f32 $3.125000000e-02, v3;
	v2 =	vld [tilespmem:s28+$0x1540];
	[tilespmem:s28+$0x1160] =	vst v6  }
0xff: {  	v6 =	vld [tilespmem:s28+$0xDB0];
	[tilespmem:s28+$0x1100] =	vst v0;
	v7 =	vmul.f32 $3.125000000e-02, v7  }
0x100: {  	v0 =	vld [tilespmem:s28+$0x9D0];
	[tilespmem:s28+$0xD20] =	vst v3;
	v5 =	vmul.f32 $3.125000000e-02, v5  }
0x101: {  	v3 =	vld [tilespmem:s28+$0x5F0];
	[tilespmem:s28+$0x980] =	vst v7;
	v1 =	vmul.f32 $3.125000000e-02, v1  }
0x102: {  	v7 =	vld [tilespmem:s28+$0x1500];
	[tilespmem:s28+$0x9A0] =	vst v5;
	v4 =	vmul.f32 $3.125000000e-02, v4  }
0x103: {  	v5 =	vld [tilespmem:s28+$0x1520];
	v2 =	vmul.f32 $3.125000000e-02, v2;
	[tilespmem:s28+$0xD60] =	vst v1  }
0x104: {  	v6 =	vmul.f32 $3.125000000e-02, v6;
	v1 =	vld [tilespmem:s28+$0x9B0];
	[tilespmem:s28+$0xDA0] =	vst v4  }
0x105: {  	v0 =	vmul.f32 $3.125000000e-02, v0;
	v4 =	vld [tilespmem:s28+$0x1920];
	[tilespmem:s28+$0x1540] =	vst v2  }
0x106: {  	v3 =	vmul.f32 $3.125000000e-02, v3;
	v2 =	vld [tilespmem:s28+$0x1190];
	[tilespmem:s28+$0xDB0] =	vst v6  }
0x107: {  	v6 =	vld [tilespmem:s28+$0x1930];
	[tilespmem:s28+$0x9D0] =	vst v0;
	v7 =	vmul.f32 $3.125000000e-02, v7  }
0x108: {  	[tilespmem:s28+$0x5F0] =	vst v3;
	v3 =	vld [tilespmem:s28+$0x1170];
	v5 =	vmul.f32 $3.125000000e-02, v5  }
0x109: {  	v0 =	vld [tilespmem:s28+$0x1550];
	[tilespmem:s28+$0x1500] =	vst v7;
	v1 =	vmul.f32 $3.125000000e-02, v1  }
0x10a: {  	v7 =	vld [tilespmem:s28+$0xDD0];
	[tilespmem:s28+$0x1520] =	vst v5;
	v4 =	vmul.f32 $3.125000000e-02, v4  }
0x10b: {  	v2 =	vmul.f32 $3.125000000e-02, v2;
	[tilespmem:s28+$0x9B0] =	vst v1;
	v1 =	vld [tilespmem:s28+$0x1530]  }
0x10c: {  	v5 =	vld [tilespmem:s28+$0xDF0];
	v6 =	vmul.f32 $3.125000000e-02, v6;
	[tilespmem:s28+$0x1920] =	vst v4  }
0x10d: {  	v3 =	vmul.f32 $3.125000000e-02, v3;
	v4 =	vld [tilespmem:s28+$0x11F0];
	[tilespmem:s28+$0x1190] =	vst v2  }
0x10e: {  	v0 =	vmul.f32 $3.125000000e-02, v0;
	v2 =	vld [tilespmem:s28+$0x1D10];
	[tilespmem:s28+$0x1930] =	vst v6  }
0x10f: {  	v7 =	vmul.f32 $3.125000000e-02, v7;
	[tilespmem:s28+$0x1170] =	vst v3;
	v3 =	vld [tilespmem:s28+$0xDC0]  }
0x110: {  	[tilespmem:s28+$0x1550] =	vst v0;
	v0 =	vld [tilespmem:s28+$0x11A0];
	v1 =	vmul.f32 $3.125000000e-02, v1  }
0x111: {  	v59 =	vld [tilespmem:s28+$0x1D30];
	[tilespmem:s28+$0xDD0] =	vst v7;
	v5 =	vmul.f32 $3.125000000e-02, v5  }
0x112: {  	v4 =	vmul.f32 $3.125000000e-02, v4;
	[tilespmem:s28+$0x1530] =	vst v1;
	v1 =	vld [tilespmem:s28+$0x1180]  }
0x113: {  	v7 =	vld [tilespmem:s28+$0x1950];
	[tilespmem:s28+$0xDF0] =	vst v5;
	v2 =	vmul.f32 $3.125000000e-02, v2  }
0x114: {  	v61 =	vld [tilespmem:s28+$0x15B0];
	v3 =	vmul.f32 $3.125000000e-02, v3;
	[tilespmem:s28+$0x11F0] =	vst v4  }
0x115: {  	v5 =	vld [tilespmem:s28+$0x1970];
	v0 =	vmul.f32 $3.125000000e-02, v0;
	[tilespmem:s28+$0x1D10] =	vst v2  }
0x116: {  	v2 =	vmul.f32 $3.125000000e-02, v59;
	[tilespmem:s28+$0xDC0] =	vst v3;
	v3 =	vld [tilespmem:s28+$0x1940]  }
0x117: {  	v4 =	vld [tilespmem:s28+$0x1D70];
	[tilespmem:s28+$0x11A0] =	vst v0;
	v1 =	vmul.f32 $3.125000000e-02, v1  }
0x118: {  	v0 =	vld [tilespmem:s28+$0x1D20];
	v7 =	vmul.f32 $3.125000000e-02, v7;
	[tilespmem:s28+$0x1D30] =	vst v2  }
0x119: {  	v2 =	vmul.f32 $3.125000000e-02, v61;
	[tilespmem:s28+$0x1180] =	vst v1;
	v1 =	vld [tilespmem:s28+$0x1D00]  }
0x11a: {  	[tilespmem:s28+$0x1950] =	vst v7;
	v7 =	vld [tilespmem:s28+$0x15A0];
	v5 =	vmul.f32 $3.125000000e-02, v5  }
0x11b: {  	v6 =	vld [tilespmem:s28+$0x1580];
	[tilespmem:s28+$0x15B0] =	vst v2;
	v3 =	vmul.f32 $3.125000000e-02, v3  }
0x11c: {  	v62 =	vld [tilespmem:s28+$0x1D50];
	[tilespmem:s28+$0x1970] =	vst v5;
	v4 =	vmul.f32 $3.125000000e-02, v4  }
0x11d: {  	v0 =	vmul.f32 $3.125000000e-02, v0;
	[tilespmem:s28+$0x1940] =	vst v3;
	v3 =	vld [tilespmem:s28+$0x1590]  }
0x11e: {  	v60 =	vld [tilespmem:s28+$0x1D40];
	[tilespmem:s28+$0x1D70] =	vst v4;
	v1 =	vmul.f32 $3.125000000e-02, v1  }
0x11f: {  	v13 =	vld [tilespmem:s28+$0x15D0];
	[tilespmem:s28+$0x1D20] =	vst v0;
	v0 =	vmul.f32 $3.125000000e-02, v7  }
0x120: {  	v5 =	vld [tilespmem:s28+$0x15C0];
	[tilespmem:s28+$0x1D00] =	vst v1;
	v1 =	vmul.f32 $3.125000000e-02, v6  }
0x121: {  	v8 =	vld [tilespmem:s28+$0x1D60];
	v7 =	vmul.f32 $3.125000000e-02, v62;
	[tilespmem:s28+$0x15A0] =	vst v0  }
0x122: {  	v6 =	vld [tilespmem:s28+$0x15E0];
	[tilespmem:s28+$0x1580] =	vst v1;
	v1 =	vmul.f32 $3.125000000e-02, v3  }
0x123: {  	v63 =	vld [tilespmem:s28+$0x15F0];
	[tilespmem:s28+$0x1D50] =	vst v7;
	v3 =	vmul.f32 $3.125000000e-02, v60  }
0x124: {  	v7 =	vmul.f32 $3.125000000e-02, v13;
	[tilespmem:s28+$0x1590] =	vst v1;
	v1 =	vld [tilespmem:s28+$0x1980]  }
0x125: {  	v0 =	vld [tilespmem:s28+$0x1990];
	[tilespmem:s28+$0x1D40] =	vst v3;
	v3 =	vmul.f32 $3.125000000e-02, v5  }
0x126: {  	v2 =	vld [tilespmem:s28+$0x19A0];
	[tilespmem:s28+$0x15D0] =	vst v7;
	v5 =	vmul.f32 $3.125000000e-02, v8  }
0x127: {  	v6 =	vmul.f32 $3.125000000e-02, v6;
	[tilespmem:s28+$0x15C0] =	vst v3;
	v3 =	vld [tilespmem:s28+$0x19B0]  }
0x128: {  	s30 =	simm.s32 $0x0;
	s31 =	simm.s32 $0x1000;
	v4 =	vld [tilespmem:s28+$0x19C0];
	[tilespmem:s28+$0x1D60] =	vst v5;
	v5 =	vmul.f32 $3.125000000e-02, v63  }
.LBB2_3:
0x129: {  	s0 =	sand.u32 $0x2000, s31;
	[tilespmem:s28+$0x15E0] =	vst v6;
	v1 =	vmul.f32 $3.125000000e-02, v1;
	v6 =	vld [tilespmem:s28+$0x19D0];
	s29 =	sadd.s32 $0x200, s29  }
0x12a: {  	s1 =	sand.u32 $0x200, s29;
	s0 =	sadd.s32 s0, s26;
	[tilespmem:s28+$0x15F0] =	vst v5;
	v0 =	vmul.f32 $3.125000000e-02, v0;
	v5 =	vld [tilespmem:s28+$0x19E0]  }
0x12b: {  	s0 =	sadd.s32 s1, s0;
	[tilespmem:s28+$0x1980] =	vst v1;
	v1 =	vmul.f32 $3.125000000e-02, v2;
	v2 =	vld [tilespmem:s28+$0x19F0]  }
0x12c: {  	v7 =	vld [tilespmem:s0+$0x0];
	[tilespmem:s28+$0x1990] =	vst v0;
	v0 =	vmul.f32 $3.125000000e-02, v3  }
0x12d: {  	v3 =	vld [tilespmem:s0+$0x10];
	[tilespmem:s28+$0x19A0] =	vst v1;
	v1 =	vmul.f32 $3.125000000e-02, v4  }
0x12e: {  	v4 =	vld [tilespmem:s0+$0x20];
	[tilespmem:s28+$0x19B0] =	vst v0;
	v0 =	vmul.f32 $3.125000000e-02, v6  }
0x12f: {  	s30 =	sadd.s32 $0x4, s30;
	v6 =	vld [tilespmem:s0+$0x30];
	[tilespmem:s28+$0x19C0] =	vst v1;
	v1 =	vmul.f32 $3.125000000e-02, v5  }
0x130: {  	p0 =	slt.u32 s30, $0xC;
	v5 =	vld [tilespmem:s0+$0x40];
	[tilespmem:s28+$0x19D0] =	vst v0;
	v0 =	vmul.f32 $3.125000000e-02, v2  }
0x131: {  	v2 =	vmul.f32 $3.125000000e-02, v7;
	v7 =	vld [tilespmem:s0+$0x50];
	[tilespmem:s28+$0x19E0] =	vst v1  }
0x132: {  	v1 =	vmul.f32 $3.125000000e-02, v3;
	[tilespmem:s28+$0x19F0] =	vst v0;
	v0 =	vld [tilespmem:s28+$0x1D80]  }
0x133: {  	[tilespmem:s0+$0x0] =	vst v2;
	v2 =	vmul.f32 $3.125000000e-02, v4;
	v3 =	vld [tilespmem:s28+$0x1D90]  }
0x134: {  	[tilespmem:s0+$0x10] =	vst v1;
	v1 =	vmul.f32 $3.125000000e-02, v6;
	v4 =	vld [tilespmem:s28+$0x1DA0]  }
0x135: {  	[tilespmem:s0+$0x20] =	vst v2;
	v2 =	vmul.f32 $3.125000000e-02, v5;
	v5 =	vld [tilespmem:s28+$0x1DB0]  }
0x136: {  	[tilespmem:s0+$0x30] =	vst v1;
	v1 =	vmul.f32 $3.125000000e-02, v7;
	v6 =	vld [tilespmem:s28+$0x1DC0]  }
0x137: {  	[tilespmem:s0+$0x40] =	vst v2;
	v0 =	vmul.f32 $3.125000000e-02, v0;
	v2 =	vld [tilespmem:s28+$0x1DD0]  }
0x138: {  	[tilespmem:s0+$0x50] =	vst v1;
	v1 =	vmul.f32 $3.125000000e-02, v3;
	v3 =	vld [tilespmem:s28+$0x1DE0]  }
0x139: {  	v7 =	vld [tilespmem:s0+$0x60];
	[tilespmem:s28+$0x1D80] =	vst v0;
	v0 =	vmul.f32 $3.125000000e-02, v4  }
0x13a: {  	v4 =	vld [tilespmem:s0+$0x1DF0];
	[tilespmem:s28+$0x1D90] =	vst v1;
	v1 =	vmul.f32 $3.125000000e-02, v5  }
0x13b: {  	v5 =	vld [tilespmem:s0+$0x70];
	[tilespmem:s28+$0x1DA0] =	vst v0;
	v0 =	vmul.f32 $3.125000000e-02, v6  }
0x13c: {  	v6 =	vld [tilespmem:s0+$0x400];
	[tilespmem:s28+$0x1DB0] =	vst v1;
	v1 =	vmul.f32 $3.125000000e-02, v2  }
0x13d: {  	v2 =	vld [tilespmem:s0+$0x410];
	[tilespmem:s28+$0x1DC0] =	vst v0;
	v0 =	vmul.f32 $3.125000000e-02, v3  }
0x13e: {  	v3 =	vmul.f32 $3.125000000e-02, v7;
	v7 =	vld [tilespmem:s0+$0x420];
	[tilespmem:s28+$0x1DD0] =	vst v1  }
0x13f: {  	v1 =	vld [tilespmem:s0+$0x430];
	v4 =	vmul.f32 $3.125000000e-02, v4;
	[tilespmem:s28+$0x1DE0] =	vst v0;
	s28 =	smov.u32 s0  }
0x140: {  	[tilespmem:s28+$0x60] =	vst v3;
	v0 =	vmul.f32 $3.125000000e-02, v5;
	v3 =	vld [tilespmem:s28+$0x440]  }
0x141: {  	v5 =	vmul.f32 $3.125000000e-02, v6;
	v6 =	vld [tilespmem:s28+$0x450];
	[tilespmem:s28+$0x1DF0] =	vst v4  }
0x142: {  	[tilespmem:s28+$0x70] =	vst v0;
	v0 =	vmul.f32 $3.125000000e-02, v2;
	v2 =	vld [tilespmem:s28+$0x460]  }
0x143: {  	[tilespmem:s28+$0x400] =	vst v5;
	v4 =	vmul.f32 $3.125000000e-02, v7;
	v5 =	vld [tilespmem:s28+$0x470]  }
0x144: {  	[tilespmem:s28+$0x410] =	vst v0;
	v0 =	vmul.f32 $3.125000000e-02, v1;
	v1 =	vld [tilespmem:s28+$0x800]  }
0x145: {  	[tilespmem:s28+$0x420] =	vst v4;
	v3 =	vmul.f32 $3.125000000e-02, v3;
	v4 =	vld [tilespmem:s28+$0x810]  }
0x146: {  	[tilespmem:s28+$0x430] =	vst v0;
	v0 =	vmul.f32 $3.125000000e-02, v6;
	v6 =	vld [tilespmem:s28+$0x820]  }
0x147: {  	[tilespmem:s28+$0x440] =	vst v3;
	v2 =	vmul.f32 $3.125000000e-02, v2;
	v3 =	vld [tilespmem:s28+$0x830]  }
0x148: {  	[tilespmem:s28+$0x450] =	vst v0;
	v0 =	vmul.f32 $3.125000000e-02, v5;
	v5 =	vld [tilespmem:s28+$0x840]  }
0x149: {  	[tilespmem:s28+$0x460] =	vst v2;
	v1 =	vmul.f32 $3.125000000e-02, v1;
	v2 =	vld [tilespmem:s28+$0x850]  }
0x14a: {  	[tilespmem:s28+$0x470] =	vst v0;
	v0 =	vmul.f32 $3.125000000e-02, v4;
	v4 =	vld [tilespmem:s28+$0x860]  }
0x14b: {  	[tilespmem:s28+$0x800] =	vst v1;
	v1 =	vmul.f32 $3.125000000e-02, v6;
	v6 =	vld [tilespmem:s28+$0x870]  }
0x14c: {  	[tilespmem:s28+$0x810] =	vst v0;
	v0 =	vmul.f32 $3.125000000e-02, v3;
	v3 =	vld [tilespmem:s28+$0xC00]  }
0x14d: {  	[tilespmem:s28+$0x820] =	vst v1;
	v1 =	vmul.f32 $3.125000000e-02, v5;
	v5 =	vld [tilespmem:s28+$0xC10]  }
0x14e: {  	[tilespmem:s28+$0x830] =	vst v0;
	v0 =	vmul.f32 $3.125000000e-02, v2;
	v2 =	vld [tilespmem:s28+$0xC20]  }
0x14f: {  	[tilespmem:s28+$0x840] =	vst v1;
	v1 =	vmul.f32 $3.125000000e-02, v4;
	v4 =	vld [tilespmem:s28+$0xC30]  }
0x150: {  	[tilespmem:s28+$0x850] =	vst v0;
	v0 =	vmul.f32 $3.125000000e-02, v6;
	v6 =	vld [tilespmem:s28+$0xC40]  }
0x151: {  	[tilespmem:s28+$0x860] =	vst v1;
	v1 =	vmul.f32 $3.125000000e-02, v3;
	v3 =	vld [tilespmem:s28+$0xC50]  }
0x152: {  	[tilespmem:s28+$0x870] =	vst v0;
	v0 =	vmul.f32 $3.125000000e-02, v5;
	v5 =	vld [tilespmem:s28+$0xC60]  }
0x153: {  	[tilespmem:s28+$0xC00] =	vst v1;
	v1 =	vmul.f32 $3.125000000e-02, v2;
	v2 =	vld [tilespmem:s28+$0xC70]  }
0x154: {  	[tilespmem:s28+$0xC10] =	vst v0;
	v0 =	vmul.f32 $3.125000000e-02, v4;
	v4 =	vld [tilespmem:s28+$0x1000]  }
0x155: {  	[tilespmem:s28+$0xC20] =	vst v1;
	v1 =	vmul.f32 $3.125000000e-02, v6;
	v6 =	vld [tilespmem:s28+$0x1010]  }
0x156: {  	[tilespmem:s28+$0xC30] =	vst v0;
	v0 =	vmul.f32 $3.125000000e-02, v3;
	v3 =	vld [tilespmem:s28+$0x1020]  }
0x157: {  	[tilespmem:s28+$0xC40] =	vst v1;
	v1 =	vmul.f32 $3.125000000e-02, v5;
	v5 =	vld [tilespmem:s28+$0x1030]  }
0x158: {  	[tilespmem:s28+$0xC50] =	vst v0;
	v0 =	vmul.f32 $3.125000000e-02, v2;
	v2 =	vld [tilespmem:s28+$0x1040]  }
0x159: {  	[tilespmem:s28+$0xC60] =	vst v1;
	v1 =	vmul.f32 $3.125000000e-02, v4;
	v4 =	vld [tilespmem:s28+$0x1050]  }
0x15a: {  	[tilespmem:s28+$0xC70] =	vst v0;
	v0 =	vmul.f32 $3.125000000e-02, v6;
	v6 =	vld [tilespmem:s28+$0x1060]  }
0x15b: {  	[tilespmem:s28+$0x1000] =	vst v1;
	v1 =	vmul.f32 $3.125000000e-02, v3;
	v3 =	vld [tilespmem:s28+$0x1070]  }
0x15c: {  	[tilespmem:s28+$0x1010] =	vst v0;
	v0 =	vmul.f32 $3.125000000e-02, v5;
	v5 =	vld [tilespmem:s28+$0x1400]  }
0x15d: {  	[tilespmem:s28+$0x1020] =	vst v1;
	v1 =	vmul.f32 $3.125000000e-02, v2;
	v2 =	vld [tilespmem:s28+$0x1410]  }
0x15e: {  	[tilespmem:s28+$0x1030] =	vst v0;
	v0 =	vmul.f32 $3.125000000e-02, v4;
	v4 =	vld [tilespmem:s28+$0x1420]  }
0x15f: {  	[tilespmem:s28+$0x1040] =	vst v1;
	v1 =	vmul.f32 $3.125000000e-02, v6;
	v6 =	vld [tilespmem:s28+$0x1430]  }
0x160: {  	[tilespmem:s28+$0x1050] =	vst v0;
	v0 =	vmul.f32 $3.125000000e-02, v3;
	v3 =	vld [tilespmem:s28+$0x1440]  }
0x161: {  	[tilespmem:s28+$0x1060] =	vst v1;
	v1 =	vmul.f32 $3.125000000e-02, v5;
	v5 =	vld [tilespmem:s28+$0x1450]  }
0x162: {  	[tilespmem:s28+$0x1070] =	vst v0;
	v0 =	vmul.f32 $3.125000000e-02, v2;
	v2 =	vld [tilespmem:s28+$0x1460]  }
0x163: {  	[tilespmem:s28+$0x1400] =	vst v1;
	v1 =	vmul.f32 $3.125000000e-02, v4;
	v4 =	vld [tilespmem:s28+$0x1470]  }
0x164: {  	[tilespmem:s28+$0x1410] =	vst v0;
	v0 =	vmul.f32 $3.125000000e-02, v6;
	v6 =	vld [tilespmem:s28+$0x1800]  }
0x165: {  	[tilespmem:s28+$0x1420] =	vst v1;
	v1 =	vmul.f32 $3.125000000e-02, v3;
	v3 =	vld [tilespmem:s28+$0x1810]  }
0x166: {  	[tilespmem:s28+$0x1430] =	vst v0;
	v0 =	vmul.f32 $3.125000000e-02, v5;
	v5 =	vld [tilespmem:s28+$0x1820]  }
0x167: {  	[tilespmem:s28+$0x1440] =	vst v1;
	v1 =	vmul.f32 $3.125000000e-02, v2;
	v2 =	vld [tilespmem:s28+$0x1830]  }
0x168: {  	[tilespmem:s28+$0x1450] =	vst v0;
	v0 =	vmul.f32 $3.125000000e-02, v4;
	v4 =	vld [tilespmem:s28+$0x1840]  }
0x169: {  	[tilespmem:s28+$0x1460] =	vst v1;
	v1 =	vmul.f32 $3.125000000e-02, v6;
	v6 =	vld [tilespmem:s28+$0x1850]  }
0x16a: {  	[tilespmem:s28+$0x1470] =	vst v0;
	v0 =	vmul.f32 $3.125000000e-02, v3;
	v3 =	vld [tilespmem:s28+$0x1860]  }
0x16b: {  	[tilespmem:s28+$0x1800] =	vst v1;
	v1 =	vmul.f32 $3.125000000e-02, v5;
	v5 =	vld [tilespmem:s28+$0x1870]  }
0x16c: {  	[tilespmem:s28+$0x1810] =	vst v0;
	v0 =	vmul.f32 $3.125000000e-02, v2;
	v2 =	vld [tilespmem:s28+$0x1C00]  }
0x16d: {  	[tilespmem:s28+$0x1820] =	vst v1;
	v1 =	vmul.f32 $3.125000000e-02, v4;
	v4 =	vld [tilespmem:s28+$0x1C10]  }
0x16e: {  	[tilespmem:s28+$0x1830] =	vst v0;
	v0 =	vmul.f32 $3.125000000e-02, v6;
	v6 =	vld [tilespmem:s28+$0x1C20]  }
0x16f: {  	[tilespmem:s28+$0x1840] =	vst v1;
	v1 =	vmul.f32 $3.125000000e-02, v3;
	v3 =	vld [tilespmem:s28+$0x1C30]  }
0x170: {  	[tilespmem:s28+$0x1850] =	vst v0;
	v0 =	vmul.f32 $3.125000000e-02, v5;
	v5 =	vld [tilespmem:s28+$0x1C40]  }
0x171: {  	[tilespmem:s28+$0x1860] =	vst v1;
	v1 =	vmul.f32 $3.125000000e-02, v2;
	v2 =	vld [tilespmem:s28+$0x1C50]  }
0x172: {  	[tilespmem:s28+$0x1870] =	vst v0;
	v0 =	vmul.f32 $3.125000000e-02, v4;
	v4 =	vld [tilespmem:s28+$0x1C60]  }
0x173: {  	[tilespmem:s28+$0x1C00] =	vst v1;
	v1 =	vmul.f32 $3.125000000e-02, v6;
	v6 =	vld [tilespmem:s28+$0x1C70]  }
0x174: {  	[tilespmem:s28+$0x1C10] =	vst v0;
	v0 =	vmul.f32 $3.125000000e-02, v3;
	v3 =	vld [tilespmem:s28+$0x80]  }
0x175: {  	[tilespmem:s28+$0x1C20] =	vst v1;
	v1 =	vmul.f32 $3.125000000e-02, v5;
	v5 =	vld [tilespmem:s28+$0x90]  }
0x176: {  	[tilespmem:s28+$0x1C30] =	vst v0;
	v0 =	vmul.f32 $3.125000000e-02, v2;
	v2 =	vld [tilespmem:s28+$0xA0]  }
0x177: {  	[tilespmem:s28+$0x1C40] =	vst v1;
	v1 =	vmul.f32 $3.125000000e-02, v4;
	v4 =	vld [tilespmem:s28+$0xB0]  }
0x178: {  	[tilespmem:s28+$0x1C50] =	vst v0;
	v0 =	vmul.f32 $3.125000000e-02, v6;
	v6 =	vld [tilespmem:s28+$0xC0]  }
0x179: {  	[tilespmem:s28+$0x1C60] =	vst v1;
	v1 =	vmul.f32 $3.125000000e-02, v3;
	v3 =	vld [tilespmem:s28+$0xD0]  }
0x17a: {  	[tilespmem:s28+$0x1C70] =	vst v0;
	v0 =	vmul.f32 $3.125000000e-02, v5;
	v5 =	vld [tilespmem:s28+$0xE0]  }
0x17b: {  	[tilespmem:s28+$0x80] =	vst v1;
	v1 =	vmul.f32 $3.125000000e-02, v2;
	v2 =	vld [tilespmem:s28+$0xF0]  }
0x17c: {  	[tilespmem:s28+$0x90] =	vst v0;
	v0 =	vmul.f32 $3.125000000e-02, v4;
	v4 =	vld [tilespmem:s28+$0x480]  }
0x17d: {  	[tilespmem:s28+$0xA0] =	vst v1;
	v1 =	vmul.f32 $3.125000000e-02, v6;
	v6 =	vld [tilespmem:s28+$0x490]  }
0x17e: {  	[tilespmem:s28+$0xB0] =	vst v0;
	v0 =	vmul.f32 $3.125000000e-02, v3;
	v3 =	vld [tilespmem:s28+$0x4A0]  }
0x17f: {  	[tilespmem:s28+$0xC0] =	vst v1;
	v1 =	vmul.f32 $3.125000000e-02, v5;
	v5 =	vld [tilespmem:s28+$0x4B0]  }
0x180: {  	[tilespmem:s28+$0xD0] =	vst v0;
	v0 =	vmul.f32 $3.125000000e-02, v2;
	v2 =	vld [tilespmem:s28+$0x4C0]  }
0x181: {  	[tilespmem:s28+$0xE0] =	vst v1;
	v1 =	vmul.f32 $3.125000000e-02, v4;
	v4 =	vld [tilespmem:s28+$0x4D0]  }
0x182: {  	[tilespmem:s28+$0xF0] =	vst v0;
	v0 =	vmul.f32 $3.125000000e-02, v6;
	v6 =	vld [tilespmem:s28+$0x4E0]  }
0x183: {  	[tilespmem:s28+$0x480] =	vst v1;
	v1 =	vmul.f32 $3.125000000e-02, v3;
	v3 =	vld [tilespmem:s28+$0x4F0]  }
0x184: {  	[tilespmem:s28+$0x490] =	vst v0;
	v0 =	vmul.f32 $3.125000000e-02, v5;
	v5 =	vld [tilespmem:s28+$0x880]  }
0x185: {  	[tilespmem:s28+$0x4A0] =	vst v1;
	v1 =	vmul.f32 $3.125000000e-02, v2;
	v2 =	vld [tilespmem:s28+$0x890]  }
0x186: {  	[tilespmem:s28+$0x4B0] =	vst v0;
	v0 =	vmul.f32 $3.125000000e-02, v4;
	v4 =	vld [tilespmem:s28+$0x8A0]  }
0x187: {  	[tilespmem:s28+$0x4C0] =	vst v1;
	v1 =	vmul.f32 $3.125000000e-02, v6;
	v6 =	vld [tilespmem:s28+$0x8B0]  }
0x188: {  	[tilespmem:s28+$0x4D0] =	vst v0;
	v0 =	vmul.f32 $3.125000000e-02, v3;
	v3 =	vld [tilespmem:s28+$0x8C0]  }
0x189: {  	[tilespmem:s28+$0x4E0] =	vst v1;
	v1 =	vmul.f32 $3.125000000e-02, v5;
	v5 =	vld [tilespmem:s28+$0x8D0]  }
0x18a: {  	[tilespmem:s28+$0x4F0] =	vst v0;
	v0 =	vmul.f32 $3.125000000e-02, v2;
	v2 =	vld [tilespmem:s28+$0x8E0]  }
0x18b: {  	[tilespmem:s28+$0x880] =	vst v1;
	v1 =	vmul.f32 $3.125000000e-02, v4;
	v4 =	vld [tilespmem:s28+$0x8F0]  }
0x18c: {  	[tilespmem:s28+$0x890] =	vst v0;
	v0 =	vmul.f32 $3.125000000e-02, v6;
	v6 =	vld [tilespmem:s28+$0xC80]  }
0x18d: {  	[tilespmem:s28+$0x8A0] =	vst v1;
	v1 =	vmul.f32 $3.125000000e-02, v3;
	v3 =	vld [tilespmem:s28+$0xC90]  }
0x18e: {  	[tilespmem:s28+$0x8B0] =	vst v0;
	v0 =	vmul.f32 $3.125000000e-02, v5;
	v5 =	vld [tilespmem:s28+$0xCA0]  }
0x18f: {  	[tilespmem:s28+$0x8C0] =	vst v1;
	v1 =	vmul.f32 $3.125000000e-02, v2;
	v2 =	vld [tilespmem:s28+$0xCB0]  }
0x190: {  	[tilespmem:s28+$0x8D0] =	vst v0;
	v0 =	vmul.f32 $3.125000000e-02, v4;
	v4 =	vld [tilespmem:s28+$0xCC0]  }
0x191: {  	[tilespmem:s28+$0x8E0] =	vst v1;
	v1 =	vmul.f32 $3.125000000e-02, v6;
	v6 =	vld [tilespmem:s28+$0xCD0]  }
0x192: {  	[tilespmem:s28+$0x8F0] =	vst v0;
	v0 =	vmul.f32 $3.125000000e-02, v3;
	v3 =	vld [tilespmem:s28+$0xCE0]  }
0x193: {  	[tilespmem:s28+$0xC80] =	vst v1;
	v1 =	vmul.f32 $3.125000000e-02, v5;
	v5 =	vld [tilespmem:s28+$0xCF0]  }
0x194: {  	[tilespmem:s28+$0xC90] =	vst v0;
	v0 =	vmul.f32 $3.125000000e-02, v2;
	v2 =	vld [tilespmem:s28+$0x1080]  }
0x195: {  	[tilespmem:s28+$0xCA0] =	vst v1;
	v1 =	vmul.f32 $3.125000000e-02, v4;
	v4 =	vld [tilespmem:s28+$0x1090]  }
0x196: {  	[tilespmem:s28+$0xCB0] =	vst v0;
	v0 =	vmul.f32 $3.125000000e-02, v6;
	v6 =	vld [tilespmem:s28+$0x10A0]  }
0x197: {  	[tilespmem:s28+$0xCC0] =	vst v1;
	v1 =	vmul.f32 $3.125000000e-02, v3;
	v3 =	vld [tilespmem:s28+$0x10B0]  }
0x198: {  	[tilespmem:s28+$0xCD0] =	vst v0;
	v0 =	vmul.f32 $3.125000000e-02, v5;
	v5 =	vld [tilespmem:s28+$0x10C0]  }
0x199: {  	[tilespmem:s28+$0xCE0] =	vst v1;
	v1 =	vmul.f32 $3.125000000e-02, v2;
	v2 =	vld [tilespmem:s28+$0x10D0]  }
0x19a: {  	[tilespmem:s28+$0xCF0] =	vst v0;
	v0 =	vmul.f32 $3.125000000e-02, v4;
	v4 =	vld [tilespmem:s28+$0x10E0]  }
0x19b: {  	[tilespmem:s28+$0x1080] =	vst v1;
	v1 =	vmul.f32 $3.125000000e-02, v6;
	v6 =	vld [tilespmem:s28+$0x10F0]  }
0x19c: {  	[tilespmem:s28+$0x1090] =	vst v0;
	v0 =	vmul.f32 $3.125000000e-02, v3;
	v3 =	vld [tilespmem:s28+$0x1480]  }
0x19d: {  	[tilespmem:s28+$0x10A0] =	vst v1;
	v1 =	vmul.f32 $3.125000000e-02, v5;
	v5 =	vld [tilespmem:s28+$0x1490]  }
0x19e: {  	[tilespmem:s28+$0x10B0] =	vst v0;
	v0 =	vmul.f32 $3.125000000e-02, v2;
	v2 =	vld [tilespmem:s28+$0x14A0]  }
0x19f: {  	[tilespmem:s28+$0x10C0] =	vst v1;
	v1 =	vmul.f32 $3.125000000e-02, v4;
	v4 =	vld [tilespmem:s28+$0x14B0]  }
0x1a0: {  	[tilespmem:s28+$0x10D0] =	vst v0;
	v0 =	vmul.f32 $3.125000000e-02, v6;
	v6 =	vld [tilespmem:s28+$0x14C0]  }
0x1a1: {  	[tilespmem:s28+$0x10E0] =	vst v1;
	v1 =	vmul.f32 $3.125000000e-02, v3;
	v3 =	vld [tilespmem:s28+$0x14D0]  }
0x1a2: {  	[tilespmem:s28+$0x10F0] =	vst v0;
	v0 =	vmul.f32 $3.125000000e-02, v5;
	v5 =	vld [tilespmem:s28+$0x14E0]  }
0x1a3: {  	[tilespmem:s28+$0x1480] =	vst v1;
	v1 =	vmul.f32 $3.125000000e-02, v2;
	v2 =	vld [tilespmem:s28+$0x14F0]  }
0x1a4: {  	[tilespmem:s28+$0x1490] =	vst v0;
	v0 =	vmul.f32 $3.125000000e-02, v4;
	v4 =	vld [tilespmem:s28+$0x1880]  }
0x1a5: {  	[tilespmem:s28+$0x14A0] =	vst v1;
	v1 =	vmul.f32 $3.125000000e-02, v6;
	v6 =	vld [tilespmem:s28+$0x1890]  }
0x1a6: {  	[tilespmem:s28+$0x14B0] =	vst v0;
	v0 =	vmul.f32 $3.125000000e-02, v3;
	v3 =	vld [tilespmem:s28+$0x18A0]  }
0x1a7: {  	[tilespmem:s28+$0x14C0] =	vst v1;
	v1 =	vmul.f32 $3.125000000e-02, v5;
	v5 =	vld [tilespmem:s28+$0x18B0]  }
0x1a8: {  	[tilespmem:s28+$0x14D0] =	vst v0;
	v0 =	vmul.f32 $3.125000000e-02, v2;
	v2 =	vld [tilespmem:s28+$0x18C0]  }
0x1a9: {  	[tilespmem:s28+$0x14E0] =	vst v1;
	v1 =	vmul.f32 $3.125000000e-02, v4;
	v4 =	vld [tilespmem:s28+$0x18D0]  }
0x1aa: {  	[tilespmem:s28+$0x14F0] =	vst v0;
	v0 =	vmul.f32 $3.125000000e-02, v6;
	v6 =	vld [tilespmem:s28+$0x18E0]  }
0x1ab: {  	[tilespmem:s28+$0x1880] =	vst v1;
	v1 =	vmul.f32 $3.125000000e-02, v3;
	v3 =	vld [tilespmem:s28+$0x18F0]  }
0x1ac: {  	[tilespmem:s28+$0x1890] =	vst v0;
	v0 =	vmul.f32 $3.125000000e-02, v5;
	v5 =	vld [tilespmem:s28+$0x1C80]  }
0x1ad: {  	[tilespmem:s28+$0x18A0] =	vst v1;
	v1 =	vmul.f32 $3.125000000e-02, v2;
	v2 =	vld [tilespmem:s28+$0x1C90]  }
0x1ae: {  	[tilespmem:s28+$0x18B0] =	vst v0;
	v0 =	vmul.f32 $3.125000000e-02, v4;
	v4 =	vld [tilespmem:s28+$0x1CA0]  }
0x1af: {  	[tilespmem:s28+$0x18C0] =	vst v1;
	v1 =	vmul.f32 $3.125000000e-02, v6;
	v6 =	vld [tilespmem:s28+$0x1CB0]  }
0x1b0: {  	[tilespmem:s28+$0x18D0] =	vst v0;
	v0 =	vmul.f32 $3.125000000e-02, v3;
	v3 =	vld [tilespmem:s28+$0x1CC0]  }
0x1b1: {  	[tilespmem:s28+$0x18E0] =	vst v1;
	v1 =	vmul.f32 $3.125000000e-02, v5;
	v5 =	vld [tilespmem:s28+$0x1CD0]  }
0x1b2: {  	[tilespmem:s28+$0x18F0] =	vst v0;
	v0 =	vmul.f32 $3.125000000e-02, v2;
	v2 =	vld [tilespmem:s28+$0x1CE0]  }
0x1b3: {  	[tilespmem:s28+$0x1C80] =	vst v1;
	v1 =	vmul.f32 $3.125000000e-02, v4;
	v4 =	vld [tilespmem:s28+$0x1CF0]  }
0x1b4: {  	[tilespmem:s28+$0x1C90] =	vst v0;
	v0 =	vmul.f32 $3.125000000e-02, v6;
	v6 =	vld [tilespmem:s28+$0x100]  }
0x1b5: {  	[tilespmem:s28+$0x1CA0] =	vst v1;
	v1 =	vmul.f32 $3.125000000e-02, v3;
	v3 =	vld [tilespmem:s28+$0x110]  }
0x1b6: {  	[tilespmem:s28+$0x1CB0] =	vst v0;
	v0 =	vmul.f32 $3.125000000e-02, v5;
	v5 =	vld [tilespmem:s28+$0x120]  }
0x1b7: {  	[tilespmem:s28+$0x1CC0] =	vst v1;
	v1 =	vmul.f32 $3.125000000e-02, v2;
	v2 =	vld [tilespmem:s28+$0x130]  }
0x1b8: {  	[tilespmem:s28+$0x1CD0] =	vst v0;
	v0 =	vmul.f32 $3.125000000e-02, v4;
	v4 =	vld [tilespmem:s28+$0x140]  }
0x1b9: {  	[tilespmem:s28+$0x1CE0] =	vst v1;
	v1 =	vmul.f32 $3.125000000e-02, v6;
	v6 =	vld [tilespmem:s28+$0x150]  }
0x1ba: {  	[tilespmem:s28+$0x1CF0] =	vst v0;
	v0 =	vmul.f32 $3.125000000e-02, v3;
	v3 =	vld [tilespmem:s28+$0x160]  }
0x1bb: {  	[tilespmem:s28+$0x100] =	vst v1;
	v1 =	vmul.f32 $3.125000000e-02, v5;
	v5 =	vld [tilespmem:s28+$0x170]  }
0x1bc: {  	[tilespmem:s28+$0x110] =	vst v0;
	v0 =	vmul.f32 $3.125000000e-02, v2;
	v2 =	vld [tilespmem:s28+$0x500]  }
0x1bd: {  	[tilespmem:s28+$0x120] =	vst v1;
	v1 =	vmul.f32 $3.125000000e-02, v4;
	v4 =	vld [tilespmem:s28+$0x510]  }
0x1be: {  	[tilespmem:s28+$0x130] =	vst v0;
	v0 =	vmul.f32 $3.125000000e-02, v6;
	v6 =	vld [tilespmem:s28+$0x520]  }
0x1bf: {  	[tilespmem:s28+$0x140] =	vst v1;
	v1 =	vmul.f32 $3.125000000e-02, v3;
	v3 =	vld [tilespmem:s28+$0x530]  }
0x1c0: {  	[tilespmem:s28+$0x150] =	vst v0;
	v0 =	vmul.f32 $3.125000000e-02, v5;
	v5 =	vld [tilespmem:s28+$0x540]  }
0x1c1: {  	[tilespmem:s28+$0x160] =	vst v1;
	v1 =	vmul.f32 $3.125000000e-02, v2;
	v2 =	vld [tilespmem:s28+$0x550]  }
0x1c2: {  	[tilespmem:s28+$0x170] =	vst v0;
	v0 =	vmul.f32 $3.125000000e-02, v4;
	v4 =	vld [tilespmem:s28+$0x560]  }
0x1c3: {  	[tilespmem:s28+$0x500] =	vst v1;
	v1 =	vmul.f32 $3.125000000e-02, v6;
	v6 =	vld [tilespmem:s28+$0x570]  }
0x1c4: {  	[tilespmem:s28+$0x510] =	vst v0;
	v0 =	vmul.f32 $3.125000000e-02, v3;
	v3 =	vld [tilespmem:s28+$0x900]  }
0x1c5: {  	[tilespmem:s28+$0x520] =	vst v1;
	v1 =	vmul.f32 $3.125000000e-02, v5;
	v5 =	vld [tilespmem:s28+$0x910]  }
0x1c6: {  	[tilespmem:s28+$0x530] =	vst v0;
	v0 =	vmul.f32 $3.125000000e-02, v2;
	v2 =	vld [tilespmem:s28+$0x920]  }
0x1c7: {  	[tilespmem:s28+$0x540] =	vst v1;
	v1 =	vmul.f32 $3.125000000e-02, v4;
	v4 =	vld [tilespmem:s28+$0x930]  }
0x1c8: {  	[tilespmem:s28+$0x550] =	vst v0;
	v0 =	vmul.f32 $3.125000000e-02, v6;
	v6 =	vld [tilespmem:s28+$0x940]  }
0x1c9: {  	[tilespmem:s28+$0x560] =	vst v1;
	v1 =	vmul.f32 $3.125000000e-02, v3;
	v3 =	vld [tilespmem:s28+$0x950]  }
0x1ca: {  	[tilespmem:s28+$0x570] =	vst v0;
	v0 =	vmul.f32 $3.125000000e-02, v5;
	v5 =	vld [tilespmem:s28+$0x960]  }
0x1cb: {  	[tilespmem:s28+$0x900] =	vst v1;
	v1 =	vmul.f32 $3.125000000e-02, v2;
	v2 =	vld [tilespmem:s28+$0x970]  }
0x1cc: {  	[tilespmem:s28+$0x910] =	vst v0;
	v0 =	vmul.f32 $3.125000000e-02, v4;
	v4 =	vld [tilespmem:s28+$0xD00]  }
0x1cd: {  	[tilespmem:s28+$0x920] =	vst v1;
	v1 =	vmul.f32 $3.125000000e-02, v6;
	v6 =	vld [tilespmem:s28+$0xD10]  }
0x1ce: {  	[tilespmem:s28+$0x930] =	vst v0;
	v0 =	vmul.f32 $3.125000000e-02, v3;
	v3 =	vld [tilespmem:s28+$0xD20]  }
0x1cf: {  	[tilespmem:s28+$0x940] =	vst v1;
	v1 =	vmul.f32 $3.125000000e-02, v5;
	v5 =	vld [tilespmem:s28+$0xD30]  }
0x1d0: {  	[tilespmem:s28+$0x950] =	vst v0;
	v0 =	vmul.f32 $3.125000000e-02, v2;
	v2 =	vld [tilespmem:s28+$0xD40]  }
0x1d1: {  	[tilespmem:s28+$0x960] =	vst v1;
	v1 =	vmul.f32 $3.125000000e-02, v4;
	v4 =	vld [tilespmem:s28+$0xD50]  }
0x1d2: {  	[tilespmem:s28+$0x970] =	vst v0;
	v0 =	vmul.f32 $3.125000000e-02, v6;
	v6 =	vld [tilespmem:s28+$0xD60]  }
0x1d3: {  	[tilespmem:s28+$0xD00] =	vst v1;
	v1 =	vmul.f32 $3.125000000e-02, v3;
	v3 =	vld [tilespmem:s28+$0xD70]  }
0x1d4: {  	[tilespmem:s28+$0xD10] =	vst v0;
	v0 =	vmul.f32 $3.125000000e-02, v5;
	v5 =	vld [tilespmem:s28+$0x1100]  }
0x1d5: {  	[tilespmem:s28+$0xD20] =	vst v1;
	v1 =	vmul.f32 $3.125000000e-02, v2;
	v2 =	vld [tilespmem:s28+$0x1110]  }
0x1d6: {  	[tilespmem:s28+$0xD30] =	vst v0;
	v0 =	vmul.f32 $3.125000000e-02, v4;
	v4 =	vld [tilespmem:s28+$0x1120]  }
0x1d7: {  	[tilespmem:s28+$0xD40] =	vst v1;
	v1 =	vmul.f32 $3.125000000e-02, v6;
	v6 =	vld [tilespmem:s28+$0x1130]  }
0x1d8: {  	[tilespmem:s28+$0xD50] =	vst v0;
	v0 =	vmul.f32 $3.125000000e-02, v3;
	v3 =	vld [tilespmem:s28+$0x1140]  }
0x1d9: {  	[tilespmem:s28+$0xD60] =	vst v1;
	v1 =	vmul.f32 $3.125000000e-02, v5;
	v5 =	vld [tilespmem:s28+$0x1150]  }
0x1da: {  	[tilespmem:s28+$0xD70] =	vst v0;
	v0 =	vmul.f32 $3.125000000e-02, v2;
	v2 =	vld [tilespmem:s28+$0x1160]  }
0x1db: {  	[tilespmem:s28+$0x1100] =	vst v1;
	v1 =	vmul.f32 $3.125000000e-02, v4;
	v4 =	vld [tilespmem:s28+$0x1170]  }
0x1dc: {  	[tilespmem:s28+$0x1110] =	vst v0;
	v0 =	vmul.f32 $3.125000000e-02, v6;
	v6 =	vld [tilespmem:s28+$0x1500]  }
0x1dd: {  	[tilespmem:s28+$0x1120] =	vst v1;
	v1 =	vmul.f32 $3.125000000e-02, v3;
	v3 =	vld [tilespmem:s28+$0x1510]  }
0x1de: {  	[tilespmem:s28+$0x1130] =	vst v0;
	v0 =	vmul.f32 $3.125000000e-02, v5;
	v5 =	vld [tilespmem:s28+$0x1520]  }
0x1df: {  	[tilespmem:s28+$0x1140] =	vst v1;
	v1 =	vmul.f32 $3.125000000e-02, v2;
	v2 =	vld [tilespmem:s28+$0x1530]  }
0x1e0: {  	[tilespmem:s28+$0x1150] =	vst v0;
	v0 =	vmul.f32 $3.125000000e-02, v4;
	v4 =	vld [tilespmem:s28+$0x1540]  }
0x1e1: {  	[tilespmem:s28+$0x1160] =	vst v1;
	v1 =	vmul.f32 $3.125000000e-02, v6;
	v6 =	vld [tilespmem:s28+$0x1550]  }
0x1e2: {  	[tilespmem:s28+$0x1170] =	vst v0;
	v0 =	vmul.f32 $3.125000000e-02, v3;
	v3 =	vld [tilespmem:s28+$0x1560]  }
0x1e3: {  	[tilespmem:s28+$0x1500] =	vst v1;
	v1 =	vmul.f32 $3.125000000e-02, v5;
	v5 =	vld [tilespmem:s28+$0x1570]  }
0x1e4: {  	[tilespmem:s28+$0x1510] =	vst v0;
	v0 =	vmul.f32 $3.125000000e-02, v2;
	v2 =	vld [tilespmem:s28+$0x1900]  }
0x1e5: {  	[tilespmem:s28+$0x1520] =	vst v1;
	v1 =	vmul.f32 $3.125000000e-02, v4;
	v4 =	vld [tilespmem:s28+$0x1910]  }
0x1e6: {  	[tilespmem:s28+$0x1530] =	vst v0;
	v0 =	vmul.f32 $3.125000000e-02, v6;
	v6 =	vld [tilespmem:s28+$0x1920]  }
0x1e7: {  	[tilespmem:s28+$0x1540] =	vst v1;
	v1 =	vmul.f32 $3.125000000e-02, v3;
	v3 =	vld [tilespmem:s28+$0x1930]  }
0x1e8: {  	[tilespmem:s28+$0x1550] =	vst v0;
	v0 =	vmul.f32 $3.125000000e-02, v5;
	v5 =	vld [tilespmem:s28+$0x1940]  }
0x1e9: {  	[tilespmem:s28+$0x1560] =	vst v1;
	v1 =	vmul.f32 $3.125000000e-02, v2;
	v2 =	vld [tilespmem:s28+$0x1950]  }
0x1ea: {  	[tilespmem:s28+$0x1570] =	vst v0;
	v0 =	vmul.f32 $3.125000000e-02, v4;
	v4 =	vld [tilespmem:s28+$0x1960]  }
0x1eb: {  	[tilespmem:s28+$0x1900] =	vst v1;
	v1 =	vmul.f32 $3.125000000e-02, v6;
	v6 =	vld [tilespmem:s28+$0x1970]  }
0x1ec: {  	[tilespmem:s28+$0x1910] =	vst v0;
	v0 =	vmul.f32 $3.125000000e-02, v3;
	v3 =	vld [tilespmem:s28+$0x1D00]  }
0x1ed: {  	[tilespmem:s28+$0x1920] =	vst v1;
	v1 =	vmul.f32 $3.125000000e-02, v5;
	v5 =	vld [tilespmem:s28+$0x1D10]  }
0x1ee: {  	[tilespmem:s28+$0x1930] =	vst v0;
	v0 =	vmul.f32 $3.125000000e-02, v2;
	v2 =	vld [tilespmem:s28+$0x1D20]  }
0x1ef: {  	[tilespmem:s28+$0x1940] =	vst v1;
	v1 =	vmul.f32 $3.125000000e-02, v4;
	v4 =	vld [tilespmem:s28+$0x1D30]  }
0x1f0: {  	[tilespmem:s28+$0x1950] =	vst v0;
	v0 =	vmul.f32 $3.125000000e-02, v6;
	v6 =	vld [tilespmem:s28+$0x1D40]  }
0x1f1: {  	[tilespmem:s28+$0x1960] =	vst v1;
	v1 =	vmul.f32 $3.125000000e-02, v3;
	v3 =	vld [tilespmem:s28+$0x1D50]  }
0x1f2: {  	[tilespmem:s28+$0x1970] =	vst v0;
	v0 =	vmul.f32 $3.125000000e-02, v5;
	v5 =	vld [tilespmem:s28+$0x1D60]  }
0x1f3: {  	[tilespmem:s28+$0x1D00] =	vst v1;
	v1 =	vmul.f32 $3.125000000e-02, v2;
	v2 =	vld [tilespmem:s28+$0x1D70]  }
0x1f4: {  	[tilespmem:s28+$0x1D10] =	vst v0;
	v0 =	vmul.f32 $3.125000000e-02, v4;
	v4 =	vld [tilespmem:s28+$0x180]  }
0x1f5: {  	[tilespmem:s28+$0x1D20] =	vst v1;
	v1 =	vmul.f32 $3.125000000e-02, v6;
	v6 =	vld [tilespmem:s28+$0x190]  }
0x1f6: {  	[tilespmem:s28+$0x1D30] =	vst v0;
	v0 =	vmul.f32 $3.125000000e-02, v3;
	v3 =	vld [tilespmem:s28+$0x1A0]  }
0x1f7: {  	[tilespmem:s28+$0x1D40] =	vst v1;
	v1 =	vmul.f32 $3.125000000e-02, v5;
	v5 =	vld [tilespmem:s28+$0x1B0]  }
0x1f8: {  	[tilespmem:s28+$0x1D50] =	vst v0;
	v0 =	vmul.f32 $3.125000000e-02, v2;
	v2 =	vld [tilespmem:s28+$0x1C0]  }
0x1f9: {  	[tilespmem:s28+$0x1D60] =	vst v1;
	v1 =	vmul.f32 $3.125000000e-02, v4;
	v4 =	vld [tilespmem:s28+$0x1D0]  }
0x1fa: {  	[tilespmem:s28+$0x1D70] =	vst v0;
	v0 =	vmul.f32 $3.125000000e-02, v6;
	v6 =	vld [tilespmem:s28+$0x1E0]  }
0x1fb: {  	[tilespmem:s28+$0x180] =	vst v1;
	v1 =	vmul.f32 $3.125000000e-02, v3;
	v3 =	vld [tilespmem:s28+$0x1F0]  }
0x1fc: {  	[tilespmem:s28+$0x190] =	vst v0;
	v0 =	vmul.f32 $3.125000000e-02, v5;
	v5 =	vld [tilespmem:s28+$0x580]  }
0x1fd: {  	[tilespmem:s28+$0x1A0] =	vst v1;
	v1 =	vmul.f32 $3.125000000e-02, v2;
	v2 =	vld [tilespmem:s28+$0x590]  }
0x1fe: {  	[tilespmem:s28+$0x1B0] =	vst v0;
	v0 =	vmul.f32 $3.125000000e-02, v4;
	v4 =	vld [tilespmem:s28+$0x5A0]  }
0x1ff: {  	[tilespmem:s28+$0x1C0] =	vst v1;
	v1 =	vmul.f32 $3.125000000e-02, v6;
	v6 =	vld [tilespmem:s28+$0x5B0]  }
0x200: {  	[tilespmem:s28+$0x1D0] =	vst v0;
	v0 =	vmul.f32 $3.125000000e-02, v3;
	v3 =	vld [tilespmem:s28+$0x5C0]  }
0x201: {  	[tilespmem:s28+$0x1E0] =	vst v1;
	v1 =	vmul.f32 $3.125000000e-02, v5;
	v5 =	vld [tilespmem:s28+$0x5D0]  }
0x202: {  	[tilespmem:s28+$0x1F0] =	vst v0;
	v0 =	vmul.f32 $3.125000000e-02, v2;
	v2 =	vld [tilespmem:s28+$0x5E0]  }
0x203: {  	[tilespmem:s28+$0x580] =	vst v1;
	v1 =	vmul.f32 $3.125000000e-02, v4;
	v4 =	vld [tilespmem:s28+$0x5F0]  }
0x204: {  	[tilespmem:s28+$0x590] =	vst v0;
	v0 =	vmul.f32 $3.125000000e-02, v6;
	v6 =	vld [tilespmem:s28+$0x980]  }
0x205: {  	[tilespmem:s28+$0x5A0] =	vst v1;
	v1 =	vmul.f32 $3.125000000e-02, v3;
	v3 =	vld [tilespmem:s28+$0x990]  }
0x206: {  	[tilespmem:s28+$0x5B0] =	vst v0;
	v0 =	vmul.f32 $3.125000000e-02, v5;
	v5 =	vld [tilespmem:s28+$0x9A0]  }
0x207: {  	[tilespmem:s28+$0x5C0] =	vst v1;
	v1 =	vmul.f32 $3.125000000e-02, v2;
	v2 =	vld [tilespmem:s28+$0x9B0]  }
0x208: {  	[tilespmem:s28+$0x5D0] =	vst v0;
	v0 =	vmul.f32 $3.125000000e-02, v4;
	v4 =	vld [tilespmem:s28+$0x9C0]  }
0x209: {  	[tilespmem:s28+$0x5E0] =	vst v1;
	v1 =	vmul.f32 $3.125000000e-02, v6;
	v6 =	vld [tilespmem:s28+$0x9D0]  }
0x20a: {  	[tilespmem:s28+$0x5F0] =	vst v0;
	v0 =	vmul.f32 $3.125000000e-02, v3;
	v3 =	vld [tilespmem:s28+$0x9E0]  }
0x20b: {  	[tilespmem:s28+$0x980] =	vst v1;
	v1 =	vmul.f32 $3.125000000e-02, v5;
	v5 =	vld [tilespmem:s28+$0x9F0]  }
0x20c: {  	[tilespmem:s28+$0x990] =	vst v0;
	v0 =	vmul.f32 $3.125000000e-02, v2;
	v2 =	vld [tilespmem:s28+$0xD80]  }
0x20d: {  	[tilespmem:s28+$0x9A0] =	vst v1;
	v1 =	vmul.f32 $3.125000000e-02, v4;
	v4 =	vld [tilespmem:s28+$0xD90]  }
0x20e: {  	[tilespmem:s28+$0x9B0] =	vst v0;
	v0 =	vmul.f32 $3.125000000e-02, v6;
	v6 =	vld [tilespmem:s28+$0xDA0]  }
0x20f: {  	[tilespmem:s28+$0x9C0] =	vst v1;
	v1 =	vmul.f32 $3.125000000e-02, v3;
	v3 =	vld [tilespmem:s28+$0xDB0]  }
0x210: {  	[tilespmem:s28+$0x9D0] =	vst v0;
	v0 =	vmul.f32 $3.125000000e-02, v5;
	v5 =	vld [tilespmem:s28+$0xDC0]  }
0x211: {  	[tilespmem:s28+$0x9E0] =	vst v1;
	v1 =	vmul.f32 $3.125000000e-02, v2;
	v2 =	vld [tilespmem:s28+$0xDD0]  }
0x212: {  	[tilespmem:s28+$0x9F0] =	vst v0;
	v0 =	vmul.f32 $3.125000000e-02, v4;
	v4 =	vld [tilespmem:s28+$0xDE0]  }
0x213: {  	[tilespmem:s28+$0xD80] =	vst v1;
	v1 =	vmul.f32 $3.125000000e-02, v6;
	v6 =	vld [tilespmem:s28+$0xDF0]  }
0x214: {  	[tilespmem:s28+$0xD90] =	vst v0;
	v0 =	vmul.f32 $3.125000000e-02, v3;
	v3 =	vld [tilespmem:s28+$0x1180]  }
0x215: {  	[tilespmem:s28+$0xDA0] =	vst v1;
	v1 =	vmul.f32 $3.125000000e-02, v5;
	v5 =	vld [tilespmem:s28+$0x1190]  }
0x216: {  	[tilespmem:s28+$0xDB0] =	vst v0;
	v0 =	vmul.f32 $3.125000000e-02, v2;
	v2 =	vld [tilespmem:s28+$0x11A0]  }
0x217: {  	[tilespmem:s28+$0xDC0] =	vst v1;
	v1 =	vmul.f32 $3.125000000e-02, v4;
	v4 =	vld [tilespmem:s28+$0x11B0]  }
0x218: {  	[tilespmem:s28+$0xDD0] =	vst v0;
	v0 =	vmul.f32 $3.125000000e-02, v6;
	v6 =	vld [tilespmem:s28+$0x11C0]  }
0x219: {  	[tilespmem:s28+$0xDE0] =	vst v1;
	v1 =	vmul.f32 $3.125000000e-02, v3;
	v3 =	vld [tilespmem:s28+$0x11D0]  }
0x21a: {  	[tilespmem:s28+$0xDF0] =	vst v0;
	v0 =	vmul.f32 $3.125000000e-02, v5;
	v5 =	vld [tilespmem:s28+$0x11E0]  }
0x21b: {  	[tilespmem:s28+$0x1180] =	vst v1;
	v1 =	vmul.f32 $3.125000000e-02, v2;
	v2 =	vld [tilespmem:s28+$0x11F0]  }
0x21c: {  	[tilespmem:s28+$0x1190] =	vst v0;
	v0 =	vmul.f32 $3.125000000e-02, v4;
	v4 =	vld [tilespmem:s28+$0x1580]  }
0x21d: {  	[tilespmem:s28+$0x11A0] =	vst v1;
	v1 =	vmul.f32 $3.125000000e-02, v6;
	v6 =	vld [tilespmem:s28+$0x1590]  }
0x21e: {  	[tilespmem:s28+$0x11B0] =	vst v0;
	v0 =	vmul.f32 $3.125000000e-02, v3;
	v3 =	vld [tilespmem:s28+$0x15A0]  }
0x21f: {  	[tilespmem:s28+$0x11C0] =	vst v1;
	v1 =	vmul.f32 $3.125000000e-02, v5;
	v5 =	vld [tilespmem:s28+$0x15B0]  }
0x220: {  	[tilespmem:s28+$0x11D0] =	vst v0;
	v0 =	vmul.f32 $3.125000000e-02, v2;
	v2 =	vld [tilespmem:s28+$0x15C0]  }
0x221: {  	[tilespmem:s28+$0x11E0] =	vst v1;
	v1 =	vmul.f32 $3.125000000e-02, v4;
	v4 =	vld [tilespmem:s28+$0x15D0]  }
0x222: {  	[tilespmem:s28+$0x11F0] =	vst v0;
	v0 =	vmul.f32 $3.125000000e-02, v6;
	v6 =	vld [tilespmem:s28+$0x15E0]  }
0x223: {  	[tilespmem:s28+$0x1580] =	vst v1;
	v3 =	vmul.f32 $3.125000000e-02, v3;
	v7 =	vld [tilespmem:s28+$0x15F0]  }
.Ltmp0:
0x224: {  	[tilespmem:s28+$0x1590] =	vst v0;
	v5 =	vmul.f32 $3.125000000e-02, v5;
	v1 =	vld [tilespmem:s28+$0x1980];
	(pc) =	sbr.rel @p0 .LBB2_3-.Ltmp0, $4  }
0x225: {  	[tilespmem:s28+$0x15A0] =	vst v3;
	v3 =	vmul.f32 $3.125000000e-02, v2;
	v0 =	vld [tilespmem:s28+$0x1990]  }
0x226: {  	[tilespmem:s28+$0x15B0] =	vst v5;
	v4 =	vmul.f32 $3.125000000e-02, v4;
	v2 =	vld [tilespmem:s28+$0x19A0]  }
0x227: {  	[tilespmem:s28+$0x15C0] =	vst v3;
	v6 =	vmul.f32 $3.125000000e-02, v6;
	v3 =	vld [tilespmem:s28+$0x19B0]  }
0x228: {  	s31 =	sadd.s32 $0x1000, s31;
	[tilespmem:s28+$0x15D0] =	vst v4;
	v5 =	vmul.f32 $3.125000000e-02, v7;
	v4 =	vld [tilespmem:s28+$0x19C0]  }
0x229: {  	[tilespmem:s28+$0x15E0] =	vst v6;
	v43 =	vld [tilespmem:s28+$0x19D0];
	v1 =	vmul.f32 $3.125000000e-02, v1  }
0x22a: {  	v44 =	vld [tilespmem:s28+$0x19E0];
	[tilespmem:s28+$0x15F0] =	vst v5;
	v0 =	vmul.f32 $3.125000000e-02, v0  }
0x22b: {  	v46 =	vld [tilespmem:s28+$0x19F0];
	[tilespmem:s28+$0x1980] =	vst v1;
	v45 =	vmul.f32 $3.125000000e-02, v2  }
0x22c: {  	v52 =	vld [tilespmem:s28+$0x1D80];
	[tilespmem:s28+$0x1990] =	vst v0;
	v47 =	vmul.f32 $3.125000000e-02, v3  }
0x22d: {  	v53 =	vld [tilespmem:s28+$0x1D90];
	[tilespmem:s28+$0x19A0] =	vst v45;
	v48 =	vmul.f32 $3.125000000e-02, v4  }
0x22e: {  	v54 =	vld [tilespmem:s28+$0x1DA0];
	[tilespmem:s28+$0x19B0] =	vst v47;
	v49 =	vmul.f32 $3.125000000e-02, v43  }
0x22f: {  	v55 =	vld [tilespmem:s28+$0x1DB0];
	v50 =	vmul.f32 $3.125000000e-02, v44;
	[tilespmem:s28+$0x19C0] =	vst v48  }
0x230: {  	v56 =	vld [tilespmem:s28+$0x1DC0];
	v51 =	vmul.f32 $3.125000000e-02, v46;
	[tilespmem:s28+$0x19D0] =	vst v49  }
0x231: {  	v57 =	vld [tilespmem:s28+$0x1DD0];
	v0 =	vmul.f32 $3.125000000e-02, v52;
	[tilespmem:s28+$0x19E0] =	vst v50  }
0x232: {  	v58 =	vld [tilespmem:s28+$0x1DE0];
	v1 =	vmul.f32 $3.125000000e-02, v53;
	[tilespmem:s28+$0x19F0] =	vst v51  }
0x233: {  	v59 =	vmul.f32 $3.125000000e-02, v54;
	[tilespmem:s28+$0x1D80] =	vst v0  }
0x234: {  	s0 =	sshll.u32 s24, $0xB;
	s24 =	sadd.s32 $0x1, s24;
	v60 =	vmul.f32 $3.125000000e-02, v55;
	[tilespmem:s28+$0x1D90] =	vst v1  }
0x235: {  	p0 =	sne.s32 s24, $0x10;
	v61 =	vmul.f32 $3.125000000e-02, v56;
	[tilespmem:s28+$0x1DA0] =	vst v59  }
.Ltmp1:
0x236: {  	v62 =	vmul.f32 $3.125000000e-02, v57;
	[tilespmem:s28+$0x1DB0] =	vst v60;
	(pc) =	sbr.rel @p0 .LBB2_2-.Ltmp1, $4  }
0x237: {  	v63 =	vmul.f32 $3.125000000e-02, v58;
	[tilespmem:s28+$0x1DC0] =	vst v61  }
0x238: {  	[tilespmem:s28+$0x1DD0] =	vst v62  }
0x239: {  	s1 =	sadd.s32 $0x8, s25;
	s0 =	sadd.s32 s0, s9;
	[tilespmem:s28+$0x1DE0] =	vst v63  }
0x23a: {  	[hbm4b:s0+s2] =	stream.linear.scatter [tilespmem:s26], [sflag:s1], $0x4000, $0x38;
	[tilespmem:$0x1C000] =	vst v63  }
0x23b: {  	_ =	swait.ge [sflag:s16], $0x4000  }
0x23c: {  	[sflag:s16] =	ssyncset.done $0x0  }
0x23d: {  	[sflag:s16] =	ssyncadd.s32 $0xFFFFC000  }
0x23e: {  	_ =	swait.ge [sflag:s17], $0x4000  }
0x23f: {  	[sflag:s17] =	ssyncset.done $0x0  }
0x240: {  	[sflag:s17] =	ssyncadd.s32 $0xFFFFC000  }
0x241: {  	_ =	swait.ge [sflag:s18], $0x4000  }
0x242: {  	[sflag:s18] =	ssyncset.done $0x0  }
0x243: {  	[sflag:s18] =	ssyncadd.s32 $0xFFFFC000  }
0x244: {  	_ =	swait.ge [sflag:s19], $0x4000  }
0x245: {  	[sflag:s19] =	ssyncset.done $0x0  }
0x246: {  	[sflag:s19] =	ssyncadd.s32 $0xFFFFC000  }
0x247: {  	_ =	swait.ge [sflag:s20], $0x4000  }
0x248: {  	[sflag:s20] =	ssyncset.done $0x0  }
0x249: {  	s23 =	sadd.s32 $0x1, s23;
	[sflag:s20] =	ssyncadd.s32 $0xFFFFC000  }
0x24a: {  	p0 =	sne.s32 s23, s10;
	_ =	swait.ge [sflag:s21], $0x4000  }
.Ltmp2:
0x24b: {  	[sflag:s21] =	ssyncset.done $0x0;
	(pc) =	sbr.rel @p0 .LBB2_1-.Ltmp2, $4  }
0x24c: {  	[sflag:s21] =	ssyncadd.s32 $0xFFFFC000  }
0x24d: {  	_ =	swait.ge [sflag:s22], $0x4000  }
0x24e: {  	[sflag:s22] =	ssyncset.done $0x0  }
0x24f: {  	[sflag:s22] =	ssyncadd.s32 $0xFFFFC000  }
0x250: {  	_ =	sfence.sel $0x180000  }
0x251: {  	[bflag:$0x0] =	sbarrier.arrive $0xFFFF  }
0x252: {  	_ =	strace $0x90000047  }
0x253: {  	s0 =	stileid.u32;
	[bflag:$0x2] =	sbarrier.arrive $0xFFFF  }
0x254: {  	p0 =	sne.s32 s0, $0x0;
	s0 =	rddreg [dreg:$0x2]  }
0x255: {  	s0 =	sadd.s32 @!p0 $0x100000, s0  }
0x256: {  	[sflag:s0] =	ssyncadd.tile.s32 @!p0 $0x1;
	_ =	shalt  }
.Lfunc_end2:
_tile_overlayer_lowered:
.L_overlay_start_2:
0x257: {  	(tag) =	ssettag $0x2  }
0x258: {  	s0 =	rddreg [dreg:$0x0];
	s2 =	stileid.u32  }
0x259: {  	s1 =	rddreg [dreg:$0x1];
	p0 =	sne.s32 s2, $0x0  }
0x25a: {  	s3 =	rddreg [dreg:$0x2];
	[bflag:$0x3] =	sbarrier.arrive $0xFFFF;
	s2 =	simm.s32 @!p0 $0x1C0F  }
0x25b: {  	[timem:s3], [sflag:s2] =	dma.local @!p0 [hbm:s0], s1  }
0x25c: {  	s0 =	simm.s32 @!p0 $0xF  }
0x25d: {  	_ =	swait.ge @!p0 [sflag:s0], s1  }
0x25e: {  	s1 =	ssub.s32 @!p0 $0x0, s1;
	[sflag:s0] =	ssyncset.done @!p0 $0x0  }
0x25f: {  	[sflag:s0] =	ssyncadd.s32 @!p0 s1  }
0x260: {  	[bflag:$0x3] =	sbarrier.arrive $0xFFFF  }
0x261: {  	_ =	shalt  }

</sc_bundles>
